<compile_context>
chip_gen: v7x
topology: tpu7x:2x2x1
jax: 0.10.2.dev20260603
libtpu: 0.0.44.dev20260713+nightly
codegen_flags: <defaults>
</compile_context>

<pallas_src>
import functools

import jax
import jax.numpy as jnp
from jax import lax
from jax.experimental import pallas as pl
from jax.experimental.pallas import tpu as pltpu
from jax.experimental.pallas import tpu_sc as plsc

MAX_V = 10000
EMB = 128
NCLS = 2
MAXLEN = 200
BT = 128
SUB = 8


def _tc_body(emb_ref, w_ref, b_ref, table_ref):
    t = lax.dot_general(
        emb_ref[...], w_ref[...],
        (((1,), (1,)), ((), ())),
        preferred_element_type=jnp.float32,
        precision=lax.Precision.HIGHEST,
    )
    table_ref[...] = t + b_ref[...]


def _tc_stage(emb, W, b):
    return pl.pallas_call(
        _tc_body,
        out_shape=jax.ShapeDtypeStruct((MAX_V, NCLS), jnp.float32),
    )(emb, W, b.reshape(1, NCLS))


def _make_gather(rows, NC):
    n_bt = rows // BT
    n_lt = MAXLEN // SUB
    NW = NC * 16
    bt_per_w = n_bt // NW
    mesh = plsc.VectorSubcoreMesh(core_axis_name="c", subcore_axis_name="s")

    @functools.partial(
        pl.kernel,
        mesh=mesh,
        compiler_params=pltpu.CompilerParams(needs_layout_passes=False),
        out_type=jax.ShapeDtypeStruct((MAXLEN, n_bt * NCLS * BT), jnp.float32),
        scratch_types=[
            pltpu.VMEM((8000,), jnp.float32),
            pltpu.VMEM((MAX_V,), jnp.int32),
            pltpu.VMEM((2, n_lt, SUB, BT), jnp.int32),
            pltpu.VMEM((MAXLEN, NCLS * BT), jnp.float32),
            pltpu.SemaphoreType.DMA,
            pltpu.SemaphoreType.DMA,
            pltpu.SemaphoreType.DMA,
        ],
    )
    def gather_kernel(tf_hbm, xq_hbm, out_hbm, stage_v, tp_v, idx_v,
                      out_v, sem_a, sem_b, sem_i):
        wid = lax.axis_index("s") * NC + lax.axis_index("c")
        lane = lax.iota(jnp.int32, 16)
        lane2 = lane * 2

        def idx_copy(k, p):
            bt = wid * bt_per_w + k
            return pltpu.make_async_copy(
                xq_hbm.at[:, bt, :, :], idx_v.at[p], sem_i)

        idx_copy(0, 0).start()

        for c0, csz in ((0, 8000), (8000, 8000), (16000, 4000)):
            pltpu.sync_copy(tf_hbm.at[pl.ds(c0, csz)],
                            stage_v.at[pl.ds(0, csz)])

            @plsc.parallel_loop(0, csz // 32, unroll=5)
            def _(j):
                pos = lane2 + j * 32
                g0 = plsc.load_gather(stage_v, [pos])
                g1 = plsc.load_gather(stage_v, [pos + 1])
                packed = plsc.pack(
                    g0, g1, format=plsc.PackFormat.INTERLEAVED)
                tp_v[pl.ds(c0 // 2 + j * 16, 16)] = plsc.bitcast(
                    packed, jnp.int32)

        HALF = 104

        def half_copy(bt, h, sem):
            lo, n = (0, HALF) if h == 0 else (HALF, MAXLEN - HALF)
            src = out_v.at[pl.ds(lo, n), :]
            dst = out_hbm.at[pl.ds(lo, n),
                             pl.ds(bt * (NCLS * BT), NCLS * BT)]
            return pltpu.make_async_copy(src, dst, sem)

        def half_compute(p, lo, hi):
            @plsc.parallel_loop(lo, hi, unroll=2)
            def _(ll):
                lt = ll // SUB
                sl = ll % SUB
                for bb0 in range(8):
                    idx16 = idx_v[p, lt, sl, pl.ds(bb0 * 16, 16)]
                    g = plsc.load_gather(tp_v, [idx16])
                    gb = plsc.bitcast(g, jnp.bfloat16)
                    v0, v1 = plsc.unpack(
                        gb, format=plsc.PackFormat.INTERLEAVED)
                    out_v[ll, pl.ds(bb0 * 16, 16)] = v0
                    out_v[ll, pl.ds(BT + bb0 * 16, 16)] = v1

        def chunk_body(k, _):
            bt = wid * bt_per_w + k
            p = k & 1
            idx_copy(k, p).wait()

            @pl.when(k + 1 < bt_per_w)
            def _():
                idx_copy(k + 1, 1 - p).start()

            @pl.when(k > 0)
            def _():
                half_copy(bt, 0, sem_a).wait()

            half_compute(p, 0, HALF)
            half_copy(bt, 0, sem_a).start()

            @pl.when(k > 0)
            def _():
                half_copy(bt, 1, sem_b).wait()

            half_compute(p, HALF, MAXLEN)
            half_copy(bt, 1, sem_b).start()
            return _

        lax.fori_loop(0, bt_per_w, chunk_body, None)
        last = wid * bt_per_w + bt_per_w - 1
        half_copy(last, 0, sem_a).wait()
        half_copy(last, 1, sem_b).wait()

    return gather_kernel


def kernel(x, emb, W, b):
    bs, maxlen = x.shape
    info = plsc.get_sparse_core_info()
    NC = info.num_cores

    if x.dtype != jnp.int32:
        x = x.astype(jnp.int32)
    xq = (x.T.reshape(maxlen // SUB, SUB, bs // BT, BT)
          .transpose(0, 2, 1, 3))

    table = _tc_stage(emb, W, b)
    tf = table.reshape(-1)
    out2 = _make_gather(bs, NC)(tf, xq)
    return (out2.reshape(MAXLEN, bs // BT, NCLS, BT)
            .transpose(1, 3, 0, 2).reshape(bs, maxlen, NCLS))

# --- scband reference (transcript-rebuilt; emitter-appended) ---
"""Pipeline reference for scband-lstm-25812753449674 (READ-ONLY COPY).

The authoritative reference and input builder live on the scoring server;
editing this copy changes nothing except your own understanding.
"""

import jax, jax.numpy as jnp
import numpy as np

MAX_WORDS = 10000
EMB_SIZE = 128
NUM_CLASSES = 2

def setup_inputs(seed: int = 0) -> dict:
    key = jax.random.key(seed)
    k1, k2, k3, k4 = jax.random.split(key, 4)
    x = jax.random.randint(k1, (16384, 200), 0, MAX_WORDS, dtype=jnp.int64 if jax.config.jax_enable_x64 else jnp.int32)
    emb = jax.random.normal(k2, (MAX_WORDS, EMB_SIZE), dtype=jnp.float32)
    # fc2: Linear(emb_size, 2) -> W: [2, emb_size], b: [2]
    W = jax.random.normal(k3, (NUM_CLASSES, EMB_SIZE), dtype=jnp.float32) * (1.0 / np.sqrt(EMB_SIZE))
    b = jax.random.normal(k4, (NUM_CLASSES,), dtype=jnp.float32) * 0.01
    return {"x": x, "emb": emb, "W": W, "b": b}

def reference(x, emb, W, b):
    # Embedding lookup: [bs, maxlen] -> [bs, maxlen, emb_size]
    e = jnp.take(emb, x, axis=0)
    # fc2: [bs, maxlen, emb_size] -> [bs, maxlen, 2]
    out = jnp.einsum('bld,cd->blc', e, W) + b
    return out

if __name__ == "__main__":
    import jax
    _d = setup_inputs()
    print(jax.jit(kernel)(*tuple(_d.values())))

</pallas_src>

<mosaic_0001>
#map = affine_map<(d0, d1) -> (0)>
#map1 = affine_map<(d0, d1) -> (0, 0, 0, 0)>
#map2 = affine_map<(d0, d1) -> (0, 0)>
module attributes {stable_mosaic.version = 14 : i64} {
  func.func @gather_kernel(%arg0: i32, %arg1: i32, %arg2: memref<20000xf32, #tpu.memory_space<hbm>>, %arg3: memref<25x128x8x128xi32, #tpu.memory_space<hbm>>, %arg4: memref<200x32768xf32, #tpu.memory_space<hbm>>, %arg5: memref<8000xf32, #tpu.memory_space<vmem>>, %arg6: memref<10000xi32, #tpu.memory_space<vmem>>, %arg7: memref<2x25x8x128xi32, #tpu.memory_space<vmem>>, %arg8: memref<200x256xf32, #tpu.memory_space<vmem>>, %arg9: memref<!tpu.dma_semaphore, #tpu.memory_space<semaphore_mem>>, %arg10: memref<!tpu.dma_semaphore, #tpu.memory_space<semaphore_mem>>, %arg11: memref<!tpu.dma_semaphore, #tpu.memory_space<semaphore_mem>>) attributes {dimension_semantics = [#tpu.dimension_semantics<core_parallel>, #tpu.dimension_semantics<subcore_parallel>], iteration_bounds = array<i64: 2, 16>, scalar_prefetch = 0 : i64, scratch_operands = 7 : i64, tpu.core_type = #tpu.core_type<sc_vector_subcore>, window_params = [{transform_indices = #map}, {transform_indices = #map1}, {transform_indices = #map2}]} {
    %mul3A = arith.constant 2 : i32
    %mul3A_0 = arith.muli %arg1, %mul3A : i32
    %add3A = arith.addi %mul3A_0, %arg0 : i32
    %iota3A = tpu.iota {dimensions = array<i32: 0>} : vector<16xi32>
    %mul3A_1 = arith.constant 2 : i32
    %mul3A_2 = vector.broadcast %mul3A_1 : i32 to vector<16xi32>
    %mul3A_3 = arith.muli %iota3A, %mul3A_2 : vector<16xi32>
    %mul3A_4 = arith.constant 4 : i32
    %mul3A_5 = arith.muli %add3A, %mul3A_4 : i32
    %add3A_6 = arith.constant 0 : i32
    %add3A_7 = arith.addi %mul3A_5, %add3A_6 : i32
    %dma_start3A = arith.constant 0 : i32
    %dma_start3A_8 = arith.constant 0 : i32
    %dma_start3A_9 = arith.constant 0 : i32
    %dma_start3A_10 = arith.constant 0 : i32
    %dma_start3A_11 = tpu.memref_slice %arg7[%dma_start3A, %dma_start3A_8, %dma_start3A_9, %dma_start3A_10] : memref<2x25x8x128xi32, #tpu.memory_space<vmem>> -> memref<1x25x8x128xi32, #tpu.memory_space<vmem>>
    %dma_start3A_12 = tpu.memref_squeeze %dma_start3A_11 : memref<1x25x8x128xi32, #tpu.memory_space<vmem>> -> memref<25x8x128xi32, #tpu.memory_space<vmem>>
    %dma_start3A_13 = arith.constant 0 : i32
    %dma_start3A_14 = arith.constant 0 : i32
    %dma_start3A_15 = arith.constant 0 : i32
    %dma_start3A_16 = tpu.memref_slice %arg3[%dma_start3A_13, %add3A_7, %dma_start3A_14, %dma_start3A_15] : memref<25x128x8x128xi32, #tpu.memory_space<hbm>> -> memref<25x1x8x128xi32, #tpu.memory_space<hbm>>
    %dma_start3A_17 = tpu.memref_squeeze %dma_start3A_16 : memref<25x1x8x128xi32, #tpu.memory_space<hbm>> -> memref<25x8x128xi32, #tpu.memory_space<hbm>>
    %dma_start3A_18 = arith.constant 0 : i32
    %dma_start3A_19 = arith.constant 0 : i32
    %dma_start3A_20 = arith.constant 0 : i32
    %dma_start3A_21 = tpu.memref_slice %arg7[%dma_start3A, %dma_start3A_18, %dma_start3A_19, %dma_start3A_20] : memref<2x25x8x128xi32, #tpu.memory_space<vmem>> -> memref<1x25x8x128xi32, #tpu.memory_space<vmem>>
    %dma_start3A_22 = tpu.memref_squeeze %dma_start3A_21 : memref<1x25x8x128xi32, #tpu.memory_space<vmem>> -> memref<25x8x128xi32, #tpu.memory_space<vmem>>
    %dma_start3A_23 = arith.constant 0 : i32
    %dma_start3A_24 = arith.constant 0 : i32
    %dma_start3A_25 = arith.constant 0 : i32
    %dma_start3A_26 = tpu.memref_slice %arg3[%dma_start3A_23, %add3A_7, %dma_start3A_24, %dma_start3A_25] : memref<25x128x8x128xi32, #tpu.memory_space<hbm>> -> memref<25x1x8x128xi32, #tpu.memory_space<hbm>>
    %dma_start3A_27 = tpu.memref_squeeze %dma_start3A_26 : memref<25x1x8x128xi32, #tpu.memory_space<hbm>> -> memref<25x8x128xi32, #tpu.memory_space<hbm>>
    tpu.enqueue_dma source(%dma_start3A_27 : memref<25x8x128xi32, #tpu.memory_space<hbm>>) target(%dma_start3A_22 : memref<25x8x128xi32, #tpu.memory_space<vmem>>) target_semaphore(%arg11 : memref<!tpu.dma_semaphore, #tpu.memory_space<semaphore_mem>>)
    "tpu.region"() ({
      %run_scoped3A = tpu.sem_alloc : memref<!tpu.dma_semaphore, #tpu.memory_space<semaphore_mem>>
      %dma_start3A_68 = arith.constant 0 : i32
      %dma_start3A_69 = tpu.memref_slice %arg5[%dma_start3A_68] : memref<8000xf32, #tpu.memory_space<vmem>> -> memref<8000xf32, #tpu.memory_space<vmem>>
      %dma_start3A_70 = arith.constant 0 : i32
      %dma_start3A_71 = tpu.memref_slice %arg2[%dma_start3A_70] : memref<20000xf32, #tpu.memory_space<hbm>> -> memref<8000xf32, #tpu.memory_space<hbm>>
      %dma_start3A_72 = arith.constant 0 : i32
      %dma_start3A_73 = tpu.memref_slice %arg5[%dma_start3A_72] : memref<8000xf32, #tpu.memory_space<vmem>> -> memref<8000xf32, #tpu.memory_space<vmem>>
      %dma_start3A_74 = arith.constant 0 : i32
      %dma_start3A_75 = tpu.memref_slice %arg2[%dma_start3A_74] : memref<20000xf32, #tpu.memory_space<hbm>> -> memref<8000xf32, #tpu.memory_space<hbm>>
      tpu.enqueue_dma source(%dma_start3A_75 : memref<8000xf32, #tpu.memory_space<hbm>>) target(%dma_start3A_73 : memref<8000xf32, #tpu.memory_space<vmem>>) target_semaphore(%run_scoped3A : memref<!tpu.dma_semaphore, #tpu.memory_space<semaphore_mem>>)
      %dma_wait3A_76 = arith.constant 0 : i32
      %dma_wait3A_77 = tpu.memref_slice %arg5[%dma_wait3A_76] : memref<8000xf32, #tpu.memory_space<vmem>> -> memref<8000xf32, #tpu.memory_space<vmem>>
      %dma_wait3A_78 = arith.constant 0 : i32
      %dma_wait3A_79 = tpu.memref_slice %arg2[%dma_wait3A_78] : memref<20000xf32, #tpu.memory_space<hbm>> -> memref<8000xf32, #tpu.memory_space<hbm>>
      %dma_wait3A_80 = arith.constant 0 : i32
      %dma_wait3A_81 = tpu.memref_slice %arg5[%dma_wait3A_80] : memref<8000xf32, #tpu.memory_space<vmem>> -> memref<8000xf32, #tpu.memory_space<vmem>>
      %dma_wait3A_82 = arith.constant 0 : i32
      %dma_wait3A_83 = tpu.memref_slice %arg2[%dma_wait3A_82] : memref<20000xf32, #tpu.memory_space<hbm>> -> memref<8000xf32, #tpu.memory_space<hbm>>
      tpu.wait_dma2 semaphore(%run_scoped3A : memref<!tpu.dma_semaphore, #tpu.memory_space<semaphore_mem>>) src(%dma_wait3A_83 : memref<8000xf32, #tpu.memory_space<hbm>>) dst(%dma_wait3A_81 : memref<8000xf32, #tpu.memory_space<vmem>>)
      tpu.yield
    }) : () -> ()
    %parallel_loop3A = arith.constant 0 : i32
    %parallel_loop3A_28 = arith.constant 250 : i32
    %parallel_loop3A_29 = arith.constant 1 : i32
    scf.for %parallel_loop3A_68 = %parallel_loop3A to %parallel_loop3A_28 step %parallel_loop3A_29  : i32 {
      %parallel_loop3A_69 = arith.constant 32 : i32
      %parallel_loop3A_70 = arith.muli %parallel_loop3A_68, %parallel_loop3A_69 : i32
      %parallel_loop3A_71 = vector.broadcast %parallel_loop3A_70 : i32 to vector<16xi32>
      %parallel_loop3A_72 = arith.addi %mul3A_3, %parallel_loop3A_71 : vector<16xi32>
      %parallel_loop3A_73 = tpu.vector_load_idx %arg5[%parallel_loop3A_72] : memref<8000xf32, #tpu.memory_space<vmem>>[vector<16xi32>], vector<16xf32>,
      %parallel_loop3A_74 = arith.constant 1 : i32
      %parallel_loop3A_75 = vector.broadcast %parallel_loop3A_74 : i32 to vector<16xi32>
      %parallel_loop3A_76 = arith.addi %parallel_loop3A_72, %parallel_loop3A_75 : vector<16xi32>
      %parallel_loop3A_77 = tpu.vector_load_idx %arg5[%parallel_loop3A_76] : memref<8000xf32, #tpu.memory_space<vmem>>[vector<16xi32>], vector<16xf32>,
      %parallel_loop3A_78 = tpu.pack_subelements %parallel_loop3A_73, %parallel_loop3A_77 {pack_format = #tpu.pack_format<interleaved>, positions = array<i32: 0, 1>} : vector<16xf32>, vector<16xf32> -> vector<32xbf16>
      %parallel_loop3A_79 = vector.bitcast %parallel_loop3A_78 : vector<32xbf16> to vector<16xi32>
      %parallel_loop3A_80 = arith.constant 16 : i32
      %parallel_loop3A_81 = arith.muli %parallel_loop3A_68, %parallel_loop3A_80 : i32
      %parallel_loop3A_82 = arith.constant 0 : i32
      %parallel_loop3A_83 = arith.addi %parallel_loop3A_82, %parallel_loop3A_81 : i32
      %parallel_loop3A_84 = arith.index_cast %parallel_loop3A_83 : i32 to index
      %parallel_loop3A_85 = tpu.vector_load %arg6[%parallel_loop3A_84] {strides = array<i32>} : memref<10000xi32, #tpu.memory_space<vmem>>, vector<16xi32>,
      tpu.vector_store %arg6[%parallel_loop3A_84], %parallel_loop3A_79 {strides = array<i32>} : memref<10000xi32, #tpu.memory_space<vmem>>, vector<16xi32>,
    } {sc.loop_unroll_factor = 5 : i64, sc.parallel_access}
    "tpu.region"() ({
      %run_scoped3A = tpu.sem_alloc : memref<!tpu.dma_semaphore, #tpu.memory_space<semaphore_mem>>
      %dma_start3A_68 = arith.constant 0 : i32
      %dma_start3A_69 = tpu.memref_slice %arg5[%dma_start3A_68] : memref<8000xf32, #tpu.memory_space<vmem>> -> memref<8000xf32, #tpu.memory_space<vmem>>
      %dma_start3A_70 = arith.constant 8000 : i32
      %dma_start3A_71 = tpu.memref_slice %arg2[%dma_start3A_70] : memref<20000xf32, #tpu.memory_space<hbm>> -> memref<8000xf32, #tpu.memory_space<hbm>>
      %dma_start3A_72 = arith.constant 0 : i32
      %dma_start3A_73 = tpu.memref_slice %arg5[%dma_start3A_72] : memref<8000xf32, #tpu.memory_space<vmem>> -> memref<8000xf32, #tpu.memory_space<vmem>>
      %dma_start3A_74 = arith.constant 8000 : i32
      %dma_start3A_75 = tpu.memref_slice %arg2[%dma_start3A_74] : memref<20000xf32, #tpu.memory_space<hbm>> -> memref<8000xf32, #tpu.memory_space<hbm>>
      tpu.enqueue_dma source(%dma_start3A_75 : memref<8000xf32, #tpu.memory_space<hbm>>) target(%dma_start3A_73 : memref<8000xf32, #tpu.memory_space<vmem>>) target_semaphore(%run_scoped3A : memref<!tpu.dma_semaphore, #tpu.memory_space<semaphore_mem>>)
      %dma_wait3A_76 = arith.constant 0 : i32
      %dma_wait3A_77 = tpu.memref_slice %arg5[%dma_wait3A_76] : memref<8000xf32, #tpu.memory_space<vmem>> -> memref<8000xf32, #tpu.memory_space<vmem>>
      %dma_wait3A_78 = arith.constant 8000 : i32
      %dma_wait3A_79 = tpu.memref_slice %arg2[%dma_wait3A_78] : memref<20000xf32, #tpu.memory_space<hbm>> -> memref<8000xf32, #tpu.memory_space<hbm>>
      %dma_wait3A_80 = arith.constant 0 : i32
      %dma_wait3A_81 = tpu.memref_slice %arg5[%dma_wait3A_80] : memref<8000xf32, #tpu.memory_space<vmem>> -> memref<8000xf32, #tpu.memory_space<vmem>>
      %dma_wait3A_82 = arith.constant 8000 : i32
      %dma_wait3A_83 = tpu.memref_slice %arg2[%dma_wait3A_82] : memref<20000xf32, #tpu.memory_space<hbm>> -> memref<8000xf32, #tpu.memory_space<hbm>>
      tpu.wait_dma2 semaphore(%run_scoped3A : memref<!tpu.dma_semaphore, #tpu.memory_space<semaphore_mem>>) src(%dma_wait3A_83 : memref<8000xf32, #tpu.memory_space<hbm>>) dst(%dma_wait3A_81 : memref<8000xf32, #tpu.memory_space<vmem>>)
      tpu.yield
    }) : () -> ()
    %parallel_loop3A_30 = arith.constant 0 : i32
    %parallel_loop3A_31 = arith.constant 250 : i32
    %parallel_loop3A_32 = arith.constant 1 : i32
    scf.for %parallel_loop3A_68 = %parallel_loop3A_30 to %parallel_loop3A_31 step %parallel_loop3A_32  : i32 {
      %parallel_loop3A_69 = arith.constant 32 : i32
      %parallel_loop3A_70 = arith.muli %parallel_loop3A_68, %parallel_loop3A_69 : i32
      %parallel_loop3A_71 = vector.broadcast %parallel_loop3A_70 : i32 to vector<16xi32>
      %parallel_loop3A_72 = arith.addi %mul3A_3, %parallel_loop3A_71 : vector<16xi32>
      %parallel_loop3A_73 = tpu.vector_load_idx %arg5[%parallel_loop3A_72] : memref<8000xf32, #tpu.memory_space<vmem>>[vector<16xi32>], vector<16xf32>,
      %parallel_loop3A_74 = arith.constant 1 : i32
      %parallel_loop3A_75 = vector.broadcast %parallel_loop3A_74 : i32 to vector<16xi32>
      %parallel_loop3A_76 = arith.addi %parallel_loop3A_72, %parallel_loop3A_75 : vector<16xi32>
      %parallel_loop3A_77 = tpu.vector_load_idx %arg5[%parallel_loop3A_76] : memref<8000xf32, #tpu.memory_space<vmem>>[vector<16xi32>], vector<16xf32>,
      %parallel_loop3A_78 = tpu.pack_subelements %parallel_loop3A_73, %parallel_loop3A_77 {pack_format = #tpu.pack_format<interleaved>, positions = array<i32: 0, 1>} : vector<16xf32>, vector<16xf32> -> vector<32xbf16>
      %parallel_loop3A_79 = vector.bitcast %parallel_loop3A_78 : vector<32xbf16> to vector<16xi32>
      %parallel_loop3A_80 = arith.constant 16 : i32
      %parallel_loop3A_81 = arith.muli %parallel_loop3A_68, %parallel_loop3A_80 : i32
      %parallel_loop3A_82 = arith.constant 4000 : i32
      %parallel_loop3A_83 = arith.addi %parallel_loop3A_82, %parallel_loop3A_81 : i32
      %parallel_loop3A_84 = arith.index_cast %parallel_loop3A_83 : i32 to index
      %parallel_loop3A_85 = tpu.vector_load %arg6[%parallel_loop3A_84] {strides = array<i32>} : memref<10000xi32, #tpu.memory_space<vmem>>, vector<16xi32>,
      tpu.vector_store %arg6[%parallel_loop3A_84], %parallel_loop3A_79 {strides = array<i32>} : memref<10000xi32, #tpu.memory_space<vmem>>, vector<16xi32>,
    } {sc.loop_unroll_factor = 5 : i64, sc.parallel_access}
    "tpu.region"() ({
      %run_scoped3A = tpu.sem_alloc : memref<!tpu.dma_semaphore, #tpu.memory_space<semaphore_mem>>
      %dma_start3A_68 = arith.constant 0 : i32
      %dma_start3A_69 = tpu.memref_slice %arg5[%dma_start3A_68] : memref<8000xf32, #tpu.memory_space<vmem>> -> memref<4000xf32, #tpu.memory_space<vmem>>
      %dma_start3A_70 = arith.constant 16000 : i32
      %dma_start3A_71 = tpu.memref_slice %arg2[%dma_start3A_70] : memref<20000xf32, #tpu.memory_space<hbm>> -> memref<4000xf32, #tpu.memory_space<hbm>>
      %dma_start3A_72 = arith.constant 0 : i32
      %dma_start3A_73 = tpu.memref_slice %arg5[%dma_start3A_72] : memref<8000xf32, #tpu.memory_space<vmem>> -> memref<4000xf32, #tpu.memory_space<vmem>>
      %dma_start3A_74 = arith.constant 16000 : i32
      %dma_start3A_75 = tpu.memref_slice %arg2[%dma_start3A_74] : memref<20000xf32, #tpu.memory_space<hbm>> -> memref<4000xf32, #tpu.memory_space<hbm>>
      tpu.enqueue_dma source(%dma_start3A_75 : memref<4000xf32, #tpu.memory_space<hbm>>) target(%dma_start3A_73 : memref<4000xf32, #tpu.memory_space<vmem>>) target_semaphore(%run_scoped3A : memref<!tpu.dma_semaphore, #tpu.memory_space<semaphore_mem>>)
      %dma_wait3A_76 = arith.constant 0 : i32
      %dma_wait3A_77 = tpu.memref_slice %arg5[%dma_wait3A_76] : memref<8000xf32, #tpu.memory_space<vmem>> -> memref<4000xf32, #tpu.memory_space<vmem>>
      %dma_wait3A_78 = arith.constant 16000 : i32
      %dma_wait3A_79 = tpu.memref_slice %arg2[%dma_wait3A_78] : memref<20000xf32, #tpu.memory_space<hbm>> -> memref<4000xf32, #tpu.memory_space<hbm>>
      %dma_wait3A_80 = arith.constant 0 : i32
      %dma_wait3A_81 = tpu.memref_slice %arg5[%dma_wait3A_80] : memref<8000xf32, #tpu.memory_space<vmem>> -> memref<4000xf32, #tpu.memory_space<vmem>>
      %dma_wait3A_82 = arith.constant 16000 : i32
      %dma_wait3A_83 = tpu.memref_slice %arg2[%dma_wait3A_82] : memref<20000xf32, #tpu.memory_space<hbm>> -> memref<4000xf32, #tpu.memory_space<hbm>>
      tpu.wait_dma2 semaphore(%run_scoped3A : memref<!tpu.dma_semaphore, #tpu.memory_space<semaphore_mem>>) src(%dma_wait3A_83 : memref<4000xf32, #tpu.memory_space<hbm>>) dst(%dma_wait3A_81 : memref<4000xf32, #tpu.memory_space<vmem>>)
      tpu.yield
    }) : () -> ()
    %parallel_loop3A_33 = arith.constant 0 : i32
    %parallel_loop3A_34 = arith.constant 125 : i32
    %parallel_loop3A_35 = arith.constant 1 : i32
    scf.for %parallel_loop3A_68 = %parallel_loop3A_33 to %parallel_loop3A_34 step %parallel_loop3A_35  : i32 {
      %parallel_loop3A_69 = arith.constant 32 : i32
      %parallel_loop3A_70 = arith.muli %parallel_loop3A_68, %parallel_loop3A_69 : i32
      %parallel_loop3A_71 = vector.broadcast %parallel_loop3A_70 : i32 to vector<16xi32>
      %parallel_loop3A_72 = arith.addi %mul3A_3, %parallel_loop3A_71 : vector<16xi32>
      %parallel_loop3A_73 = tpu.vector_load_idx %arg5[%parallel_loop3A_72] : memref<8000xf32, #tpu.memory_space<vmem>>[vector<16xi32>], vector<16xf32>,
      %parallel_loop3A_74 = arith.constant 1 : i32
      %parallel_loop3A_75 = vector.broadcast %parallel_loop3A_74 : i32 to vector<16xi32>
      %parallel_loop3A_76 = arith.addi %parallel_loop3A_72, %parallel_loop3A_75 : vector<16xi32>
      %parallel_loop3A_77 = tpu.vector_load_idx %arg5[%parallel_loop3A_76] : memref<8000xf32, #tpu.memory_space<vmem>>[vector<16xi32>], vector<16xf32>,
      %parallel_loop3A_78 = tpu.pack_subelements %parallel_loop3A_73, %parallel_loop3A_77 {pack_format = #tpu.pack_format<interleaved>, positions = array<i32: 0, 1>} : vector<16xf32>, vector<16xf32> -> vector<32xbf16>
      %parallel_loop3A_79 = vector.bitcast %parallel_loop3A_78 : vector<32xbf16> to vector<16xi32>
      %parallel_loop3A_80 = arith.constant 16 : i32
      %parallel_loop3A_81 = arith.muli %parallel_loop3A_68, %parallel_loop3A_80 : i32
      %parallel_loop3A_82 = arith.constant 8000 : i32
      %parallel_loop3A_83 = arith.addi %parallel_loop3A_82, %parallel_loop3A_81 : i32
      %parallel_loop3A_84 = arith.index_cast %parallel_loop3A_83 : i32 to index
      %parallel_loop3A_85 = tpu.vector_load %arg6[%parallel_loop3A_84] {strides = array<i32>} : memref<10000xi32, #tpu.memory_space<vmem>>, vector<16xi32>,
      tpu.vector_store %arg6[%parallel_loop3A_84], %parallel_loop3A_79 {strides = array<i32>} : memref<10000xi32, #tpu.memory_space<vmem>>, vector<16xi32>,
    } {sc.loop_unroll_factor = 5 : i64, sc.parallel_access}
    %scan3A = arith.constant 0 : i32
    %scan3A_36 = arith.constant 4 : i32
    %scan3A_37 = arith.addi %scan3A, %scan3A_36 : i32
    %scan3A_38 = arith.constant 1 : i32
    scf.for %scan3A_68 = %scan3A to %scan3A_37 step %scan3A_38  : i32 {
      %mul3A_69 = arith.constant 4 : i32
      %mul3A_70 = arith.muli %add3A, %mul3A_69 : i32
      %add3A_71 = arith.addi %mul3A_70, %scan3A_68 : i32
      %and3A = arith.constant 1 : i32
      %and3A_72 = arith.andi %scan3A_68, %and3A : i32
      %mul3A_73 = arith.constant 4 : i32
      %mul3A_74 = arith.muli %add3A, %mul3A_73 : i32
      %add3A_75 = arith.addi %mul3A_74, %scan3A_68 : i32
      %dma_wait3A_76 = arith.constant 0 : i32
      %dma_wait3A_77 = arith.constant 0 : i32
      %dma_wait3A_78 = arith.constant 0 : i32
      %dma_wait3A_79 = tpu.memref_slice %arg7[%and3A_72, %dma_wait3A_76, %dma_wait3A_77, %dma_wait3A_78] : memref<2x25x8x128xi32, #tpu.memory_space<vmem>> -> memref<1x25x8x128xi32, #tpu.memory_space<vmem>>
      %dma_wait3A_80 = tpu.memref_squeeze %dma_wait3A_79 : memref<1x25x8x128xi32, #tpu.memory_space<vmem>> -> memref<25x8x128xi32, #tpu.memory_space<vmem>>
      %dma_wait3A_81 = arith.constant 0 : i32
      %dma_wait3A_82 = arith.constant 0 : i32
      %dma_wait3A_83 = arith.constant 0 : i32
      %dma_wait3A_84 = tpu.memref_slice %arg3[%dma_wait3A_81, %add3A_75, %dma_wait3A_82, %dma_wait3A_83] : memref<25x128x8x128xi32, #tpu.memory_space<hbm>> -> memref<25x1x8x128xi32, #tpu.memory_space<hbm>>
      %dma_wait3A_85 = tpu.memref_squeeze %dma_wait3A_84 : memref<25x1x8x128xi32, #tpu.memory_space<hbm>> -> memref<25x8x128xi32, #tpu.memory_space<hbm>>
      %dma_wait3A_86 = arith.constant 0 : i32
      %dma_wait3A_87 = arith.constant 0 : i32
      %dma_wait3A_88 = arith.constant 0 : i32
      %dma_wait3A_89 = tpu.memref_slice %arg7[%and3A_72, %dma_wait3A_86, %dma_wait3A_87, %dma_wait3A_88] : memref<2x25x8x128xi32, #tpu.memory_space<vmem>> -> memref<1x25x8x128xi32, #tpu.memory_space<vmem>>
      %dma_wait3A_90 = tpu.memref_squeeze %dma_wait3A_89 : memref<1x25x8x128xi32, #tpu.memory_space<vmem>> -> memref<25x8x128xi32, #tpu.memory_space<vmem>>
      %dma_wait3A_91 = arith.constant 0 : i32
      %dma_wait3A_92 = arith.constant 0 : i32
      %dma_wait3A_93 = arith.constant 0 : i32
      %dma_wait3A_94 = tpu.memref_slice %arg3[%dma_wait3A_91, %add3A_75, %dma_wait3A_92, %dma_wait3A_93] : memref<25x128x8x128xi32, #tpu.memory_space<hbm>> -> memref<25x1x8x128xi32, #tpu.memory_space<hbm>>
      %dma_wait3A_95 = tpu.memref_squeeze %dma_wait3A_94 : memref<25x1x8x128xi32, #tpu.memory_space<hbm>> -> memref<25x8x128xi32, #tpu.memory_space<hbm>>
      tpu.wait_dma2 semaphore(%arg11 : memref<!tpu.dma_semaphore, #tpu.memory_space<semaphore_mem>>) src(%dma_wait3A_95 : memref<25x8x128xi32, #tpu.memory_space<hbm>>) dst(%dma_wait3A_90 : memref<25x8x128xi32, #tpu.memory_space<vmem>>)
      %add3A_96 = arith.constant 1 : i32
      %add3A_97 = arith.addi %scan3A_68, %add3A_96 : i32
      %lt3A = arith.constant 4 : i32
      %lt3A_98 = arith.cmpi slt, %add3A_97, %lt3A : i32
      %convert_element_type3A = arith.extui %lt3A_98 : i1 to i32
      %cond3A = arith.constant 0 : i32
      %cond3A_99 = arith.cmpi ne, %convert_element_type3A, %cond3A : i32
      scf.if %cond3A_99 {
        %add3A_139 = arith.constant 1 : i32
        %add3A_140 = arith.addi %scan3A_68, %add3A_139 : i32
        %sub3A_141 = arith.constant 1 : i32
        %sub3A_142 = arith.subi %sub3A_141, %and3A_72 : i32
        %mul3A_143 = arith.constant 4 : i32
        %mul3A_144 = arith.muli %add3A, %mul3A_143 : i32
        %add3A_145 = arith.addi %mul3A_144, %add3A_140 : i32
        %dma_start3A_146 = arith.constant 0 : i32
        %dma_start3A_147 = arith.constant 0 : i32
        %dma_start3A_148 = arith.constant 0 : i32
        %dma_start3A_149 = tpu.memref_slice %arg7[%sub3A_142, %dma_start3A_146, %dma_start3A_147, %dma_start3A_148] : memref<2x25x8x128xi32, #tpu.memory_space<vmem>> -> memref<1x25x8x128xi32, #tpu.memory_space<vmem>>
        %dma_start3A_150 = tpu.memref_squeeze %dma_start3A_149 : memref<1x25x8x128xi32, #tpu.memory_space<vmem>> -> memref<25x8x128xi32, #tpu.memory_space<vmem>>
        %dma_start3A_151 = arith.constant 0 : i32
        %dma_start3A_152 = arith.constant 0 : i32
        %dma_start3A_153 = arith.constant 0 : i32
        %dma_start3A_154 = tpu.memref_slice %arg3[%dma_start3A_151, %add3A_145, %dma_start3A_152, %dma_start3A_153] : memref<25x128x8x128xi32, #tpu.memory_space<hbm>> -> memref<25x1x8x128xi32, #tpu.memory_space<hbm>>
        %dma_start3A_155 = tpu.memref_squeeze %dma_start3A_154 : memref<25x1x8x128xi32, #tpu.memory_space<hbm>> -> memref<25x8x128xi32, #tpu.memory_space<hbm>>
        %dma_start3A_156 = arith.constant 0 : i32
        %dma_start3A_157 = arith.constant 0 : i32
        %dma_start3A_158 = arith.constant 0 : i32
        %dma_start3A_159 = tpu.memref_slice %arg7[%sub3A_142, %dma_start3A_156, %dma_start3A_157, %dma_start3A_158] : memref<2x25x8x128xi32, #tpu.memory_space<vmem>> -> memref<1x25x8x128xi32, #tpu.memory_space<vmem>>
        %dma_start3A_160 = tpu.memref_squeeze %dma_start3A_159 : memref<1x25x8x128xi32, #tpu.memory_space<vmem>> -> memref<25x8x128xi32, #tpu.memory_space<vmem>>
        %dma_start3A_161 = arith.constant 0 : i32
        %dma_start3A_162 = arith.constant 0 : i32
        %dma_start3A_163 = arith.constant 0 : i32
        %dma_start3A_164 = tpu.memref_slice %arg3[%dma_start3A_161, %add3A_145, %dma_start3A_162, %dma_start3A_163] : memref<25x128x8x128xi32, #tpu.memory_space<hbm>> -> memref<25x1x8x128xi32, #tpu.memory_space<hbm>>
        %dma_start3A_165 = tpu.memref_squeeze %dma_start3A_164 : memref<25x1x8x128xi32, #tpu.memory_space<hbm>> -> memref<25x8x128xi32, #tpu.memory_space<hbm>>
        tpu.enqueue_dma source(%dma_start3A_165 : memref<25x8x128xi32, #tpu.memory_space<hbm>>) target(%dma_start3A_160 : memref<25x8x128xi32, #tpu.memory_space<vmem>>) target_semaphore(%arg11 : memref<!tpu.dma_semaphore, #tpu.memory_space<semaphore_mem>>)
      } else {
      }
      %gt3A = arith.constant 0 : i32
      %gt3A_100 = arith.cmpi sgt, %scan3A_68, %gt3A : i32
      %convert_element_type3A_101 = arith.extui %gt3A_100 : i1 to i32
      %cond3A_102 = arith.constant 0 : i32
      %cond3A_103 = arith.cmpi ne, %convert_element_type3A_101, %cond3A_102 : i32
      scf.if %cond3A_103 {
        %mul3A_139 = arith.constant 256 : i32
        %mul3A_140 = arith.muli %add3A_71, %mul3A_139 : i32
        %dma_wait3A_141 = arith.constant 0 : i32
        %dma_wait3A_142 = arith.constant 0 : i32
        %dma_wait3A_143 = tpu.memref_slice %arg8[%dma_wait3A_141, %dma_wait3A_142] : memref<200x256xf32, #tpu.memory_space<vmem>> -> memref<104x256xf32, #tpu.memory_space<vmem>>
        %dma_wait3A_144 = arith.constant 0 : i32
        %dma_wait3A_145 = tpu.memref_slice %arg4[%dma_wait3A_144, %mul3A_140] : memref<200x32768xf32, #tpu.memory_space<hbm>> -> memref<104x256xf32, #tpu.memory_space<hbm>>
        %dma_wait3A_146 = arith.constant 0 : i32
        %dma_wait3A_147 = tpu.memref_slice %arg4[%dma_wait3A_146, %mul3A_140] : memref<200x32768xf32, #tpu.memory_space<hbm>> -> memref<104x256xf32, #tpu.memory_space<hbm>>
        %dma_wait3A_148 = arith.constant 0 : i32
        %dma_wait3A_149 = arith.constant 0 : i32
        %dma_wait3A_150 = tpu.memref_slice %arg8[%dma_wait3A_148, %dma_wait3A_149] : memref<200x256xf32, #tpu.memory_space<vmem>> -> memref<104x256xf32, #tpu.memory_space<vmem>>
        tpu.wait_dma2 semaphore(%arg9 : memref<!tpu.dma_semaphore, #tpu.memory_space<semaphore_mem>>) src(%dma_wait3A_150 : memref<104x256xf32, #tpu.memory_space<vmem>>) dst(%dma_wait3A_147 : memref<104x256xf32, #tpu.memory_space<hbm>>)
      } else {
      }
      %parallel_loop3A_104 = arith.constant 0 : i32
      %parallel_loop3A_105 = arith.constant 104 : i32
      %parallel_loop3A_106 = arith.constant 1 : i32
      scf.for %parallel_loop3A_139 = %parallel_loop3A_104 to %parallel_loop3A_105 step %parallel_loop3A_106  : i32 {
        %parallel_loop3A_140 = arith.constant 8 : i32
        %parallel_loop3A_141 = arith.divsi %parallel_loop3A_139, %parallel_loop3A_140 : i32
        %parallel_loop3A_142 = arith.constant 0 : i32
        %parallel_loop3A_143 = arith.cmpi sgt, %parallel_loop3A_139, %parallel_loop3A_142 : i32
        %parallel_loop3A_144 = arith.extui %parallel_loop3A_143 : i1 to i32
        %parallel_loop3A_145 = arith.constant 0 : i32
        %parallel_loop3A_146 = arith.cmpi slt, %parallel_loop3A_139, %parallel_loop3A_145 : i32
        %parallel_loop3A_147 = arith.extui %parallel_loop3A_146 : i1 to i32
        %parallel_loop3A_148 = arith.subi %parallel_loop3A_144, %parallel_loop3A_147 : i32
        %parallel_loop3A_149 = arith.constant 0 : i32
        %parallel_loop3A_150 = arith.cmpi sgt, %parallel_loop3A_140, %parallel_loop3A_149 : i32
        %parallel_loop3A_151 = arith.extui %parallel_loop3A_150 : i1 to i32
        %parallel_loop3A_152 = arith.constant 0 : i32
        %parallel_loop3A_153 = arith.cmpi slt, %parallel_loop3A_140, %parallel_loop3A_152 : i32
        %parallel_loop3A_154 = arith.extui %parallel_loop3A_153 : i1 to i32
        %parallel_loop3A_155 = arith.subi %parallel_loop3A_151, %parallel_loop3A_154 : i32
        %parallel_loop3A_156 = arith.cmpi ne, %parallel_loop3A_148, %parallel_loop3A_155 : i32
        %parallel_loop3A_157 = arith.remsi %parallel_loop3A_139, %parallel_loop3A_140 : i32
        %parallel_loop3A_158 = arith.constant 0 : i32
        %parallel_loop3A_159 = arith.cmpi ne, %parallel_loop3A_157, %parallel_loop3A_158 : i32
        %parallel_loop3A_160 = arith.andi %parallel_loop3A_156, %parallel_loop3A_159 : i1
        %parallel_loop3A_161 = arith.constant 1 : i32
        %parallel_loop3A_162 = arith.subi %parallel_loop3A_141, %parallel_loop3A_161 : i32
        %parallel_loop3A_163 = arith.select %parallel_loop3A_160, %parallel_loop3A_162, %parallel_loop3A_141 : i32
        %parallel_loop3A_164 = arith.constant 8 : i32
        %parallel_loop3A_165 = arith.constant 0 : i32
        %parallel_loop3A_166 = arith.cmpi eq, %parallel_loop3A_164, %parallel_loop3A_165 : i32
        %parallel_loop3A_167 = arith.constant 1 : i32
        %parallel_loop3A_168 = arith.select %parallel_loop3A_166, %parallel_loop3A_167, %parallel_loop3A_164 : i32
        %parallel_loop3A_169 = arith.remsi %parallel_loop3A_139, %parallel_loop3A_168 : i32
        %parallel_loop3A_170 = arith.constant 0 : i32
        %parallel_loop3A_171 = arith.cmpi ne, %parallel_loop3A_169, %parallel_loop3A_170 : i32
        %parallel_loop3A_172 = arith.constant 0 : i32
        %parallel_loop3A_173 = arith.cmpi slt, %parallel_loop3A_169, %parallel_loop3A_172 : i32
        %parallel_loop3A_174 = arith.constant 0 : i32
        %parallel_loop3A_175 = arith.cmpi slt, %parallel_loop3A_168, %parallel_loop3A_174 : i32
        %parallel_loop3A_176 = arith.xori %parallel_loop3A_173, %parallel_loop3A_175 : i1
        %parallel_loop3A_177 = arith.andi %parallel_loop3A_176, %parallel_loop3A_171 : i1
        %parallel_loop3A_178 = arith.addi %parallel_loop3A_169, %parallel_loop3A_168 : i32
        %parallel_loop3A_179 = arith.select %parallel_loop3A_177, %parallel_loop3A_178, %parallel_loop3A_169 : i32
        %parallel_loop3A_180 = arith.index_cast %and3A_72 : i32 to index
        %parallel_loop3A_181 = arith.index_cast %parallel_loop3A_163 : i32 to index
        %parallel_loop3A_182 = arith.index_cast %parallel_loop3A_179 : i32 to index
        %parallel_loop3A_183 = arith.constant 0 : index
        %parallel_loop3A_184 = tpu.vector_load %arg7[%parallel_loop3A_180, %parallel_loop3A_181, %parallel_loop3A_182, %parallel_loop3A_183] {strides = array<i32>} : memref<2x25x8x128xi32, #tpu.memory_space<vmem>>, vector<16xi32>,
        %parallel_loop3A_185 = tpu.vector_load_idx %arg6[%parallel_loop3A_184] : memref<10000xi32, #tpu.memory_space<vmem>>[vector<16xi32>], vector<16xi32>,
        %parallel_loop3A_186 = vector.bitcast %parallel_loop3A_185 : vector<16xi32> to vector<32xbf16>
        %parallel_loop3A_187 = tpu.unpack_subelements %parallel_loop3A_186, 0 {pack_format = #tpu.pack_format<interleaved>} : vector<32xbf16> -> vector<16xf32>
        %parallel_loop3A_188 = tpu.unpack_subelements %parallel_loop3A_186, 1 {pack_format = #tpu.pack_format<interleaved>} : vector<32xbf16> -> vector<16xf32>
        %parallel_loop3A_189 = arith.index_cast %parallel_loop3A_139 : i32 to index
        %parallel_loop3A_190 = arith.constant 0 : index
        %parallel_loop3A_191 = tpu.vector_load %arg8[%parallel_loop3A_189, %parallel_loop3A_190] {strides = array<i32>} : memref<200x256xf32, #tpu.memory_space<vmem>>, vector<16xf32>,
        tpu.vector_store %arg8[%parallel_loop3A_189, %parallel_loop3A_190], %parallel_loop3A_187 {strides = array<i32>} : memref<200x256xf32, #tpu.memory_space<vmem>>, vector<16xf32>,
        %parallel_loop3A_192 = arith.index_cast %parallel_loop3A_139 : i32 to index
        %parallel_loop3A_193 = arith.constant 128 : index
        %parallel_loop3A_194 = tpu.vector_load %arg8[%parallel_loop3A_192, %parallel_loop3A_193] {strides = array<i32>} : memref<200x256xf32, #tpu.memory_space<vmem>>, vector<16xf32>,
        tpu.vector_store %arg8[%parallel_loop3A_192, %parallel_loop3A_193], %parallel_loop3A_188 {strides = array<i32>} : memref<200x256xf32, #tpu.memory_space<vmem>>, vector<16xf32>,
        %parallel_loop3A_195 = arith.index_cast %and3A_72 : i32 to index
        %parallel_loop3A_196 = arith.index_cast %parallel_loop3A_163 : i32 to index
        %parallel_loop3A_197 = arith.index_cast %parallel_loop3A_179 : i32 to index
        %parallel_loop3A_198 = arith.constant 16 : index
        %parallel_loop3A_199 = tpu.vector_load %arg7[%parallel_loop3A_195, %parallel_loop3A_196, %parallel_loop3A_197, %parallel_loop3A_198] {strides = array<i32>} : memref<2x25x8x128xi32, #tpu.memory_space<vmem>>, vector<16xi32>,
        %parallel_loop3A_200 = tpu.vector_load_idx %arg6[%parallel_loop3A_199] : memref<10000xi32, #tpu.memory_space<vmem>>[vector<16xi32>], vector<16xi32>,
        %parallel_loop3A_201 = vector.bitcast %parallel_loop3A_200 : vector<16xi32> to vector<32xbf16>
        %parallel_loop3A_202 = tpu.unpack_subelements %parallel_loop3A_201, 0 {pack_format = #tpu.pack_format<interleaved>} : vector<32xbf16> -> vector<16xf32>
        %parallel_loop3A_203 = tpu.unpack_subelements %parallel_loop3A_201, 1 {pack_format = #tpu.pack_format<interleaved>} : vector<32xbf16> -> vector<16xf32>
        %parallel_loop3A_204 = arith.index_cast %parallel_loop3A_139 : i32 to index
        %parallel_loop3A_205 = arith.constant 16 : index
        %parallel_loop3A_206 = tpu.vector_load %arg8[%parallel_loop3A_204, %parallel_loop3A_205] {strides = array<i32>} : memref<200x256xf32, #tpu.memory_space<vmem>>, vector<16xf32>,
        tpu.vector_store %arg8[%parallel_loop3A_204, %parallel_loop3A_205], %parallel_loop3A_202 {strides = array<i32>} : memref<200x256xf32, #tpu.memory_space<vmem>>, vector<16xf32>,
        %parallel_loop3A_207 = arith.index_cast %parallel_loop3A_139 : i32 to index
        %parallel_loop3A_208 = arith.constant 144 : index
        %parallel_loop3A_209 = tpu.vector_load %arg8[%parallel_loop3A_207, %parallel_loop3A_208] {strides = array<i32>} : memref<200x256xf32, #tpu.memory_space<vmem>>, vector<16xf32>,
        tpu.vector_store %arg8[%parallel_loop3A_207, %parallel_loop3A_208], %parallel_loop3A_203 {strides = array<i32>} : memref<200x256xf32, #tpu.memory_space<vmem>>, vector<16xf32>,
        %parallel_loop3A_210 = arith.index_cast %and3A_72 : i32 to index
        %parallel_loop3A_211 = arith.index_cast %parallel_loop3A_163 : i32 to index
        %parallel_loop3A_212 = arith.index_cast %parallel_loop3A_179 : i32 to index
        %parallel_loop3A_213 = arith.constant 32 : index
        %parallel_loop3A_214 = tpu.vector_load %arg7[%parallel_loop3A_210, %parallel_loop3A_211, %parallel_loop3A_212, %parallel_loop3A_213] {strides = array<i32>} : memref<2x25x8x128xi32, #tpu.memory_space<vmem>>, vector<16xi32>,
        %parallel_loop3A_215 = tpu.vector_load_idx %arg6[%parallel_loop3A_214] : memref<10000xi32, #tpu.memory_space<vmem>>[vector<16xi32>], vector<16xi32>,
        %parallel_loop3A_216 = vector.bitcast %parallel_loop3A_215 : vector<16xi32> to vector<32xbf16>
        %parallel_loop3A_217 = tpu.unpack_subelements %parallel_loop3A_216, 0 {pack_format = #tpu.pack_format<interleaved>} : vector<32xbf16> -> vector<16xf32>
        %parallel_loop3A_218 = tpu.unpack_subelements %parallel_loop3A_216, 1 {pack_format = #tpu.pack_format<interleaved>} : vector<32xbf16> -> vector<16xf32>
        %parallel_loop3A_219 = arith.index_cast %parallel_loop3A_139 : i32 to index
        %parallel_loop3A_220 = arith.constant 32 : index
        %parallel_loop3A_221 = tpu.vector_load %arg8[%parallel_loop3A_219, %parallel_loop3A_220] {strides = array<i32>} : memref<200x256xf32, #tpu.memory_space<vmem>>, vector<16xf32>,
        tpu.vector_store %arg8[%parallel_loop3A_219, %parallel_loop3A_220], %parallel_loop3A_217 {strides = array<i32>} : memref<200x256xf32, #tpu.memory_space<vmem>>, vector<16xf32>,
        %parallel_loop3A_222 = arith.index_cast %parallel_loop3A_139 : i32 to index
        %parallel_loop3A_223 = arith.constant 160 : index
        %parallel_loop3A_224 = tpu.vector_load %arg8[%parallel_loop3A_222, %parallel_loop3A_223] {strides = array<i32>} : memref<200x256xf32, #tpu.memory_space<vmem>>, vector<16xf32>,
        tpu.vector_store %arg8[%parallel_loop3A_222, %parallel_loop3A_223], %parallel_loop3A_218 {strides = array<i32>} : memref<200x256xf32, #tpu.memory_space<vmem>>, vector<16xf32>,
        %parallel_loop3A_225 = arith.index_cast %and3A_72 : i32 to index
        %parallel_loop3A_226 = arith.index_cast %parallel_loop3A_163 : i32 to index
        %parallel_loop3A_227 = arith.index_cast %parallel_loop3A_179 : i32 to index
        %parallel_loop3A_228 = arith.constant 48 : index
        %parallel_loop3A_229 = tpu.vector_load %arg7[%parallel_loop3A_225, %parallel_loop3A_226, %parallel_loop3A_227, %parallel_loop3A_228] {strides = array<i32>} : memref<2x25x8x128xi32, #tpu.memory_space<vmem>>, vector<16xi32>,
        %parallel_loop3A_230 = tpu.vector_load_idx %arg6[%parallel_loop3A_229] : memref<10000xi32, #tpu.memory_space<vmem>>[vector<16xi32>], vector<16xi32>,
        %parallel_loop3A_231 = vector.bitcast %parallel_loop3A_230 : vector<16xi32> to vector<32xbf16>
        %parallel_loop3A_232 = tpu.unpack_subelements %parallel_loop3A_231, 0 {pack_format = #tpu.pack_format<interleaved>} : vector<32xbf16> -> vector<16xf32>
        %parallel_loop3A_233 = tpu.unpack_subelements %parallel_loop3A_231, 1 {pack_format = #tpu.pack_format<interleaved>} : vector<32xbf16> -> vector<16xf32>
        %parallel_loop3A_234 = arith.index_cast %parallel_loop3A_139 : i32 to index
        %parallel_loop3A_235 = arith.constant 48 : index
        %parallel_loop3A_236 = tpu.vector_load %arg8[%parallel_loop3A_234, %parallel_loop3A_235] {strides = array<i32>} : memref<200x256xf32, #tpu.memory_space<vmem>>, vector<16xf32>,
        tpu.vector_store %arg8[%parallel_loop3A_234, %parallel_loop3A_235], %parallel_loop3A_232 {strides = array<i32>} : memref<200x256xf32, #tpu.memory_space<vmem>>, vector<16xf32>,
        %parallel_loop3A_237 = arith.index_cast %parallel_loop3A_139 : i32 to index
        %parallel_loop3A_238 = arith.constant 176 : index
        %parallel_loop3A_239 = tpu.vector_load %arg8[%parallel_loop3A_237, %parallel_loop3A_238] {strides = array<i32>} : memref<200x256xf32, #tpu.memory_space<vmem>>, vector<16xf32>,
        tpu.vector_store %arg8[%parallel_loop3A_237, %parallel_loop3A_238], %parallel_loop3A_233 {strides = array<i32>} : memref<200x256xf32, #tpu.memory_space<vmem>>, vector<16xf32>,
        %parallel_loop3A_240 = arith.index_cast %and3A_72 : i32 to index
        %parallel_loop3A_241 = arith.index_cast %parallel_loop3A_163 : i32 to index
        %parallel_loop3A_242 = arith.index_cast %parallel_loop3A_179 : i32 to index
        %parallel_loop3A_243 = arith.constant 64 : index
        %parallel_loop3A_244 = tpu.vector_load %arg7[%parallel_loop3A_240, %parallel_loop3A_241, %parallel_loop3A_242, %parallel_loop3A_243] {strides = array<i32>} : memref<2x25x8x128xi32, #tpu.memory_space<vmem>>, vector<16xi32>,
        %parallel_loop3A_245 = tpu.vector_load_idx %arg6[%parallel_loop3A_244] : memref<10000xi32, #tpu.memory_space<vmem>>[vector<16xi32>], vector<16xi32>,
        %parallel_loop3A_246 = vector.bitcast %parallel_loop3A_245 : vector<16xi32> to vector<32xbf16>
        %parallel_loop3A_247 = tpu.unpack_subelements %parallel_loop3A_246, 0 {pack_format = #tpu.pack_format<interleaved>} : vector<32xbf16> -> vector<16xf32>
        %parallel_loop3A_248 = tpu.unpack_subelements %parallel_loop3A_246, 1 {pack_format = #tpu.pack_format<interleaved>} : vector<32xbf16> -> vector<16xf32>
        %parallel_loop3A_249 = arith.index_cast %parallel_loop3A_139 : i32 to index
        %parallel_loop3A_250 = arith.constant 64 : index
        %parallel_loop3A_251 = tpu.vector_load %arg8[%parallel_loop3A_249, %parallel_loop3A_250] {strides = array<i32>} : memref<200x256xf32, #tpu.memory_space<vmem>>, vector<16xf32>,
        tpu.vector_store %arg8[%parallel_loop3A_249, %parallel_loop3A_250], %parallel_loop3A_247 {strides = array<i32>} : memref<200x256xf32, #tpu.memory_space<vmem>>, vector<16xf32>,
        %parallel_loop3A_252 = arith.index_cast %parallel_loop3A_139 : i32 to index
        %parallel_loop3A_253 = arith.constant 192 : index
        %parallel_loop3A_254 = tpu.vector_load %arg8[%parallel_loop3A_252, %parallel_loop3A_253] {strides = array<i32>} : memref<200x256xf32, #tpu.memory_space<vmem>>, vector<16xf32>,
        tpu.vector_store %arg8[%parallel_loop3A_252, %parallel_loop3A_253], %parallel_loop3A_248 {strides = array<i32>} : memref<200x256xf32, #tpu.memory_space<vmem>>, vector<16xf32>,
        %parallel_loop3A_255 = arith.index_cast %and3A_72 : i32 to index
        %parallel_loop3A_256 = arith.index_cast %parallel_loop3A_163 : i32 to index
        %parallel_loop3A_257 = arith.index_cast %parallel_loop3A_179 : i32 to index
        %parallel_loop3A_258 = arith.constant 80 : index
        %parallel_loop3A_259 = tpu.vector_load %arg7[%parallel_loop3A_255, %parallel_loop3A_256, %parallel_loop3A_257, %parallel_loop3A_258] {strides = array<i32>} : memref<2x25x8x128xi32, #tpu.memory_space<vmem>>, vector<16xi32>,
        %parallel_loop3A_260 = tpu.vector_load_idx %arg6[%parallel_loop3A_259] : memref<10000xi32, #tpu.memory_space<vmem>>[vector<16xi32>], vector<16xi32>,
        %parallel_loop3A_261 = vector.bitcast %parallel_loop3A_260 : vector<16xi32> to vector<32xbf16>
        %parallel_loop3A_262 = tpu.unpack_subelements %parallel_loop3A_261, 0 {pack_format = #tpu.pack_format<interleaved>} : vector<32xbf16> -> vector<16xf32>
        %parallel_loop3A_263 = tpu.unpack_subelements %parallel_loop3A_261, 1 {pack_format = #tpu.pack_format<interleaved>} : vector<32xbf16> -> vector<16xf32>
        %parallel_loop3A_264 = arith.index_cast %parallel_loop3A_139 : i32 to index
        %parallel_loop3A_265 = arith.constant 80 : index
        %parallel_loop3A_266 = tpu.vector_load %arg8[%parallel_loop3A_264, %parallel_loop3A_265] {strides = array<i32>} : memref<200x256xf32, #tpu.memory_space<vmem>>, vector<16xf32>,
        tpu.vector_store %arg8[%parallel_loop3A_264, %parallel_loop3A_265], %parallel_loop3A_262 {strides = array<i32>} : memref<200x256xf32, #tpu.memory_space<vmem>>, vector<16xf32>,
        %parallel_loop3A_267 = arith.index_cast %parallel_loop3A_139 : i32 to index
        %parallel_loop3A_268 = arith.constant 208 : index
        %parallel_loop3A_269 = tpu.vector_load %arg8[%parallel_loop3A_267, %parallel_loop3A_268] {strides = array<i32>} : memref<200x256xf32, #tpu.memory_space<vmem>>, vector<16xf32>,
        tpu.vector_store %arg8[%parallel_loop3A_267, %parallel_loop3A_268], %parallel_loop3A_263 {strides = array<i32>} : memref<200x256xf32, #tpu.memory_space<vmem>>, vector<16xf32>,
        %parallel_loop3A_270 = arith.index_cast %and3A_72 : i32 to index
        %parallel_loop3A_271 = arith.index_cast %parallel_loop3A_163 : i32 to index
        %parallel_loop3A_272 = arith.index_cast %parallel_loop3A_179 : i32 to index
        %parallel_loop3A_273 = arith.constant 96 : index
        %parallel_loop3A_274 = tpu.vector_load %arg7[%parallel_loop3A_270, %parallel_loop3A_271, %parallel_loop3A_272, %parallel_loop3A_273] {strides = array<i32>} : memref<2x25x8x128xi32, #tpu.memory_space<vmem>>, vector<16xi32>,
        %parallel_loop3A_275 = tpu.vector_load_idx %arg6[%parallel_loop3A_274] : memref<10000xi32, #tpu.memory_space<vmem>>[vector<16xi32>], vector<16xi32>,
        %parallel_loop3A_276 = vector.bitcast %parallel_loop3A_275 : vector<16xi32> to vector<32xbf16>
        %parallel_loop3A_277 = tpu.unpack_subelements %parallel_loop3A_276, 0 {pack_format = #tpu.pack_format<interleaved>} : vector<32xbf16> -> vector<16xf32>
        %parallel_loop3A_278 = tpu.unpack_subelements %parallel_loop3A_276, 1 {pack_format = #tpu.pack_format<interleaved>} : vector<32xbf16> -> vector<16xf32>
        %parallel_loop3A_279 = arith.index_cast %parallel_loop3A_139 : i32 to index
        %parallel_loop3A_280 = arith.constant 96 : index
        %parallel_loop3A_281 = tpu.vector_load %arg8[%parallel_loop3A_279, %parallel_loop3A_280] {strides = array<i32>} : memref<200x256xf32, #tpu.memory_space<vmem>>, vector<16xf32>,
        tpu.vector_store %arg8[%parallel_loop3A_279, %parallel_loop3A_280], %parallel_loop3A_277 {strides = array<i32>} : memref<200x256xf32, #tpu.memory_space<vmem>>, vector<16xf32>,
        %parallel_loop3A_282 = arith.index_cast %parallel_loop3A_139 : i32 to index
        %parallel_loop3A_283 = arith.constant 224 : index
        %parallel_loop3A_284 = tpu.vector_load %arg8[%parallel_loop3A_282, %parallel_loop3A_283] {strides = array<i32>} : memref<200x256xf32, #tpu.memory_space<vmem>>, vector<16xf32>,
        tpu.vector_store %arg8[%parallel_loop3A_282, %parallel_loop3A_283], %parallel_loop3A_278 {strides = array<i32>} : memref<200x256xf32, #tpu.memory_space<vmem>>, vector<16xf32>,
        %parallel_loop3A_285 = arith.index_cast %and3A_72 : i32 to index
        %parallel_loop3A_286 = arith.index_cast %parallel_loop3A_163 : i32 to index
        %parallel_loop3A_287 = arith.index_cast %parallel_loop3A_179 : i32 to index
        %parallel_loop3A_288 = arith.constant 112 : index
        %parallel_loop3A_289 = tpu.vector_load %arg7[%parallel_loop3A_285, %parallel_loop3A_286, %parallel_loop3A_287, %parallel_loop3A_288] {strides = array<i32>} : memref<2x25x8x128xi32, #tpu.memory_space<vmem>>, vector<16xi32>,
        %parallel_loop3A_290 = tpu.vector_load_idx %arg6[%parallel_loop3A_289] : memref<10000xi32, #tpu.memory_space<vmem>>[vector<16xi32>], vector<16xi32>,
        %parallel_loop3A_291 = vector.bitcast %parallel_loop3A_290 : vector<16xi32> to vector<32xbf16>
        %parallel_loop3A_292 = tpu.unpack_subelements %parallel_loop3A_291, 0 {pack_format = #tpu.pack_format<interleaved>} : vector<32xbf16> -> vector<16xf32>
        %parallel_loop3A_293 = tpu.unpack_subelements %parallel_loop3A_291, 1 {pack_format = #tpu.pack_format<interleaved>} : vector<32xbf16> -> vector<16xf32>
        %parallel_loop3A_294 = arith.index_cast %parallel_loop3A_139 : i32 to index
        %parallel_loop3A_295 = arith.constant 112 : index
        %parallel_loop3A_296 = tpu.vector_load %arg8[%parallel_loop3A_294, %parallel_loop3A_295] {strides = array<i32>} : memref<200x256xf32, #tpu.memory_space<vmem>>, vector<16xf32>,
        tpu.vector_store %arg8[%parallel_loop3A_294, %parallel_loop3A_295], %parallel_loop3A_292 {strides = array<i32>} : memref<200x256xf32, #tpu.memory_space<vmem>>, vector<16xf32>,
        %parallel_loop3A_297 = arith.index_cast %parallel_loop3A_139 : i32 to index
        %parallel_loop3A_298 = arith.constant 240 : index
        %parallel_loop3A_299 = tpu.vector_load %arg8[%parallel_loop3A_297, %parallel_loop3A_298] {strides = array<i32>} : memref<200x256xf32, #tpu.memory_space<vmem>>, vector<16xf32>,
        tpu.vector_store %arg8[%parallel_loop3A_297, %parallel_loop3A_298], %parallel_loop3A_293 {strides = array<i32>} : memref<200x256xf32, #tpu.memory_space<vmem>>, vector<16xf32>,
      } {sc.loop_unroll_factor = 2 : i64, sc.parallel_access}
      %mul3A_107 = arith.constant 256 : i32
      %mul3A_108 = arith.muli %add3A_71, %mul3A_107 : i32
      %dma_start3A_109 = arith.constant 0 : i32
      %dma_start3A_110 = arith.constant 0 : i32
      %dma_start3A_111 = tpu.memref_slice %arg8[%dma_start3A_109, %dma_start3A_110] : memref<200x256xf32, #tpu.memory_space<vmem>> -> memref<104x256xf32, #tpu.memory_space<vmem>>
      %dma_start3A_112 = arith.constant 0 : i32
      %dma_start3A_113 = tpu.memref_slice %arg4[%dma_start3A_112, %mul3A_108] : memref<200x32768xf32, #tpu.memory_space<hbm>> -> memref<104x256xf32, #tpu.memory_space<hbm>>
      %dma_start3A_114 = arith.constant 0 : i32
      %dma_start3A_115 = tpu.memref_slice %arg4[%dma_start3A_114, %mul3A_108] : memref<200x32768xf32, #tpu.memory_space<hbm>> -> memref<104x256xf32, #tpu.memory_space<hbm>>
      %dma_start3A_116 = arith.constant 0 : i32
      %dma_start3A_117 = arith.constant 0 : i32
      %dma_start3A_118 = tpu.memref_slice %arg8[%dma_start3A_116, %dma_start3A_117] : memref<200x256xf32, #tpu.memory_space<vmem>> -> memref<104x256xf32, #tpu.memory_space<vmem>>
      tpu.enqueue_dma source(%dma_start3A_118 : memref<104x256xf32, #tpu.memory_space<vmem>>) target(%dma_start3A_115 : memref<104x256xf32, #tpu.memory_space<hbm>>) target_semaphore(%arg9 : memref<!tpu.dma_semaphore, #tpu.memory_space<semaphore_mem>>)
      %gt3A_119 = arith.constant 0 : i32
      %gt3A_120 = arith.cmpi sgt, %scan3A_68, %gt3A_119 : i32
      %convert_element_type3A_121 = arith.extui %gt3A_120 : i1 to i32
      %cond3A_122 = arith.constant 0 : i32
      %cond3A_123 = arith.cmpi ne, %convert_element_type3A_121, %cond3A_122 : i32
      scf.if %cond3A_123 {
        %mul3A_139 = arith.constant 256 : i32
        %mul3A_140 = arith.muli %add3A_71, %mul3A_139 : i32
        %dma_wait3A_141 = arith.constant 104 : i32
        %dma_wait3A_142 = arith.constant 0 : i32
        %dma_wait3A_143 = tpu.memref_slice %arg8[%dma_wait3A_141, %dma_wait3A_142] : memref<200x256xf32, #tpu.memory_space<vmem>> -> memref<96x256xf32, #tpu.memory_space<vmem>>
        %dma_wait3A_144 = arith.constant 104 : i32
        %dma_wait3A_145 = tpu.memref_slice %arg4[%dma_wait3A_144, %mul3A_140] : memref<200x32768xf32, #tpu.memory_space<hbm>> -> memref<96x256xf32, #tpu.memory_space<hbm>>
        %dma_wait3A_146 = arith.constant 104 : i32
        %dma_wait3A_147 = tpu.memref_slice %arg4[%dma_wait3A_146, %mul3A_140] : memref<200x32768xf32, #tpu.memory_space<hbm>> -> memref<96x256xf32, #tpu.memory_space<hbm>>
        %dma_wait3A_148 = arith.constant 104 : i32
        %dma_wait3A_149 = arith.constant 0 : i32
        %dma_wait3A_150 = tpu.memref_slice %arg8[%dma_wait3A_148, %dma_wait3A_149] : memref<200x256xf32, #tpu.memory_space<vmem>> -> memref<96x256xf32, #tpu.memory_space<vmem>>
        tpu.wait_dma2 semaphore(%arg10 : memref<!tpu.dma_semaphore, #tpu.memory_space<semaphore_mem>>) src(%dma_wait3A_150 : memref<96x256xf32, #tpu.memory_space<vmem>>) dst(%dma_wait3A_147 : memref<96x256xf32, #tpu.memory_space<hbm>>)
      } else {
      }
      %parallel_loop3A_124 = arith.constant 104 : i32
      %parallel_loop3A_125 = arith.constant 200 : i32
      %parallel_loop3A_126 = arith.constant 1 : i32
      scf.for %parallel_loop3A_139 = %parallel_loop3A_124 to %parallel_loop3A_125 step %parallel_loop3A_126  : i32 {
        %parallel_loop3A_140 = arith.constant 8 : i32
        %parallel_loop3A_141 = arith.divsi %parallel_loop3A_139, %parallel_loop3A_140 : i32
        %parallel_loop3A_142 = arith.constant 0 : i32
        %parallel_loop3A_143 = arith.cmpi sgt, %parallel_loop3A_139, %parallel_loop3A_142 : i32
        %parallel_loop3A_144 = arith.extui %parallel_loop3A_143 : i1 to i32
        %parallel_loop3A_145 = arith.constant 0 : i32
        %parallel_loop3A_146 = arith.cmpi slt, %parallel_loop3A_139, %parallel_loop3A_145 : i32
        %parallel_loop3A_147 = arith.extui %parallel_loop3A_146 : i1 to i32
        %parallel_loop3A_148 = arith.subi %parallel_loop3A_144, %parallel_loop3A_147 : i32
        %parallel_loop3A_149 = arith.constant 0 : i32
        %parallel_loop3A_150 = arith.cmpi sgt, %parallel_loop3A_140, %parallel_loop3A_149 : i32
        %parallel_loop3A_151 = arith.extui %parallel_loop3A_150 : i1 to i32
        %parallel_loop3A_152 = arith.constant 0 : i32
        %parallel_loop3A_153 = arith.cmpi slt, %parallel_loop3A_140, %parallel_loop3A_152 : i32
        %parallel_loop3A_154 = arith.extui %parallel_loop3A_153 : i1 to i32
        %parallel_loop3A_155 = arith.subi %parallel_loop3A_151, %parallel_loop3A_154 : i32
        %parallel_loop3A_156 = arith.cmpi ne, %parallel_loop3A_148, %parallel_loop3A_155 : i32
        %parallel_loop3A_157 = arith.remsi %parallel_loop3A_139, %parallel_loop3A_140 : i32
        %parallel_loop3A_158 = arith.constant 0 : i32
        %parallel_loop3A_159 = arith.cmpi ne, %parallel_loop3A_157, %parallel_loop3A_158 : i32
        %parallel_loop3A_160 = arith.andi %parallel_loop3A_156, %parallel_loop3A_159 : i1
        %parallel_loop3A_161 = arith.constant 1 : i32
        %parallel_loop3A_162 = arith.subi %parallel_loop3A_141, %parallel_loop3A_161 : i32
        %parallel_loop3A_163 = arith.select %parallel_loop3A_160, %parallel_loop3A_162, %parallel_loop3A_141 : i32
        %parallel_loop3A_164 = arith.constant 8 : i32
        %parallel_loop3A_165 = arith.constant 0 : i32
        %parallel_loop3A_166 = arith.cmpi eq, %parallel_loop3A_164, %parallel_loop3A_165 : i32
        %parallel_loop3A_167 = arith.constant 1 : i32
        %parallel_loop3A_168 = arith.select %parallel_loop3A_166, %parallel_loop3A_167, %parallel_loop3A_164 : i32
        %parallel_loop3A_169 = arith.remsi %parallel_loop3A_139, %parallel_loop3A_168 : i32
        %parallel_loop3A_170 = arith.constant 0 : i32
        %parallel_loop3A_171 = arith.cmpi ne, %parallel_loop3A_169, %parallel_loop3A_170 : i32
        %parallel_loop3A_172 = arith.constant 0 : i32
        %parallel_loop3A_173 = arith.cmpi slt, %parallel_loop3A_169, %parallel_loop3A_172 : i32
        %parallel_loop3A_174 = arith.constant 0 : i32
        %parallel_loop3A_175 = arith.cmpi slt, %parallel_loop3A_168, %parallel_loop3A_174 : i32
        %parallel_loop3A_176 = arith.xori %parallel_loop3A_173, %parallel_loop3A_175 : i1
        %parallel_loop3A_177 = arith.andi %parallel_loop3A_176, %parallel_loop3A_171 : i1
        %parallel_loop3A_178 = arith.addi %parallel_loop3A_169, %parallel_loop3A_168 : i32
        %parallel_loop3A_179 = arith.select %parallel_loop3A_177, %parallel_loop3A_178, %parallel_loop3A_169 : i32
        %parallel_loop3A_180 = arith.index_cast %and3A_72 : i32 to index
        %parallel_loop3A_181 = arith.index_cast %parallel_loop3A_163 : i32 to index
        %parallel_loop3A_182 = arith.index_cast %parallel_loop3A_179 : i32 to index
        %parallel_loop3A_183 = arith.constant 0 : index
        %parallel_loop3A_184 = tpu.vector_load %arg7[%parallel_loop3A_180, %parallel_loop3A_181, %parallel_loop3A_182, %parallel_loop3A_183] {strides = array<i32>} : memref<2x25x8x128xi32, #tpu.memory_space<vmem>>, vector<16xi32>,
        %parallel_loop3A_185 = tpu.vector_load_idx %arg6[%parallel_loop3A_184] : memref<10000xi32, #tpu.memory_space<vmem>>[vector<16xi32>], vector<16xi32>,
        %parallel_loop3A_186 = vector.bitcast %parallel_loop3A_185 : vector<16xi32> to vector<32xbf16>
        %parallel_loop3A_187 = tpu.unpack_subelements %parallel_loop3A_186, 0 {pack_format = #tpu.pack_format<interleaved>} : vector<32xbf16> -> vector<16xf32>
        %parallel_loop3A_188 = tpu.unpack_subelements %parallel_loop3A_186, 1 {pack_format = #tpu.pack_format<interleaved>} : vector<32xbf16> -> vector<16xf32>
        %parallel_loop3A_189 = arith.index_cast %parallel_loop3A_139 : i32 to index
        %parallel_loop3A_190 = arith.constant 0 : index
        %parallel_loop3A_191 = tpu.vector_load %arg8[%parallel_loop3A_189, %parallel_loop3A_190] {strides = array<i32>} : memref<200x256xf32, #tpu.memory_space<vmem>>, vector<16xf32>,
        tpu.vector_store %arg8[%parallel_loop3A_189, %parallel_loop3A_190], %parallel_loop3A_187 {strides = array<i32>} : memref<200x256xf32, #tpu.memory_space<vmem>>, vector<16xf32>,
        %parallel_loop3A_192 = arith.index_cast %parallel_loop3A_139 : i32 to index
        %parallel_loop3A_193 = arith.constant 128 : index
        %parallel_loop3A_194 = tpu.vector_load %arg8[%parallel_loop3A_192, %parallel_loop3A_193] {strides = array<i32>} : memref<200x256xf32, #tpu.memory_space<vmem>>, vector<16xf32>,
        tpu.vector_store %arg8[%parallel_loop3A_192, %parallel_loop3A_193], %parallel_loop3A_188 {strides = array<i32>} : memref<200x256xf32, #tpu.memory_space<vmem>>, vector<16xf32>,
        %parallel_loop3A_195 = arith.index_cast %and3A_72 : i32 to index
        %parallel_loop3A_196 = arith.index_cast %parallel_loop3A_163 : i32 to index
        %parallel_loop3A_197 = arith.index_cast %parallel_loop3A_179 : i32 to index
        %parallel_loop3A_198 = arith.constant 16 : index
        %parallel_loop3A_199 = tpu.vector_load %arg7[%parallel_loop3A_195, %parallel_loop3A_196, %parallel_loop3A_197, %parallel_loop3A_198] {strides = array<i32>} : memref<2x25x8x128xi32, #tpu.memory_space<vmem>>, vector<16xi32>,
        %parallel_loop3A_200 = tpu.vector_load_idx %arg6[%parallel_loop3A_199] : memref<10000xi32, #tpu.memory_space<vmem>>[vector<16xi32>], vector<16xi32>,
        %parallel_loop3A_201 = vector.bitcast %parallel_loop3A_200 : vector<16xi32> to vector<32xbf16>
        %parallel_loop3A_202 = tpu.unpack_subelements %parallel_loop3A_201, 0 {pack_format = #tpu.pack_format<interleaved>} : vector<32xbf16> -> vector<16xf32>
        %parallel_loop3A_203 = tpu.unpack_subelements %parallel_loop3A_201, 1 {pack_format = #tpu.pack_format<interleaved>} : vector<32xbf16> -> vector<16xf32>
        %parallel_loop3A_204 = arith.index_cast %parallel_loop3A_139 : i32 to index
        %parallel_loop3A_205 = arith.constant 16 : index
        %parallel_loop3A_206 = tpu.vector_load %arg8[%parallel_loop3A_204, %parallel_loop3A_205] {strides = array<i32>} : memref<200x256xf32, #tpu.memory_space<vmem>>, vector<16xf32>,
        tpu.vector_store %arg8[%parallel_loop3A_204, %parallel_loop3A_205], %parallel_loop3A_202 {strides = array<i32>} : memref<200x256xf32, #tpu.memory_space<vmem>>, vector<16xf32>,
        %parallel_loop3A_207 = arith.index_cast %parallel_loop3A_139 : i32 to index
        %parallel_loop3A_208 = arith.constant 144 : index
        %parallel_loop3A_209 = tpu.vector_load %arg8[%parallel_loop3A_207, %parallel_loop3A_208] {strides = array<i32>} : memref<200x256xf32, #tpu.memory_space<vmem>>, vector<16xf32>,
        tpu.vector_store %arg8[%parallel_loop3A_207, %parallel_loop3A_208], %parallel_loop3A_203 {strides = array<i32>} : memref<200x256xf32, #tpu.memory_space<vmem>>, vector<16xf32>,
        %parallel_loop3A_210 = arith.index_cast %and3A_72 : i32 to index
        %parallel_loop3A_211 = arith.index_cast %parallel_loop3A_163 : i32 to index
        %parallel_loop3A_212 = arith.index_cast %parallel_loop3A_179 : i32 to index
        %parallel_loop3A_213 = arith.constant 32 : index
        %parallel_loop3A_214 = tpu.vector_load %arg7[%parallel_loop3A_210, %parallel_loop3A_211, %parallel_loop3A_212, %parallel_loop3A_213] {strides = array<i32>} : memref<2x25x8x128xi32, #tpu.memory_space<vmem>>, vector<16xi32>,
        %parallel_loop3A_215 = tpu.vector_load_idx %arg6[%parallel_loop3A_214] : memref<10000xi32, #tpu.memory_space<vmem>>[vector<16xi32>], vector<16xi32>,
        %parallel_loop3A_216 = vector.bitcast %parallel_loop3A_215 : vector<16xi32> to vector<32xbf16>
        %parallel_loop3A_217 = tpu.unpack_subelements %parallel_loop3A_216, 0 {pack_format = #tpu.pack_format<interleaved>} : vector<32xbf16> -> vector<16xf32>
        %parallel_loop3A_218 = tpu.unpack_subelements %parallel_loop3A_216, 1 {pack_format = #tpu.pack_format<interleaved>} : vector<32xbf16> -> vector<16xf32>
        %parallel_loop3A_219 = arith.index_cast %parallel_loop3A_139 : i32 to index
        %parallel_loop3A_220 = arith.constant 32 : index
        %parallel_loop3A_221 = tpu.vector_load %arg8[%parallel_loop3A_219, %parallel_loop3A_220] {strides = array<i32>} : memref<200x256xf32, #tpu.memory_space<vmem>>, vector<16xf32>,
        tpu.vector_store %arg8[%parallel_loop3A_219, %parallel_loop3A_220], %parallel_loop3A_217 {strides = array<i32>} : memref<200x256xf32, #tpu.memory_space<vmem>>, vector<16xf32>,
        %parallel_loop3A_222 = arith.index_cast %parallel_loop3A_139 : i32 to index
        %parallel_loop3A_223 = arith.constant 160 : index
        %parallel_loop3A_224 = tpu.vector_load %arg8[%parallel_loop3A_222, %parallel_loop3A_223] {strides = array<i32>} : memref<200x256xf32, #tpu.memory_space<vmem>>, vector<16xf32>,
        tpu.vector_store %arg8[%parallel_loop3A_222, %parallel_loop3A_223], %parallel_loop3A_218 {strides = array<i32>} : memref<200x256xf32, #tpu.memory_space<vmem>>, vector<16xf32>,
        %parallel_loop3A_225 = arith.index_cast %and3A_72 : i32 to index
        %parallel_loop3A_226 = arith.index_cast %parallel_loop3A_163 : i32 to index
        %parallel_loop3A_227 = arith.index_cast %parallel_loop3A_179 : i32 to index
        %parallel_loop3A_228 = arith.constant 48 : index
        %parallel_loop3A_229 = tpu.vector_load %arg7[%parallel_loop3A_225, %parallel_loop3A_226, %parallel_loop3A_227, %parallel_loop3A_228] {strides = array<i32>} : memref<2x25x8x128xi32, #tpu.memory_space<vmem>>, vector<16xi32>,
        %parallel_loop3A_230 = tpu.vector_load_idx %arg6[%parallel_loop3A_229] : memref<10000xi32, #tpu.memory_space<vmem>>[vector<16xi32>], vector<16xi32>,
        %parallel_loop3A_231 = vector.bitcast %parallel_loop3A_230 : vector<16xi32> to vector<32xbf16>
        %parallel_loop3A_232 = tpu.unpack_subelements %parallel_loop3A_231, 0 {pack_format = #tpu.pack_format<interleaved>} : vector<32xbf16> -> vector<16xf32>
        %parallel_loop3A_233 = tpu.unpack_subelements %parallel_loop3A_231, 1 {pack_format = #tpu.pack_format<interleaved>} : vector<32xbf16> -> vector<16xf32>
        %parallel_loop3A_234 = arith.index_cast %parallel_loop3A_139 : i32 to index
        %parallel_loop3A_235 = arith.constant 48 : index
        %parallel_loop3A_236 = tpu.vector_load %arg8[%parallel_loop3A_234, %parallel_loop3A_235] {strides = array<i32>} : memref<200x256xf32, #tpu.memory_space<vmem>>, vector<16xf32>,
        tpu.vector_store %arg8[%parallel_loop3A_234, %parallel_loop3A_235], %parallel_loop3A_232 {strides = array<i32>} : memref<200x256xf32, #tpu.memory_space<vmem>>, vector<16xf32>,
        %parallel_loop3A_237 = arith.index_cast %parallel_loop3A_139 : i32 to index
        %parallel_loop3A_238 = arith.constant 176 : index
        %parallel_loop3A_239 = tpu.vector_load %arg8[%parallel_loop3A_237, %parallel_loop3A_238] {strides = array<i32>} : memref<200x256xf32, #tpu.memory_space<vmem>>, vector<16xf32>,
        tpu.vector_store %arg8[%parallel_loop3A_237, %parallel_loop3A_238], %parallel_loop3A_233 {strides = array<i32>} : memref<200x256xf32, #tpu.memory_space<vmem>>, vector<16xf32>,
        %parallel_loop3A_240 = arith.index_cast %and3A_72 : i32 to index
        %parallel_loop3A_241 = arith.index_cast %parallel_loop3A_163 : i32 to index
        %parallel_loop3A_242 = arith.index_cast %parallel_loop3A_179 : i32 to index
        %parallel_loop3A_243 = arith.constant 64 : index
        %parallel_loop3A_244 = tpu.vector_load %arg7[%parallel_loop3A_240, %parallel_loop3A_241, %parallel_loop3A_242, %parallel_loop3A_243] {strides = array<i32>} : memref<2x25x8x128xi32, #tpu.memory_space<vmem>>, vector<16xi32>,
        %parallel_loop3A_245 = tpu.vector_load_idx %arg6[%parallel_loop3A_244] : memref<10000xi32, #tpu.memory_space<vmem>>[vector<16xi32>], vector<16xi32>,
        %parallel_loop3A_246 = vector.bitcast %parallel_loop3A_245 : vector<16xi32> to vector<32xbf16>
        %parallel_loop3A_247 = tpu.unpack_subelements %parallel_loop3A_246, 0 {pack_format = #tpu.pack_format<interleaved>} : vector<32xbf16> -> vector<16xf32>
        %parallel_loop3A_248 = tpu.unpack_subelements %parallel_loop3A_246, 1 {pack_format = #tpu.pack_format<interleaved>} : vector<32xbf16> -> vector<16xf32>
        %parallel_loop3A_249 = arith.index_cast %parallel_loop3A_139 : i32 to index
        %parallel_loop3A_250 = arith.constant 64 : index
        %parallel_loop3A_251 = tpu.vector_load %arg8[%parallel_loop3A_249, %parallel_loop3A_250] {strides = array<i32>} : memref<200x256xf32, #tpu.memory_space<vmem>>, vector<16xf32>,
        tpu.vector_store %arg8[%parallel_loop3A_249, %parallel_loop3A_250], %parallel_loop3A_247 {strides = array<i32>} : memref<200x256xf32, #tpu.memory_space<vmem>>, vector<16xf32>,
        %parallel_loop3A_252 = arith.index_cast %parallel_loop3A_139 : i32 to index
        %parallel_loop3A_253 = arith.constant 192 : index
        %parallel_loop3A_254 = tpu.vector_load %arg8[%parallel_loop3A_252, %parallel_loop3A_253] {strides = array<i32>} : memref<200x256xf32, #tpu.memory_space<vmem>>, vector<16xf32>,
        tpu.vector_store %arg8[%parallel_loop3A_252, %parallel_loop3A_253], %parallel_loop3A_248 {strides = array<i32>} : memref<200x256xf32, #tpu.memory_space<vmem>>, vector<16xf32>,
        %parallel_loop3A_255 = arith.index_cast %and3A_72 : i32 to index
        %parallel_loop3A_256 = arith.index_cast %parallel_loop3A_163 : i32 to index
        %parallel_loop3A_257 = arith.index_cast %parallel_loop3A_179 : i32 to index
        %parallel_loop3A_258 = arith.constant 80 : index
        %parallel_loop3A_259 = tpu.vector_load %arg7[%parallel_loop3A_255, %parallel_loop3A_256, %parallel_loop3A_257, %parallel_loop3A_258] {strides = array<i32>} : memref<2x25x8x128xi32, #tpu.memory_space<vmem>>, vector<16xi32>,
        %parallel_loop3A_260 = tpu.vector_load_idx %arg6[%parallel_loop3A_259] : memref<10000xi32, #tpu.memory_space<vmem>>[vector<16xi32>], vector<16xi32>,
        %parallel_loop3A_261 = vector.bitcast %parallel_loop3A_260 : vector<16xi32> to vector<32xbf16>
        %parallel_loop3A_262 = tpu.unpack_subelements %parallel_loop3A_261, 0 {pack_format = #tpu.pack_format<interleaved>} : vector<32xbf16> -> vector<16xf32>
        %parallel_loop3A_263 = tpu.unpack_subelements %parallel_loop3A_261, 1 {pack_format = #tpu.pack_format<interleaved>} : vector<32xbf16> -> vector<16xf32>
        %parallel_loop3A_264 = arith.index_cast %parallel_loop3A_139 : i32 to index
        %parallel_loop3A_265 = arith.constant 80 : index
        %parallel_loop3A_266 = tpu.vector_load %arg8[%parallel_loop3A_264, %parallel_loop3A_265] {strides = array<i32>} : memref<200x256xf32, #tpu.memory_space<vmem>>, vector<16xf32>,
        tpu.vector_store %arg8[%parallel_loop3A_264, %parallel_loop3A_265], %parallel_loop3A_262 {strides = array<i32>} : memref<200x256xf32, #tpu.memory_space<vmem>>, vector<16xf32>,
        %parallel_loop3A_267 = arith.index_cast %parallel_loop3A_139 : i32 to index
        %parallel_loop3A_268 = arith.constant 208 : index
        %parallel_loop3A_269 = tpu.vector_load %arg8[%parallel_loop3A_267, %parallel_loop3A_268] {strides = array<i32>} : memref<200x256xf32, #tpu.memory_space<vmem>>, vector<16xf32>,
        tpu.vector_store %arg8[%parallel_loop3A_267, %parallel_loop3A_268], %parallel_loop3A_263 {strides = array<i32>} : memref<200x256xf32, #tpu.memory_space<vmem>>, vector<16xf32>,
        %parallel_loop3A_270 = arith.index_cast %and3A_72 : i32 to index
        %parallel_loop3A_271 = arith.index_cast %parallel_loop3A_163 : i32 to index
        %parallel_loop3A_272 = arith.index_cast %parallel_loop3A_179 : i32 to index
        %parallel_loop3A_273 = arith.constant 96 : index
        %parallel_loop3A_274 = tpu.vector_load %arg7[%parallel_loop3A_270, %parallel_loop3A_271, %parallel_loop3A_272, %parallel_loop3A_273] {strides = array<i32>} : memref<2x25x8x128xi32, #tpu.memory_space<vmem>>, vector<16xi32>,
        %parallel_loop3A_275 = tpu.vector_load_idx %arg6[%parallel_loop3A_274] : memref<10000xi32, #tpu.memory_space<vmem>>[vector<16xi32>], vector<16xi32>,
        %parallel_loop3A_276 = vector.bitcast %parallel_loop3A_275 : vector<16xi32> to vector<32xbf16>
        %parallel_loop3A_277 = tpu.unpack_subelements %parallel_loop3A_276, 0 {pack_format = #tpu.pack_format<interleaved>} : vector<32xbf16> -> vector<16xf32>
        %parallel_loop3A_278 = tpu.unpack_subelements %parallel_loop3A_276, 1 {pack_format = #tpu.pack_format<interleaved>} : vector<32xbf16> -> vector<16xf32>
        %parallel_loop3A_279 = arith.index_cast %parallel_loop3A_139 : i32 to index
        %parallel_loop3A_280 = arith.constant 96 : index
        %parallel_loop3A_281 = tpu.vector_load %arg8[%parallel_loop3A_279, %parallel_loop3A_280] {strides = array<i32>} : memref<200x256xf32, #tpu.memory_space<vmem>>, vector<16xf32>,
        tpu.vector_store %arg8[%parallel_loop3A_279, %parallel_loop3A_280], %parallel_loop3A_277 {strides = array<i32>} : memref<200x256xf32, #tpu.memory_space<vmem>>, vector<16xf32>,
        %parallel_loop3A_282 = arith.index_cast %parallel_loop3A_139 : i32 to index
        %parallel_loop3A_283 = arith.constant 224 : index
        %parallel_loop3A_284 = tpu.vector_load %arg8[%parallel_loop3A_282, %parallel_loop3A_283] {strides = array<i32>} : memref<200x256xf32, #tpu.memory_space<vmem>>, vector<16xf32>,
        tpu.vector_store %arg8[%parallel_loop3A_282, %parallel_loop3A_283], %parallel_loop3A_278 {strides = array<i32>} : memref<200x256xf32, #tpu.memory_space<vmem>>, vector<16xf32>,
        %parallel_loop3A_285 = arith.index_cast %and3A_72 : i32 to index
        %parallel_loop3A_286 = arith.index_cast %parallel_loop3A_163 : i32 to index
        %parallel_loop3A_287 = arith.index_cast %parallel_loop3A_179 : i32 to index
        %parallel_loop3A_288 = arith.constant 112 : index
        %parallel_loop3A_289 = tpu.vector_load %arg7[%parallel_loop3A_285, %parallel_loop3A_286, %parallel_loop3A_287, %parallel_loop3A_288] {strides = array<i32>} : memref<2x25x8x128xi32, #tpu.memory_space<vmem>>, vector<16xi32>,
        %parallel_loop3A_290 = tpu.vector_load_idx %arg6[%parallel_loop3A_289] : memref<10000xi32, #tpu.memory_space<vmem>>[vector<16xi32>], vector<16xi32>,
        %parallel_loop3A_291 = vector.bitcast %parallel_loop3A_290 : vector<16xi32> to vector<32xbf16>
        %parallel_loop3A_292 = tpu.unpack_subelements %parallel_loop3A_291, 0 {pack_format = #tpu.pack_format<interleaved>} : vector<32xbf16> -> vector<16xf32>
        %parallel_loop3A_293 = tpu.unpack_subelements %parallel_loop3A_291, 1 {pack_format = #tpu.pack_format<interleaved>} : vector<32xbf16> -> vector<16xf32>
        %parallel_loop3A_294 = arith.index_cast %parallel_loop3A_139 : i32 to index
        %parallel_loop3A_295 = arith.constant 112 : index
        %parallel_loop3A_296 = tpu.vector_load %arg8[%parallel_loop3A_294, %parallel_loop3A_295] {strides = array<i32>} : memref<200x256xf32, #tpu.memory_space<vmem>>, vector<16xf32>,
        tpu.vector_store %arg8[%parallel_loop3A_294, %parallel_loop3A_295], %parallel_loop3A_292 {strides = array<i32>} : memref<200x256xf32, #tpu.memory_space<vmem>>, vector<16xf32>,
        %parallel_loop3A_297 = arith.index_cast %parallel_loop3A_139 : i32 to index
        %parallel_loop3A_298 = arith.constant 240 : index
        %parallel_loop3A_299 = tpu.vector_load %arg8[%parallel_loop3A_297, %parallel_loop3A_298] {strides = array<i32>} : memref<200x256xf32, #tpu.memory_space<vmem>>, vector<16xf32>,
        tpu.vector_store %arg8[%parallel_loop3A_297, %parallel_loop3A_298], %parallel_loop3A_293 {strides = array<i32>} : memref<200x256xf32, #tpu.memory_space<vmem>>, vector<16xf32>,
      } {sc.loop_unroll_factor = 2 : i64, sc.parallel_access}
      %mul3A_127 = arith.constant 256 : i32
      %mul3A_128 = arith.muli %add3A_71, %mul3A_127 : i32
      %dma_start3A_129 = arith.constant 104 : i32
      %dma_start3A_130 = arith.constant 0 : i32
      %dma_start3A_131 = tpu.memref_slice %arg8[%dma_start3A_129, %dma_start3A_130] : memref<200x256xf32, #tpu.memory_space<vmem>> -> memref<96x256xf32, #tpu.memory_space<vmem>>
      %dma_start3A_132 = arith.constant 104 : i32
      %dma_start3A_133 = tpu.memref_slice %arg4[%dma_start3A_132, %mul3A_128] : memref<200x32768xf32, #tpu.memory_space<hbm>> -> memref<96x256xf32, #tpu.memory_space<hbm>>
      %dma_start3A_134 = arith.constant 104 : i32
      %dma_start3A_135 = tpu.memref_slice %arg4[%dma_start3A_134, %mul3A_128] : memref<200x32768xf32, #tpu.memory_space<hbm>> -> memref<96x256xf32, #tpu.memory_space<hbm>>
      %dma_start3A_136 = arith.constant 104 : i32
      %dma_start3A_137 = arith.constant 0 : i32
      %dma_start3A_138 = tpu.memref_slice %arg8[%dma_start3A_136, %dma_start3A_137] : memref<200x256xf32, #tpu.memory_space<vmem>> -> memref<96x256xf32, #tpu.memory_space<vmem>>
      tpu.enqueue_dma source(%dma_start3A_138 : memref<96x256xf32, #tpu.memory_space<vmem>>) target(%dma_start3A_135 : memref<96x256xf32, #tpu.memory_space<hbm>>) target_semaphore(%arg10 : memref<!tpu.dma_semaphore, #tpu.memory_space<semaphore_mem>>)
    }
    %scan3A_39 = arith.constant 4 : i32
    %mul3A_40 = arith.constant 4 : i32
    %mul3A_41 = arith.muli %add3A, %mul3A_40 : i32
    %add3A_42 = arith.constant 4 : i32
    %add3A_43 = arith.addi %mul3A_41, %add3A_42 : i32
    %sub3A = arith.constant 1 : i32
    %sub3A_44 = arith.subi %add3A_43, %sub3A : i32
    %mul3A_45 = arith.constant 256 : i32
    %mul3A_46 = arith.muli %sub3A_44, %mul3A_45 : i32
    %dma_wait3A = arith.constant 0 : i32
    %dma_wait3A_47 = arith.constant 0 : i32
    %dma_wait3A_48 = tpu.memref_slice %arg8[%dma_wait3A, %dma_wait3A_47] : memref<200x256xf32, #tpu.memory_space<vmem>> -> memref<104x256xf32, #tpu.memory_space<vmem>>
    %dma_wait3A_49 = arith.constant 0 : i32
    %dma_wait3A_50 = tpu.memref_slice %arg4[%dma_wait3A_49, %mul3A_46] : memref<200x32768xf32, #tpu.memory_space<hbm>> -> memref<104x256xf32, #tpu.memory_space<hbm>>
    %dma_wait3A_51 = arith.constant 0 : i32
    %dma_wait3A_52 = tpu.memref_slice %arg4[%dma_wait3A_51, %mul3A_46] : memref<200x32768xf32, #tpu.memory_space<hbm>> -> memref<104x256xf32, #tpu.memory_space<hbm>>
    %dma_wait3A_53 = arith.constant 0 : i32
    %dma_wait3A_54 = arith.constant 0 : i32
    %dma_wait3A_55 = tpu.memref_slice %arg8[%dma_wait3A_53, %dma_wait3A_54] : memref<200x256xf32, #tpu.memory_space<vmem>> -> memref<104x256xf32, #tpu.memory_space<vmem>>
    tpu.wait_dma2 semaphore(%arg9 : memref<!tpu.dma_semaphore, #tpu.memory_space<semaphore_mem>>) src(%dma_wait3A_55 : memref<104x256xf32, #tpu.memory_space<vmem>>) dst(%dma_wait3A_52 : memref<104x256xf32, #tpu.memory_space<hbm>>)
    %mul3A_56 = arith.constant 256 : i32
    %mul3A_57 = arith.muli %sub3A_44, %mul3A_56 : i32
    %dma_wait3A_58 = arith.constant 104 : i32
    %dma_wait3A_59 = arith.constant 0 : i32
    %dma_wait3A_60 = tpu.memref_slice %arg8[%dma_wait3A_58, %dma_wait3A_59] : memref<200x256xf32, #tpu.memory_space<vmem>> -> memref<96x256xf32, #tpu.memory_space<vmem>>
    %dma_wait3A_61 = arith.constant 104 : i32
    %dma_wait3A_62 = tpu.memref_slice %arg4[%dma_wait3A_61, %mul3A_57] : memref<200x32768xf32, #tpu.memory_space<hbm>> -> memref<96x256xf32, #tpu.memory_space<hbm>>
    %dma_wait3A_63 = arith.constant 104 : i32
    %dma_wait3A_64 = tpu.memref_slice %arg4[%dma_wait3A_63, %mul3A_57] : memref<200x32768xf32, #tpu.memory_space<hbm>> -> memref<96x256xf32, #tpu.memory_space<hbm>>
    %dma_wait3A_65 = arith.constant 104 : i32
    %dma_wait3A_66 = arith.constant 0 : i32
    %dma_wait3A_67 = tpu.memref_slice %arg8[%dma_wait3A_65, %dma_wait3A_66] : memref<200x256xf32, #tpu.memory_space<vmem>> -> memref<96x256xf32, #tpu.memory_space<vmem>>
    tpu.wait_dma2 semaphore(%arg10 : memref<!tpu.dma_semaphore, #tpu.memory_space<semaphore_mem>>) src(%dma_wait3A_67 : memref<96x256xf32, #tpu.memory_space<vmem>>) dst(%dma_wait3A_64 : memref<96x256xf32, #tpu.memory_space<hbm>>)
    return
  }
}

module attributes {stable_mosaic.version = 14 : i64} {
  func.func @_tc_body(%arg0: memref<10000x128xf32, #tpu.memory_space<vmem>>, %arg1: memref<2x128xf32, #tpu.memory_space<vmem>>, %arg2: memref<1x2xf32, #tpu.memory_space<vmem>>, %arg3: memref<10000x2xf32, #tpu.memory_space<vmem>>) attributes {dimension_semantics = [], scalar_prefetch = 0 : i64, scratch_operands = 0 : i64, tpu.core_type = #tpu.core_type<tc>} {
    %get3A = arith.constant 0 : index
    %get3A_0 = arith.constant 0 : index
    %get3A_1 = vector.load %arg0[%get3A, %get3A_0] : memref<10000x128xf32, #tpu.memory_space<vmem>>, vector<10000x128xf32>
    %get3A_2 = arith.constant 0 : index
    %get3A_3 = arith.constant 0 : index
    %get3A_4 = vector.load %arg1[%get3A_2, %get3A_3] : memref<2x128xf32, #tpu.memory_space<vmem>>, vector<2x128xf32>
    %dot_general3A = arith.constant dense<0.000000e+00> : vector<10000x2xf32>
    %dot_general3A_5 = tpu.matmul %get3A_1, %get3A_4, %dot_general3A {dimension_numbers = #tpu.dot_dimension_numbers<[1], [1], [0], [0], [0, 0, 1, 0], [], []>, precision = #tpu.contract_precision<fp32>, transpose_lhs_hint = false} : vector<10000x128xf32>, vector<2x128xf32>, vector<10000x2xf32> -> vector<10000x2xf32>
    %get3A_6 = arith.constant 0 : index
    %get3A_7 = arith.constant 0 : index
    %get3A_8 = vector.load %arg2[%get3A_6, %get3A_7] : memref<1x2xf32, #tpu.memory_space<vmem>>, vector<1x2xf32>
    %add3A = vector.broadcast %get3A_8 : vector<1x2xf32> to vector<10000x2xf32>
    %add3A_9 = arith.addf %dot_general3A_5, %add3A : vector<10000x2xf32>
    %swap3A = arith.constant 0 : index
    %swap3A_10 = arith.constant 0 : index
    %swap3A_11 = vector.load %arg3[%swap3A, %swap3A_10] : memref<10000x2xf32, #tpu.memory_space<vmem>>, vector<10000x2xf32>
    tpu.vector_store %arg3[%swap3A, %swap3A_10], %add3A_9 {strides = array<i32>} : memref<10000x2xf32, #tpu.memory_space<vmem>>, vector<10000x2xf32>,
    return
  }
}

</mosaic_0001>

<sc_bundles>
// kernel: kernel.4.cloned.1.call-start
scs
__scs_entry_jumppad:
0x0: {  	(pc) =	sbr.rel $0x88, $3  }
0x1: {  	(tag) =	ssettag $0x0;
	lr =	simm.s32 $0x1  }
0x2: {  	[smem:$0x3F9D] =	sst lr;
	_ =	strace $0xD0000000  }
0x3: {  	_ = 	snop  }
0x4: {  	_ = 	snop  }
0x5: {  	_ = 	snop  }
0x6: {  	_ = 	snop  }
0x7: {  	_ = 	snop  }
__scs_overlays_trampoline_lowered:
0x8: {  	[smem:$0x3FAC] =	sst s0  }
0x9: {  	[smem:$0x3FAD] =	sst s1  }
0xa: {  	[smem:$0x3FAE] =	sst s2  }
0xb: {  	[smem:$0x3FAF] =	sst s3  }
0xc: {  	[smem:$0x3FB0] =	sst s4  }
0xd: {  	[smem:$0x3FB1] =	sst s5  }
0xe: {  	[smem:$0x3FB2] =	sst s6  }
0xf: {  	[smem:$0x3FB3] =	sst s7  }
0x10: {  	[smem:$0x3FB4] =	sst s8  }
0x11: {  	[smem:$0x3FB5] =	sst s9;
	s0 =	simm.s32 @!p0 $0x0  }
0x12: {  	s1 =	sld [smem:$0x3F9B];
	s0 =	simm.s32 @p0 $0x1  }
0x13: {  	[smem:$0x3FB6] =	sst s0;
	s0 =	simm.s32 @!p1 $0x0  }
0x14: {  	s2 =	sld [smem:$0x3F9A];
	s0 =	simm.s32 @p1 $0x1  }
0x15: {  	[smem:$0x3FB7] =	sst s0;
	s0 =	simm.s32 @!p2 $0x0  }
0x16: {  	s3 =	sld [smem:$0x3FDB];
	s0 =	simm.s32 @p2 $0x1  }
0x17: {  	s4 =	simm.s32 $0x1BF5;
	[smem:$0x3FB9] =	sst s0  }
0x18: {  	s0 =	sld [smem:$0x3F9C];
	_ =	swait.ge [sflag:s4], $0x0  }
0x19: {  	s7 =	sld [smem:$0x3F9D]  }
0x1a: {  	s8 =	sadd.s32 $0xFFFFE003, lr  }
0x1b: {  	s9 =	sadd.s32 $0xFFFFFEF7, lr;
	s5 =	simm.s32 $0xFFFFFFFF;
	p2 =	slt.u32 s8, $0xFFFFF086  }
0x1c: {  	p1 =	slt.u32 s9, $0xF7A;
	s5 =	simm.s32 @!p2 $0x0  }
0x1d: {  	s5 =	simm.s32 @p1 $0x1;
	p0 =	seq.s32 s7, s2  }
0x1e: {  	s7 =	smul.u32 @!p0 $0xF7A, s2;
	p2 =	seq.s32 @!p0 s5, $0x0  }
0x1f: {  	s9 =	smul.u32 $0xF7A, s1;
	s8 =	simm.s32 @!p0 $0x1BF5;
	p2 =	por !p2, p0  }
0x20: {  	[sflag:s8] =	ssyncset.s32 @!p0 $0xFFFFF086;
	s6 =	sadd.s32 @!p0 s3, s7;
	s7 =	simm.s32 @!p0 $0x108  }
0x21: {  	s3 =	sadd.s32 s3, s9;
	s6 =	sadd.s32 @!p0 $0x88, s6;
	s7 =	simm.s32 @p2 $0x1082  }
0x22: {  	[simem:s7], [sflag:s8] =	dma.local @!p0 [hbm:s6], $0xF7A  }
0x23: {  	s9 =	sor.u32 $0xD0000000, s2;
	s6 =	simm.s32 $0x108;
	_ =	swait.ge @!p0 [sflag:s8], $0x0  }
0x24: {  	s3 =	sadd.s32 $0x88, s3;
	s6 =	simm.s32 @!p1 $0x1082;
	[sflag:s4] =	ssyncset.s32 $0xFFFFF086  }
0x25: {  	[simem:s6], [sflag:s4] =	dma.local [hbm:s3], $0xF7A  }
0x26: {  	[smem:$0x3F9D] =	sst s1;
	(tag) =	ssettag s2;
	_ =	strace s9  }
0x27: {  	s1 =	sld [smem:$0x3FAD]  }
0x28: {  	s2 =	sld [smem:$0x3FAE]  }
0x29: {  	s4 =	sld [smem:$0x3FB0]  }
0x2a: {  	p0 =	seq.s32 s5, $0x0;
	s5 =	sld [smem:$0x3FB1]  }
0x2b: {  	s6 =	sld [smem:$0x3FB2]  }
0x2c: {  	s7 =	sld [smem:$0x3FB3]  }
0x2d: {  	s3 =	simm.s32 $0x108;
	s8 =	sld [smem:$0x3FB4]  }
0x2e: {  	s3 =	simm.s32 @!p0 $0x1082;
	s9 =	sld [smem:$0x3FB5]  }
0x2f: {  	lr =	sadd.s32 s0, s3;
	s0 =	sld [smem:$0x3FAC]  }
0x30: {  	s3 =	sld [smem:$0x3FAF]  }
0x31: {  	[smem:$0x3FB8] =	sst s10  }
0x32: {  	s10 =	sld [smem:$0x3FB6];
	_ =	sdelay $0x3  }
0x33: {  	p0 =	seq.s32 s10, $0x1;
	s10 =	sld [smem:$0x3FB8];
	_ =	sdelay $0x3  }
0x34: {  	[smem:$0x3FB8] =	sst s10  }
0x35: {  	s10 =	sld [smem:$0x3FB7];
	_ =	sdelay $0x3  }
0x36: {  	p1 =	seq.s32 s10, $0x1;
	s10 =	sld [smem:$0x3FB8];
	_ =	sdelay $0x3  }
0x37: {  	[smem:$0x3FB8] =	sst s10  }
0x38: {  	s10 =	sld [smem:$0x3FB9]  }
0x39: {  	_ = 	snop;
	(pc) =	sbr.ind lr, $3  }
0x3a: {  	_ = 	snop  }
0x3b: {  	_ = 	snop  }
0x3c: {  	p2 =	seq.s32 s10, $0x1;
	s10 =	sld [smem:$0x3FB8]  }
0x3d: {  	_ =	shalt  }
0x3e: {  	_ =	shalt  }
0x3f: {  	_ =	shalt  }
0x40: {  	_ =	shalt  }
0x41: {  	_ =	shalt  }
0x42: {  	_ =	shalt  }
0x43: {  	_ =	shalt  }
0x44: {  	_ =	shalt  }
0x45: {  	_ =	shalt  }
0x46: {  	_ =	shalt  }
0x47: {  	_ =	shalt  }
0x48: {  	_ =	shalt  }
0x49: {  	_ =	shalt  }
0x4a: {  	_ =	shalt  }
0x4b: {  	_ =	shalt  }
0x4c: {  	_ =	shalt  }
0x4d: {  	_ =	shalt  }
0x4e: {  	_ =	shalt  }
0x4f: {  	_ =	shalt  }
0x50: {  	_ =	shalt  }
0x51: {  	_ =	shalt  }
0x52: {  	_ =	shalt  }
0x53: {  	_ =	shalt  }
0x54: {  	_ =	shalt  }
0x55: {  	_ =	shalt  }
0x56: {  	_ =	shalt  }
0x57: {  	_ =	shalt  }
0x58: {  	_ =	shalt  }
0x59: {  	_ =	shalt  }
0x5a: {  	_ =	shalt  }
0x5b: {  	_ =	shalt  }
0x5c: {  	_ =	shalt  }
0x5d: {  	_ =	shalt  }
0x5e: {  	_ =	shalt  }
0x5f: {  	_ =	shalt  }
0x60: {  	_ =	shalt  }
0x61: {  	_ =	shalt  }
0x62: {  	_ =	shalt  }
0x63: {  	_ =	shalt  }
0x64: {  	_ =	shalt  }
0x65: {  	_ =	shalt  }
0x66: {  	_ =	shalt  }
0x67: {  	_ =	shalt  }
0x68: {  	_ =	shalt  }
0x69: {  	_ =	shalt  }
0x6a: {  	_ =	shalt  }
0x6b: {  	_ =	shalt  }
0x6c: {  	_ =	shalt  }
0x6d: {  	_ =	shalt  }
0x6e: {  	_ =	shalt  }
0x6f: {  	_ =	shalt  }
0x70: {  	_ =	shalt  }
0x71: {  	_ =	shalt  }
0x72: {  	_ =	shalt  }
0x73: {  	_ =	shalt  }
0x74: {  	_ =	shalt  }
0x75: {  	_ =	shalt  }
0x76: {  	_ =	shalt  }
0x77: {  	_ =	shalt  }
0x78: {  	_ =	shalt  }
0x79: {  	_ =	shalt  }
0x7a: {  	_ =	shalt  }
0x7b: {  	_ =	shalt  }
0x7c: {  	_ =	shalt  }
0x7d: {  	_ =	shalt  }
0x7e: {  	_ =	shalt  }
0x7f: {  	_ =	shalt  }
0x80: {  	_ =	shalt  }
0x81: {  	_ =	shalt  }
0x82: {  	_ =	shalt  }
0x83: {  	_ =	shalt  }
0x84: {  	_ =	shalt  }
0x85: {  	_ =	shalt  }
0x86: {  	_ =	shalt  }
0x87: {  	_ =	shalt  }
.Lfunc_end0:
.L_simem_size_0:
called_computation_lowered:
.L_overlay_start_0:
0x88: {  	s2 =	sld [smem:$0x3FD9]  }
0x89: {  	s3 =	sld [smem:$0x3FFE];
	_ =	sdelay $0x1  }
0x8a: {  	s1 =	srdreg.scid  }
0x8b: {  	s0 =	sand.u32 $0x1, s1  }
0x8c: {  	s17 =	sshll.u32 s0, $0xA;
	s2 =	sadd.s32 s3, s2  }
0x8d: {  	s2 =	sadd.s32 s2, s17  }
0x8e: {  	[smem:$0x3FC4] =	sst s2  }
0x8f: {  	_ = 	snop  }
0x90: {  	s2 =	sld [smem:$0x3FC9]  }
0x91: {  	s18 =	sld [smem:$0x3FD0];
	(tm) =	ssettm $0x1  }
0x92: {  	s4 =	sld [smem:$0x3FFB];
	_ =	sdelay $0x3  }
0x93: {  	_ =	strace s4  }
0x94: {  	s4 =	sld [smem:$0x3FFC];
	_ =	sdelay $0x3  }
0x95: {  	_ =	strace s4  }
0x96: {  	s4 =	sld [smem:$0x3FFD];
	_ =	sdelay $0x3  }
0x97: {  	_ =	strace s4  }
0x98: {  	_ =	strace $0x8FFFFFFF  }
0x99: {  	s19 =	sld [smem:$0x3FDB];
	_ =	sdelay $0x1  }
0x9a: {  	s5 =	simm.s32 $_scs_section_size  }
0x9b: {  	s6 =	simm.s32 $_size__tile_overlayer_lowered;
	s7 =	simm.s32 $_tile_overlayer_lowered  }
0x9c: {  	s22 =	simm.s32 $0x1BFF;
	s21 =	sshll.u32 s7, $0x1;
	s4 =	sadd.s32 s5, s19  }
0x9d: {  	s8 =	simm.s32 $0x0;
	s20 =	sshll.u32 s6, $0x1;
	s6 =	sadd.s32 s21, s4  }
0x9e: {  	[timem:s8], [sflag:s22] =	dma.local [hbm:s6], s20  }
0x9f: {  	_ =	swait.ge [sflag:s22], s20  }
0xa0: {  	s5 =	ssub.s32 $0x0, s20;
	[sflag:s22] =	ssyncset.done $0x0  }
0xa1: {  	[sflag:s22] =	ssyncadd.s32 s5;
	_ =	sdelay $0x1  }
0xa2: {  	s23 =	simm.s32 $0x1B8B  }
0xa3: {  	_ =	swait.ge [sflag:s23], $0x1  }
0xa4: {  	[sflag:s23] =	ssyncset.done $0x0  }
0xa5: {  	s25 =	simm.s32 $0x1B8E;
	s24 =	sld [smem:$0x3FFE];
	[sflag:s23] =	ssyncadd.s32 $0xFFFFFFFF  }
0xa6: {  	s26 =	simm.s32 $execute0_lowered;
	[smem:$0x3FD2] =	sst s25  }
0xa7: {  	s6 =	sshll.u32 s26, $0x1;
	_ =	strace $0x80000046;
	[dreg:$0x1] =	wrdreg $0xFFFFFFFF  }
0xa8: {  	s28 =	simm.s32 $_size_execute0_lowered;
	s4 =	sadd.s32 s4, s6;
	[dreg:$0x0] =	wrdreg $0x0  }
0xa9: {  	s6 =	sshll.u32 s28, $0x1;
	[dreg:$0x2] =	wrdreg s4  }
0xaa: {  	[dreg:$0x3] =	wrdreg s6  }
0xab: {  	[dreg:$0x4] =	wrdreg $0xC0  }
0xac: {  	_ =	task [dreg:s8], $0x5FFFF  }
0xad: {  	[dreg:$0x1] =	wrdreg $0xFFFFFFFF  }
0xae: {  	[dreg:$0x0] =	wrdreg $0x60  }
0xaf: {  	[dreg:$0x2] =	wrdreg s18  }
0xb0: {  	[dreg:$0x3] =	wrdreg s2  }
0xb1: {  	[dreg:$0x4] =	wrdreg s24  }
0xb2: {  	[dreg:$0x5] =	wrdreg $0x9  }
0xb3: {  	_ =	task.clear_ibuf [dreg:s8], $0x6FFFF;
	_ =	strace $0x90000046  }
0xb4: {  	s29 =	simm.s32 $0x9;
	_ =	strace $0x80000048  }
0xb5: {  	_ =	swait.ge [sflag:s29], $0x1  }
0xb6: {  	[sflag:s29] =	ssyncadd.s32 $0xFFFFFFFF  }
0xb7: {  	_ =	strace $0x90000048  }
0xb8: {  	_ =	sfence  }
0xb9: {  	s30 =	sld [smem:$0x0];
	_ =	sdelay $0x2  }
0xba: {  	s31 =	sshll.u32 s1, $0xD;
	s1 =	sshrl.u32 s1, $0x2  }
0xbb: {  	s3 =	sand.u32 $0x4000, s31;
	s1 =	sadd.s32 s1, s30  }
0xbc: {  	s0 =	sor.u32 s3, s0;
	s1 =	sshll.u32 s1, $0x11  }
0xbd: {  	s0 =	sor.u32 s1, s0  }
0xbe: {  	s0 =	sadd.s32 $0x8F2B, s0  }
0xbf: {  	[sflag:s0] =	ssyncadd.remote.s32 $0x1  }
0xc0: {  	_ =	sfence.sel $0xFFFF  }
0xc1: {  	[dreg:$0x0] =	wrdreg $0xFFFFFFFF;
	(pc) =	sbr.abs _section_cstart, $3  }
0xc2: {  	[dreg:$0x1] =	wrdreg $0xFFFFFFFF  }
0xc3: {  	_ =	task.clear_ibuf [dreg:s8], $0x2FFFF;
	_ =	strace $0x9FFFFFFF  }
0xc4: {  	(tm) =	ssettm $0x7FFFFFFF  }
0xc5: {  	_ =	shalt  }
tec
execute0_lowered:
.L_overlay_start_1:
0x0: {  	(tag) =	ssettag $0x1  }
0x1: {  	s4 =	rddreg [dreg:$0x0]  }
0x2: {  	s6 =	rddreg [dreg:$0x1]  }
0x3: {  	s0 =	rddreg [dreg:$0x2];
	s7 =	simm.s32 $0x0;
	s1 =	srdreg.scid  }
0x4: {  	s3 =	stileid.u32;
	[smem:$0x7FF] =	sst s7;
	s1 =	sand.u32 $0x1, s1  }
0x5: {  	s3 =	sshll.u32 s3, $0x3;
	s24 =	sadd.s32 $0xA00, s0;
	s29 =	sadd.s32 $0x3E8, s4  }
0x6: {  	s30 =	sadd.s32 $0x7D0, s4;
	_ =	strace $0x80000047;
	[dreg:$0x5] =	wrdreg s24  }
0x7: {  	s2 =	ssub.s32 $0x2, s1;
	s1 =	sshll.u32 s1, $0x2;
	[dreg:$0x7] =	wrdreg s29  }
0x8: {  	s0 =	sadd.s32 $0x68A00, s0;
	[dreg:$0x8] =	wrdreg s30;
	s25 =	sor.u32 s1, s3  }
0x9: {  	v0 =	vlaneseq.u32;
	[dreg:$0x9] =	wrdreg s0;
	s5 =	sshrl.u32 s2, $0x1;
	s28 =	sshll.u32 s25, $0x7  }
0xa: {  	v0 =	vmul.u32 $0x2, v0;
	s26 =	ssub.s32 s2, s5;
	[dreg:$0x4] =	wrdreg s25;
	s2 =	sadd.s32 s6, s28  }
0xb: {  	s31 =	smax.u32 s26, $0x1;
	[dreg:$0x6] =	wrdreg s2  }
0xc: {  	s17 =	simm.s32 $0x1F80;
	v1 =	vor.u32 $0x1, v0;
	[dreg:$0xa] =	wrdreg s31;
	s2 =	simm.s32 $0x0  }
.LBB2_1:
0xd: {  	[dreg:$0xb] =	wrdreg s2  }
0xe: {  	s0 =	rddreg [dreg:$0x6]  }
0xf: {  	s1 =	simm.s32 $0x400;
	s18 =	simm.s32 $0x20000;
	s3 =	simm.s32 $0x4700  }
0x10: {  	[tilespmem:s3], [sflag:$0x3] =	stream.strided.gather [hbm4b:s0+s1], $0x6400, s18, s1, $0x38;
	[tilespmem:$0x1D700] =	vst v63  }
0x11: {  	v2 =	vor.u32 s7, v0;
	s19 =	simm.s32 $0x80;
	s20 =	rddreg [dreg:$0x0];
	s21 =	simm.s32 $0x4  }
0x12: {  	v3 =	vor.u32 s19, v0;
	[tilespmem:s7], [sflag:$0x4] =	stream.linear.gather [hbm4b:s20+s7], $0x1F40, $0x38;
	[tilespmem:$0x1D700] =	vst v63  }
0x13: {  	s22 =	simm.s32 $0x20;
	v4 =	vor.u32 s19, v1;
	_ =	swait.ge [sflag:s21], $0x1F40  }
0x14: {  	v5 =	vor.u32 s22, v0;
	[sflag:s21] =	ssyncset.done $0x0  }
0x15: {  	s23 =	simm.s32 $0x40;
	v6 =	vor.u32 s22, v1;
	[sflag:s21] =	ssyncadd.s32 $0xFFFFE0C0  }
0x16: {  	v7 =	vor.u32 s23, v0;
	v2 =	vld.idx.msk [tilespmem:v2+s7+$0x0], $0xffff  }
0x17: {  	s24 =	simm.s32 $0x60;
	v8 =	vor.u32 s23, v1;
	v3 =	vld.idx.msk [tilespmem:v3+s7+$0x0], $0xffff  }
0x18: {  	v9 =	vor.u32 s24, v0;
	v10 =	vld.idx.msk [tilespmem:v4+s7+$0x0], $0xffff  }
0x19: {  	v4 =	vor.u32 s24, v1;
	v12 =	vld.idx.msk [tilespmem:v5+s7+$0x0], $0xffff  }
0x1a: {  	s26 =	simm.s32 $0xA0;
	v5 =	vor.u32 s7, v1;
	v6 =	vld.idx.msk [tilespmem:v6+s7+$0x0], $0xffff  }
0x1b: {  	s28 =	simm.s32 $0x120;
	v13 =	vor.u32 s26, v0;
	v14 =	vld.idx.msk [tilespmem:v7+s7+$0x0], $0xffff  }
0x1c: {  	v7 =	vor.u32 s28, v0;
	v15 =	vld.idx.msk [tilespmem:v8+s7+$0x0], $0xffff  }
0x1d: {  	v8 =	vor.u32 s28, v1;
	v16 =	vld.idx.msk [tilespmem:v9+s7+$0x0], $0xffff  }
0x1e: {  	s29 =	simm.s32 $0xC0;
	v17 =	vld.idx.msk [tilespmem:v4+s7+$0x0], $0xffff  }
0x1f: {  	v9 =	vor.u32 s29, v0;
	v11 =	vld.idx.msk [tilespmem:v5+s7+$0x0], $0xffff  }
0x20: {  	s30 =	simm.s32 $0xE0;
	v18 =	vor.u32 s29, v1;
	v4 =	vld.idx.msk [tilespmem:v13+s7+$0x0], $0xffff  }
0x21: {  	v5 =	vld.idx.msk [tilespmem:v7+s7+$0x0], $0xffff;
	v13 =	vor.u32 s30, v0  }
0x22: {  	s31 =	simm.s32 $0x100;
	s0 =	simm.s32 $0x1FA0;
	v10 =	vpack.i.f32.bf16 v10, v3;
	v7 =	vld.idx.msk [tilespmem:v8+s7+$0x0], $0xffff;
	v8 =	vor.u32 s30, v1  }
0x23: {  	v6 =	vpack.i.f32.bf16 v6, v12;
	[tilespmem:s0+$0x20] =	vst v10;
	v10 =	vor.u32 s31, v0  }
0x24: {  	v12 =	vpack.i.f32.bf16 v15, v14;
	[tilespmem:s0+$0xFFFFFFF0] =	vst v6;
	v6 =	vld.idx.msk [tilespmem:v9+s7+$0x0], $0xffff;
	v9 =	vor.u32 s31, v1  }
0x25: {  	s2 =	simm.s32 $0x140;
	s1 =	simm.s32 $0x5;
	v3 =	vor.u32 s26, v1;
	[tilespmem:s0+$0x0] =	vst v12;
	v12 =	vld.idx.msk [tilespmem:v18+s7+$0x0], $0xffff;
	v14 =	vpack.i.f32.bf16 v17, v16  }
.LBB2_2:
0x26: {  	v15 =	vor.u32 s2, v0;
	v16 =	vor.u32 s2, v1;
	s3 =	sadd.s32 $0x20, s2;
	s5 =	sadd.s32 $0x40, s2;
	s6 =	sadd.s32 $0x80, s2;
	v17 =	vld.idx.msk [tilespmem:v13+s7+$0x0], $0xffff;
	v11 =	vpack.i.f32.bf16 v11, v2;
	[tilespmem:s0+$0x10] =	vst v14  }
0x27: {  	s1 =	sadd.s32 $0x5, s1;
	v2 =	vmovc v4;
	v14 =	vor.u32 s3, v0;
	v18 =	vor.u32 s3, v1;
	s3 =	sadd.s32 $0x60, s2;
	v19 =	vor.u32 s6, v0;
	v20 =	vld.idx.msk [tilespmem:v8+s7+$0x0], $0xffff;
	[tilespmem:s0+$0xFFFFFFE0] =	vst v11  }
0x28: {  	v13 =	vor.u32 s5, v0;
	v8 =	vor.u32 s5, v1;
	v21 =	vor.u32 s6, v1;
	p0 =	slt.u32 s1, $0xF5;
	v22 =	vld.idx.msk [tilespmem:v10+s7+$0x0], $0xffff  }
0x29: {  	s0 =	sadd.s32 $0x50, s0;
	v10 =	vor.u32 s3, v0;
	v4 =	vpack.i.f32.bf16 v7, v5;
	v23 =	vld.idx.msk [tilespmem:v9+s7+$0x0], $0xffff;
	v9 =	vor.u32 s3, v1  }
0x2a: {  	v11 =	vld.idx.msk [tilespmem:v3+s7+$0x0], $0xffff;
	[tilespmem:s0+$0x20] =	vst v4;
	v3 =	vmov v16  }
.Ltmp0:
0x2b: {  	v6 =	vpack.i.f32.bf16 v12, v6;
	v4 =	vld.idx.msk [tilespmem:v15+s7+$0x0], $0xffff;
	(pc) =	sbr.rel @p0 .LBB2_2-.Ltmp0, $4  }
0x2c: {  	v5 =	vld.idx.msk [tilespmem:v19+s7+$0x0], $0xffff;
	[tilespmem:s0+$0xFFFFFFF0] =	vst v6  }
0x2d: {  	v12 =	vpack.i.f32.bf16 v20, v17;
	v7 =	vld.idx.msk [tilespmem:v21+s7+$0x0], $0xffff  }
0x2e: {  	v6 =	vld.idx.msk [tilespmem:v14+s7+$0x0], $0xffff;
	[tilespmem:s0+$0x0] =	vst v12  }
0x2f: {  	s2 =	sadd.s32 $0xA0, s2;
	v14 =	vpack.i.f32.bf16 v23, v22;
	v12 =	vld.idx.msk [tilespmem:v18+s7+$0x0], $0xffff  }
0x30: {  	_ =	sdelay $0x3  }
0x31: {  	v13 =	vld.idx.msk [tilespmem:v13+s7+$0x0], $0xffff  }
0x32: {  	v8 =	vld.idx.msk [tilespmem:v8+s7+$0x0], $0xffff  }
0x33: {  	v10 =	vld.idx.msk [tilespmem:v10+s7+$0x0], $0xffff  }
0x34: {  	v3 =	vld.idx.msk [tilespmem:v3+s7+$0x0], $0xffff  }
0x35: {  	v9 =	vld.idx.msk [tilespmem:v9+s7+$0x0], $0xffff;
	v2 =	vpack.i.f32.bf16 v11, v2;
	[tilespmem:s0+$0x10] =	vst v14  }
0x36: {  	s20 =	sadd.s32 $0x50, s0;
	[tilespmem:s0+$0xFFFFFFE0] =	vst v2;
	v2 =	vpack.i.f32.bf16 v7, v5  }
0x37: {  	[tilespmem:s20+$0x20] =	vst v2;
	v2 =	vpack.i.f32.bf16 v12, v6  }
0x38: {  	[tilespmem:s20+$0xFFFFFFF0] =	vst v2;
	v2 =	vpack.i.f32.bf16 v8, v13  }
0x39: {  	v3 =	vpack.i.f32.bf16 v3, v4;
	[tilespmem:s20+$0x0] =	vst v2  }
0x3a: {  	v2 =	vpack.i.f32.bf16 v9, v10;
	[tilespmem:s20+$0xFFFFFFE0] =	vst v3  }
0x3b: {  	s1 =	simm.s32 $0x0;
	[tilespmem:s20+$0x10] =	vst v2  }
0x3c: {  	s21 =	simm.s32 $0x80;
	s3 =	simm.s32 $0x4;
	v2 =	vor.u32 s1, v0;
	s2 =	rddreg [dreg:$0x7]  }
0x3d: {  	v3 =	vor.u32 s21, v0;
	[tilespmem:s1], [sflag:$0x4] =	stream.linear.gather [hbm4b:s2+s1], $0x1F40, $0x38;
	[tilespmem:$0x1D700] =	vst v63  }
0x3e: {  	s22 =	simm.s32 $0x20;
	v4 =	vor.u32 s21, v1;
	_ =	swait.ge [sflag:s3], $0x1F40  }
0x3f: {  	v5 =	vor.u32 s22, v0;
	[sflag:s3] =	ssyncset.done $0x0  }
0x40: {  	s23 =	simm.s32 $0x40;
	v6 =	vor.u32 s22, v1;
	[sflag:s3] =	ssyncadd.s32 $0xFFFFE0C0  }
0x41: {  	v7 =	vor.u32 s23, v0;
	v2 =	vld.idx.msk [tilespmem:v2+s7+$0x0], $0xffff  }
0x42: {  	s24 =	simm.s32 $0x60;
	v8 =	vor.u32 s23, v1;
	v3 =	vld.idx.msk [tilespmem:v3+s7+$0x0], $0xffff  }
0x43: {  	v9 =	vor.u32 s24, v0;
	v10 =	vld.idx.msk [tilespmem:v4+s7+$0x0], $0xffff  }
0x44: {  	v4 =	vor.u32 s24, v1;
	v12 =	vld.idx.msk [tilespmem:v5+s7+$0x0], $0xffff  }
0x45: {  	s26 =	simm.s32 $0xA0;
	v5 =	vor.u32 s1, v1;
	v6 =	vld.idx.msk [tilespmem:v6+s7+$0x0], $0xffff  }
0x46: {  	s28 =	simm.s32 $0x120;
	v13 =	vor.u32 s26, v0;
	v14 =	vld.idx.msk [tilespmem:v7+s7+$0x0], $0xffff  }
0x47: {  	v7 =	vor.u32 s28, v0;
	v15 =	vld.idx.msk [tilespmem:v8+s7+$0x0], $0xffff  }
0x48: {  	v8 =	vor.u32 s28, v1;
	v16 =	vld.idx.msk [tilespmem:v9+s7+$0x0], $0xffff  }
0x49: {  	s29 =	simm.s32 $0xC0;
	v17 =	vld.idx.msk [tilespmem:v4+s7+$0x0], $0xffff  }
0x4a: {  	v9 =	vor.u32 s29, v0;
	v11 =	vld.idx.msk [tilespmem:v5+s7+$0x0], $0xffff  }
0x4b: {  	s30 =	simm.s32 $0xE0;
	v18 =	vor.u32 s29, v1;
	v4 =	vld.idx.msk [tilespmem:v13+s7+$0x0], $0xffff  }
0x4c: {  	v5 =	vld.idx.msk [tilespmem:v7+s7+$0x0], $0xffff;
	v13 =	vor.u32 s30, v0  }
0x4d: {  	s31 =	simm.s32 $0x100;
	s0 =	simm.s32 $0x2F60;
	v10 =	vpack.i.f32.bf16 v10, v3;
	v7 =	vld.idx.msk [tilespmem:v8+s7+$0x0], $0xffff;
	v8 =	vor.u32 s30, v1  }
0x4e: {  	v6 =	vpack.i.f32.bf16 v6, v12;
	[tilespmem:s0+$0x0] =	vst v10;
	v10 =	vor.u32 s31, v0  }
0x4f: {  	v12 =	vpack.i.f32.bf16 v15, v14;
	[tilespmem:s0+$0xFFFFFFD0] =	vst v6;
	v6 =	vld.idx.msk [tilespmem:v9+s7+$0x0], $0xffff;
	v9 =	vor.u32 s31, v1  }
0x50: {  	s2 =	simm.s32 $0x140;
	s1 =	simm.s32 $0x5;
	v3 =	vor.u32 s26, v1;
	[tilespmem:s0+$0xFFFFFFE0] =	vst v12;
	v12 =	vld.idx.msk [tilespmem:v18+s7+$0x0], $0xffff;
	v14 =	vpack.i.f32.bf16 v17, v16  }
.LBB2_4:
0x51: {  	v15 =	vor.u32 s2, v0;
	v16 =	vor.u32 s2, v1;
	s3 =	sadd.s32 $0x20, s2;
	s5 =	sadd.s32 $0x40, s2;
	s6 =	sadd.s32 $0x80, s2;
	v17 =	vld.idx.msk [tilespmem:v13+s7+$0x0], $0xffff;
	v11 =	vpack.i.f32.bf16 v11, v2;
	[tilespmem:s0+$0xFFFFFFF0] =	vst v14  }
0x52: {  	s1 =	sadd.s32 $0x5, s1;
	v2 =	vmovc v4;
	v14 =	vor.u32 s3, v0;
	v18 =	vor.u32 s3, v1;
	s3 =	sadd.s32 $0x60, s2;
	v19 =	vor.u32 s6, v0;
	v20 =	vld.idx.msk [tilespmem:v8+s7+$0x0], $0xffff;
	[tilespmem:s0+$0xFFFFFFC0] =	vst v11  }
0x53: {  	v13 =	vor.u32 s5, v0;
	v8 =	vor.u32 s5, v1;
	v21 =	vor.u32 s6, v1;
	p0 =	slt.u32 s1, $0xF5;
	v22 =	vld.idx.msk [tilespmem:v10+s7+$0x0], $0xffff  }
0x54: {  	s0 =	sadd.s32 $0x50, s0;
	v10 =	vor.u32 s3, v0;
	v4 =	vpack.i.f32.bf16 v7, v5;
	v23 =	vld.idx.msk [tilespmem:v9+s7+$0x0], $0xffff;
	v9 =	vor.u32 s3, v1  }
0x55: {  	v11 =	vld.idx.msk [tilespmem:v3+s7+$0x0], $0xffff;
	[tilespmem:s0+$0x0] =	vst v4;
	v3 =	vmov v16  }
.Ltmp1:
0x56: {  	v6 =	vpack.i.f32.bf16 v12, v6;
	v4 =	vld.idx.msk [tilespmem:v15+s7+$0x0], $0xffff;
	(pc) =	sbr.rel @p0 .LBB2_4-.Ltmp1, $4  }
0x57: {  	v5 =	vld.idx.msk [tilespmem:v19+s7+$0x0], $0xffff;
	[tilespmem:s0+$0xFFFFFFD0] =	vst v6  }
0x58: {  	v12 =	vpack.i.f32.bf16 v20, v17;
	v7 =	vld.idx.msk [tilespmem:v21+s7+$0x0], $0xffff  }
0x59: {  	v6 =	vld.idx.msk [tilespmem:v14+s7+$0x0], $0xffff;
	[tilespmem:s0+$0xFFFFFFE0] =	vst v12  }
0x5a: {  	s2 =	sadd.s32 $0xA0, s2;
	v14 =	vpack.i.f32.bf16 v23, v22;
	v12 =	vld.idx.msk [tilespmem:v18+s7+$0x0], $0xffff  }
0x5b: {  	_ =	sdelay $0x3  }
0x5c: {  	v13 =	vld.idx.msk [tilespmem:v13+s7+$0x0], $0xffff  }
0x5d: {  	v8 =	vld.idx.msk [tilespmem:v8+s7+$0x0], $0xffff  }
0x5e: {  	v10 =	vld.idx.msk [tilespmem:v10+s7+$0x0], $0xffff  }
0x5f: {  	v3 =	vld.idx.msk [tilespmem:v3+s7+$0x0], $0xffff  }
0x60: {  	v9 =	vld.idx.msk [tilespmem:v9+s7+$0x0], $0xffff;
	v2 =	vpack.i.f32.bf16 v11, v2;
	[tilespmem:s0+$0xFFFFFFF0] =	vst v14  }
0x61: {  	s20 =	sadd.s32 $0x50, s0;
	[tilespmem:s0+$0xFFFFFFC0] =	vst v2;
	v2 =	vpack.i.f32.bf16 v7, v5  }
0x62: {  	[tilespmem:s20+$0x0] =	vst v2;
	v2 =	vpack.i.f32.bf16 v12, v6  }
0x63: {  	[tilespmem:s20+$0xFFFFFFD0] =	vst v2;
	v2 =	vpack.i.f32.bf16 v8, v13  }
0x64: {  	v3 =	vpack.i.f32.bf16 v3, v4;
	[tilespmem:s20+$0xFFFFFFE0] =	vst v2  }
0x65: {  	v2 =	vpack.i.f32.bf16 v9, v10;
	[tilespmem:s20+$0xFFFFFFC0] =	vst v3  }
0x66: {  	s12 =	simm.s32 $0x0;
	[tilespmem:s20+$0xFFFFFFF0] =	vst v2  }
0x67: {  	s21 =	simm.s32 $0x80;
	s2 =	simm.s32 $0x4;
	v2 =	vor.u32 s12, v0;
	s1 =	rddreg [dreg:$0x8]  }
0x68: {  	v3 =	vor.u32 s21, v0;
	[tilespmem:s12], [sflag:$0x4] =	stream.linear.gather [hbm4b:s1+s12], $0xFA0, $0x38;
	[tilespmem:$0x1D700] =	vst v63  }
0x69: {  	s22 =	simm.s32 $0x20;
	v4 =	vor.u32 s21, v1;
	_ =	swait.ge [sflag:s2], $0xFA0  }
0x6a: {  	v5 =	vor.u32 s22, v0;
	[sflag:s2] =	ssyncset.done $0x0  }
0x6b: {  	s23 =	simm.s32 $0x40;
	v6 =	vor.u32 s22, v1;
	[sflag:s2] =	ssyncadd.s32 $0xFFFFF060  }
0x6c: {  	v7 =	vor.u32 s23, v0;
	v2 =	vld.idx.msk [tilespmem:v2+s12+$0x0], $0xffff  }
0x6d: {  	s24 =	simm.s32 $0x60;
	v8 =	vor.u32 s23, v1;
	v3 =	vld.idx.msk [tilespmem:v3+s12+$0x0], $0xffff  }
0x6e: {  	v9 =	vor.u32 s24, v0;
	v10 =	vld.idx.msk [tilespmem:v4+s12+$0x0], $0xffff  }
0x6f: {  	v4 =	vor.u32 s24, v1;
	v12 =	vld.idx.msk [tilespmem:v5+s12+$0x0], $0xffff  }
0x70: {  	s26 =	simm.s32 $0xA0;
	v5 =	vor.u32 s12, v1;
	v6 =	vld.idx.msk [tilespmem:v6+s12+$0x0], $0xffff  }
0x71: {  	s28 =	simm.s32 $0x120;
	v13 =	vor.u32 s26, v0;
	v14 =	vld.idx.msk [tilespmem:v7+s12+$0x0], $0xffff  }
0x72: {  	v7 =	vor.u32 s28, v0;
	v15 =	vld.idx.msk [tilespmem:v8+s12+$0x0], $0xffff  }
0x73: {  	v8 =	vor.u32 s28, v1;
	v16 =	vld.idx.msk [tilespmem:v9+s12+$0x0], $0xffff  }
0x74: {  	s29 =	simm.s32 $0xC0;
	v17 =	vld.idx.msk [tilespmem:v4+s12+$0x0], $0xffff  }
0x75: {  	v9 =	vor.u32 s29, v0;
	v11 =	vld.idx.msk [tilespmem:v5+s12+$0x0], $0xffff  }
0x76: {  	s30 =	simm.s32 $0xE0;
	v18 =	vor.u32 s29, v1;
	v4 =	vld.idx.msk [tilespmem:v13+s12+$0x0], $0xffff  }
0x77: {  	v5 =	vld.idx.msk [tilespmem:v7+s12+$0x0], $0xffff;
	v13 =	vor.u32 s30, v0  }
0x78: {  	s31 =	simm.s32 $0x100;
	s0 =	simm.s32 $0x3F00;
	v10 =	vpack.i.f32.bf16 v10, v3;
	v7 =	vld.idx.msk [tilespmem:v8+s12+$0x0], $0xffff;
	v8 =	vor.u32 s30, v1  }
0x79: {  	v6 =	vpack.i.f32.bf16 v6, v12;
	[tilespmem:s0+$0x0] =	vst v10;
	v10 =	vor.u32 s31, v0  }
0x7a: {  	v12 =	vpack.i.f32.bf16 v15, v14;
	[tilespmem:s0+$0xFFFFFFD0] =	vst v6;
	v6 =	vld.idx.msk [tilespmem:v9+s12+$0x0], $0xffff;
	v9 =	vor.u32 s31, v1  }
0x7b: {  	s1 =	simm.s32 $0x5;
	s2 =	simm.s32 $0x140;
	v3 =	vor.u32 s26, v1;
	[tilespmem:s0+$0xFFFFFFE0] =	vst v12;
	v12 =	vld.idx.msk [tilespmem:v18+s12+$0x0], $0xffff;
	v14 =	vpack.i.f32.bf16 v17, v16  }
.LBB2_6:
0x7c: {  	v15 =	vor.u32 s2, v0;
	v16 =	vor.u32 s2, v1;
	s3 =	sadd.s32 $0x20, s2;
	s5 =	sadd.s32 $0x40, s2;
	s6 =	sadd.s32 $0x80, s2;
	v17 =	vld.idx.msk [tilespmem:v13+s12+$0x0], $0xffff;
	v11 =	vpack.i.f32.bf16 v11, v2;
	[tilespmem:s0+$0xFFFFFFF0] =	vst v14  }
0x7d: {  	s1 =	sadd.s32 $0x5, s1;
	v2 =	vmovc v4;
	v14 =	vor.u32 s3, v0;
	v18 =	vor.u32 s3, v1;
	s3 =	sadd.s32 $0x60, s2;
	v19 =	vor.u32 s6, v0;
	v20 =	vld.idx.msk [tilespmem:v8+s12+$0x0], $0xffff;
	[tilespmem:s0+$0xFFFFFFC0] =	vst v11  }
0x7e: {  	v13 =	vor.u32 s5, v0;
	v8 =	vor.u32 s5, v1;
	v21 =	vor.u32 s6, v1;
	p0 =	slt.u32 s1, $0x78;
	v22 =	vld.idx.msk [tilespmem:v10+s12+$0x0], $0xffff  }
0x7f: {  	s0 =	sadd.s32 $0x50, s0;
	v10 =	vor.u32 s3, v0;
	v4 =	vpack.i.f32.bf16 v7, v5;
	v23 =	vld.idx.msk [tilespmem:v9+s12+$0x0], $0xffff;
	v9 =	vor.u32 s3, v1  }
0x80: {  	v11 =	vld.idx.msk [tilespmem:v3+s12+$0x0], $0xffff;
	[tilespmem:s0+$0x0] =	vst v4;
	v3 =	vmov v16  }
.Ltmp2:
0x81: {  	v6 =	vpack.i.f32.bf16 v12, v6;
	v4 =	vld.idx.msk [tilespmem:v15+s12+$0x0], $0xffff;
	(pc) =	sbr.rel @p0 .LBB2_6-.Ltmp2, $4  }
0x82: {  	v5 =	vld.idx.msk [tilespmem:v19+s12+$0x0], $0xffff;
	[tilespmem:s0+$0xFFFFFFD0] =	vst v6  }
0x83: {  	v12 =	vpack.i.f32.bf16 v20, v17;
	v7 =	vld.idx.msk [tilespmem:v21+s12+$0x0], $0xffff  }
0x84: {  	v6 =	vld.idx.msk [tilespmem:v14+s12+$0x0], $0xffff;
	[tilespmem:s0+$0xFFFFFFE0] =	vst v12  }
0x85: {  	s2 =	sadd.s32 $0xA0, s2;
	v14 =	vpack.i.f32.bf16 v23, v22;
	v12 =	vld.idx.msk [tilespmem:v18+s12+$0x0], $0xffff  }
0x86: {  	_ =	sdelay $0x3  }
0x87: {  	v13 =	vld.idx.msk [tilespmem:v13+s12+$0x0], $0xffff  }
0x88: {  	v8 =	vld.idx.msk [tilespmem:v8+s12+$0x0], $0xffff  }
0x89: {  	v10 =	vld.idx.msk [tilespmem:v10+s12+$0x0], $0xffff  }
0x8a: {  	v3 =	vld.idx.msk [tilespmem:v3+s12+$0x0], $0xffff  }
0x8b: {  	v9 =	vld.idx.msk [tilespmem:v9+s12+$0x0], $0xffff;
	v2 =	vpack.i.f32.bf16 v11, v2;
	[tilespmem:s0+$0xFFFFFFF0] =	vst v14  }
0x8c: {  	s31 =	sadd.s32 $0x50, s0;
	[tilespmem:s0+$0xFFFFFFC0] =	vst v2;
	v2 =	vpack.i.f32.bf16 v7, v5  }
0x8d: {  	[tilespmem:s31+$0x0] =	vst v2;
	v2 =	vpack.i.f32.bf16 v12, v6  }
0x8e: {  	[tilespmem:s31+$0xFFFFFFD0] =	vst v2;
	v2 =	vpack.i.f32.bf16 v8, v13  }
0x8f: {  	v3 =	vpack.i.f32.bf16 v3, v4;
	[tilespmem:s31+$0xFFFFFFE0] =	vst v2  }
0x90: {  	v2 =	vpack.i.f32.bf16 v9, v10;
	[tilespmem:s31+$0xFFFFFFC0] =	vst v3  }
0x91: {  	[tilespmem:s31+$0xFFFFFFF0] =	vst v2  }
.LBB2_8:
0x92: {  	s0 =	sand.u32 $0x1, s12;
	p0 =	seq.s32 s12, $0x3;
	s3 =	simm.s32 $0x3  }
0x93: {  	s2 =	sadd.s32 $0x1, s12;
	s1 =	sxor.u32 @!p0 $0x1, s0;
	p1 =	seq.s32 @!p0 s12, $0x0  }
0x94: {  	_ =	swait.ge [sflag:s3], $0x6400;
	s1 =	smul.u32 @!p0 $0x19000, s1;
	p1 =	por p0, !p1  }
.Ltmp3:
0x95: {  	[dreg:$0xc] =	wrdreg s2;
	[sflag:s3] =	ssyncset.done $0x0;
	(pc) =	sbr.rel @!p1 .LBB2_9-.Ltmp3, $4  }
0x96: {  	s2 =	sadd.s32 @!p0 s25, s2;
	s5 =	simm.s32 @!p0 $0x20000;
	[sflag:s3] =	ssyncadd.s32 $0xFFFF9C00  }
0x97: {  	s2 =	sshll.u32 @!p0 s2, $0x7;
	s1 =	sshrl.u32 @!p0 s1, $0x2;
	s3 =	rddreg [dreg:$0x1]  }
0x98: {  	s1 =	sadd.s32 @!p0 $0x4700, s1;
	s2 =	sadd.s32 @!p0 s3, s2;
	s3 =	simm.s32 @!p0 $0x400  }
0x99: {  	[tilespmem:s1], [sflag:$0x3] =	stream.strided.gather @!p0 [hbm4b:s2+s3], $0x6400, s5, s3, $0x38;
	[tilespmem:$0x1D700] =	vst v63  }
.Ltmp4:
0x9a: {  	(pc) =	sbr.rel .LBB2_11-.Ltmp4, $4  }
0x9b: {  	s1 =	simm.s32 $0x1  }
0x9c: {  	_ =	swait.ge [sflag:s1], $0x6800  }
0x9d: {  	[sflag:s1] =	ssyncset.done $0x0  }
0x9e: {  	p0 =	por $0x0, $0x0;
	[sflag:s1] =	ssyncadd.s32 $0xFFFF9800  }
.LBB2_9:
0x9f: {  	p0 =	por @!p0 $0x1, $0x1  }
.LBB2_11:
0xa0: {  	s0 =	smul.u32 $0x19000, s0;
	_ =	sdelay $0x1  }
0xa1: {  	s1 =	simm.s32 $0x0;
	s0 =	sshrl.u32 s0, $0x2  }
0xa2: {  	s21 =	sand.u32 $0x3C00, s1;
	s3 =	sand.u32 $0x300, s1;
	s26 =	sadd.s32 $0x4700, s0  }
0xa3: {  	s2 =	sor.u32 $0x80, s3;
	s0 =	sadd.s32 s21, s26  }
0xa4: {  	s7 =	sadd.s32 s2, s0  }
0xa5: {  	v2 =	vld [tilespmem:s7+$0x0];
	_ =	sdelay $0x7  }
0xa6: {  	v2 =	vld.idx.msk [tilespmem:v2+s17+$0x0], $0xffff;
	_ =	sdelay $0x2  }
0xa7: {  	s1 =	sand.u32 $0x7800, s1  }
0xa8: {  	s5 =	sadd.s32 $0x10F00, s1  }
0xa9: {  	s8 =	sadd.s32 s2, s5;
	v3 =	vunpack.i.l.bf16.f32 v2  }
0xaa: {  	v2 =	vunpack.i.u.bf16.f32 v2;
	[tilespmem:s8+$0x0] =	vst v3  }
0xab: {  	[tilespmem:s8+$0x400] =	vst v2  }
0xac: {  	v2 =	vld [tilespmem:s7+$0x10];
	_ =	sdelay $0x5  }
0xad: {  	s2 =	sadd.s32 s3, s0  }
0xae: {  	v3 =	vld [tilespmem:s2+$0x0]  }
0xaf: {  	s22 =	simm.s32 $0x100;
	v2 =	vld.idx.msk [tilespmem:v2+s17+$0x0], $0xffff  }
0xb0: {  	s23 =	sand.u32 $0x3C00, s22;
	s9 =	sand.u32 $0x300, s22  }
0xb1: {  	s6 =	sor.u32 $0x80, s9;
	s24 =	sadd.s32 s23, s26  }
0xb2: {  	s1 =	sadd.s32 s6, s24  }
0xb3: {  	v4 =	vld [tilespmem:s1+$0x0]  }
0xb4: {  	v5 =	vunpack.i.l.bf16.f32 v2  }
0xb5: {  	v2 =	vunpack.i.u.bf16.f32 v2;
	[tilespmem:s8+$0x10] =	vst v5  }
0xb6: {  	v3 =	vld.idx.msk [tilespmem:v3+s17+$0x0], $0xffff;
	[tilespmem:s8+$0x410] =	vst v2  }
0xb7: {  	v2 =	vld [tilespmem:s7+$0x20];
	_ =	sdelay $0x3  }
0xb8: {  	s29 =	sadd.s32 s3, s5;
	v4 =	vld.idx.msk [tilespmem:v4+s17+$0x0], $0xffff;
	v5 =	vunpack.i.l.bf16.f32 v3  }
0xb9: {  	v3 =	vunpack.i.u.bf16.f32 v3;
	[tilespmem:s29+$0x0] =	vst v5  }
0xba: {  	s4 =	simm.s32 $0x200;
	[tilespmem:s29+$0x400] =	vst v3  }
0xbb: {  	s3 =	sand.u32 $0x7800, s4;
	v3 =	vld [tilespmem:s2+$0x10]  }
0xbc: {  	s3 =	sadd.s32 $0x10F00, s3;
	v2 =	vld.idx.msk [tilespmem:v2+s17+$0x0], $0xffff  }
0xbd: {  	s6 =	sadd.s32 s6, s3;
	v5 =	vunpack.i.l.bf16.f32 v4  }
0xbe: {  	v4 =	vunpack.i.u.bf16.f32 v4;
	[tilespmem:s6+$0x0] =	vst v5  }
0xbf: {  	[tilespmem:s6+$0x400] =	vst v4  }
0xc0: {  	v4 =	vld [tilespmem:s1+$0x10]  }
0xc1: {  	v5 =	vunpack.i.l.bf16.f32 v2  }
0xc2: {  	v2 =	vunpack.i.u.bf16.f32 v2;
	[tilespmem:s8+$0x20] =	vst v5  }
0xc3: {  	v3 =	vld.idx.msk [tilespmem:v3+s17+$0x0], $0xffff;
	[tilespmem:s8+$0x420] =	vst v2  }
0xc4: {  	v2 =	vld [tilespmem:s7+$0x30];
	_ =	sdelay $0x1  }
0xc5: {  	s20 =	sadd.s32 s9, s24  }
0xc6: {  	v5 =	vld [tilespmem:s20+$0x0]  }
0xc7: {  	v4 =	vld.idx.msk [tilespmem:v4+s17+$0x0], $0xffff;
	v6 =	vunpack.i.l.bf16.f32 v3  }
0xc8: {  	s5 =	simm.s32 $0x200;
	v3 =	vunpack.i.u.bf16.f32 v3;
	[tilespmem:s29+$0x10] =	vst v6  }
0xc9: {  	s10 =	sand.u32 $0x3C00, s5;
	s0 =	sand.u32 $0x300, s5;
	[tilespmem:s29+$0x410] =	vst v3  }
0xca: {  	s5 =	sadd.s32 s10, s26;
	s10 =	sor.u32 $0x80, s0;
	v3 =	vld [tilespmem:s2+$0x20]  }
0xcb: {  	s15 =	sadd.s32 s10, s5;
	v2 =	vld.idx.msk [tilespmem:v2+s17+$0x0], $0xffff  }
0xcc: {  	v7 =	vld [tilespmem:s15+$0x0];
	v6 =	vunpack.i.l.bf16.f32 v4  }
0xcd: {  	v4 =	vunpack.i.u.bf16.f32 v4;
	[tilespmem:s6+$0x10] =	vst v6  }
0xce: {  	[tilespmem:s6+$0x410] =	vst v4;
	v5 =	vld.idx.msk [tilespmem:v5+s17+$0x0], $0xffff  }
0xcf: {  	v4 =	vld [tilespmem:s1+$0x20]  }
0xd0: {  	v6 =	vunpack.i.l.bf16.f32 v2  }
0xd1: {  	v2 =	vunpack.i.u.bf16.f32 v2;
	[tilespmem:s8+$0x30] =	vst v6  }
0xd2: {  	v3 =	vld.idx.msk [tilespmem:v3+s17+$0x0], $0xffff;
	[tilespmem:s8+$0x430] =	vst v2  }
0xd3: {  	s28 =	sadd.s32 s9, s3;
	v6 =	vunpack.i.l.bf16.f32 v5;
	v2 =	vunpack.i.u.bf16.f32 v5;
	v5 =	vld [tilespmem:s7+$0x40]  }
0xd4: {  	[tilespmem:s28+$0x400] =	vst v2;
	v2 =	vld.idx.msk [tilespmem:v7+s17+$0x0], $0xffff  }
0xd5: {  	[tilespmem:s28+$0x0] =	vst v6  }
0xd6: {  	s11 =	simm.s32 $0x400;
	v6 =	vld [tilespmem:s20+$0x10]  }
0xd7: {  	s31 =	sadd.s32 s0, s5;
	s3 =	sand.u32 $0x7800, s11;
	v4 =	vld.idx.msk [tilespmem:v4+s17+$0x0], $0xffff;
	v7 =	vunpack.i.l.bf16.f32 v3  }
0xd8: {  	s3 =	sadd.s32 $0x10F00, s3;
	v3 =	vunpack.i.u.bf16.f32 v3;
	[tilespmem:s29+$0x20] =	vst v7;
	v7 =	vld [tilespmem:s31+$0x0]  }
0xd9: {  	s21 =	sadd.s32 s10, s3;
	[tilespmem:s29+$0x420] =	vst v3;
	v3 =	vunpack.i.l.bf16.f32 v2  }
0xda: {  	v8 =	vld [tilespmem:s2+$0x30];
	v2 =	vunpack.i.u.bf16.f32 v2;
	[tilespmem:s21+$0x0] =	vst v3  }
0xdb: {  	[tilespmem:s21+$0x400] =	vst v2;
	v3 =	vld.idx.msk [tilespmem:v5+s17+$0x0], $0xffff  }
0xdc: {  	v2 =	vunpack.i.l.bf16.f32 v4;
	v5 =	vld [tilespmem:s15+$0x10]  }
0xdd: {  	v4 =	vunpack.i.u.bf16.f32 v4;
	[tilespmem:s6+$0x20] =	vst v2  }
0xde: {  	[tilespmem:s6+$0x420] =	vst v4;
	v6 =	vld.idx.msk [tilespmem:v6+s17+$0x0], $0xffff  }
0xdf: {  	v2 =	vld [tilespmem:s1+$0x30]  }
0xe0: {  	v4 =	vld.idx.msk [tilespmem:v7+s17+$0x0], $0xffff;
	v7 =	vunpack.i.l.bf16.f32 v3  }
0xe1: {  	v3 =	vunpack.i.u.bf16.f32 v3;
	[tilespmem:s8+$0x40] =	vst v7  }
0xe2: {  	v8 =	vld.idx.msk [tilespmem:v8+s17+$0x0], $0xffff;
	[tilespmem:s8+$0x440] =	vst v3  }
0xe3: {  	v7 =	vunpack.i.l.bf16.f32 v6;
	v3 =	vunpack.i.u.bf16.f32 v6;
	v6 =	vld [tilespmem:s7+$0x50]  }
0xe4: {  	[tilespmem:s28+$0x410] =	vst v3;
	v3 =	vld.idx.msk [tilespmem:v5+s17+$0x0], $0xffff  }
0xe5: {  	s30 =	sadd.s32 s0, s3;
	[tilespmem:s28+$0x10] =	vst v7;
	v7 =	vunpack.i.l.bf16.f32 v4  }
0xe6: {  	s13 =	simm.s32 $0x300;
	v4 =	vunpack.i.u.bf16.f32 v4;
	v5 =	vld [tilespmem:s20+$0x20];
	[tilespmem:s30+$0x0] =	vst v7  }
0xe7: {  	s14 =	sand.u32 $0x3C00, s13;
	s0 =	sand.u32 $0x300, s13;
	[tilespmem:s30+$0x400] =	vst v4;
	v2 =	vld.idx.msk [tilespmem:v2+s17+$0x0], $0xffff  }
0xe8: {  	s3 =	sadd.s32 s14, s26;
	s16 =	sor.u32 $0x80, s0;
	v4 =	vunpack.i.l.bf16.f32 v8;
	v7 =	vld [tilespmem:s31+$0x10]  }
0xe9: {  	s22 =	sadd.s32 s16, s3;
	[tilespmem:s29+$0x30] =	vst v4;
	v4 =	vunpack.i.l.bf16.f32 v3  }
0xea: {  	v9 =	vld [tilespmem:s22+$0x0];
	v3 =	vunpack.i.u.bf16.f32 v3;
	[tilespmem:s21+$0x10] =	vst v4  }
0xeb: {  	v4 =	vunpack.i.u.bf16.f32 v8;
	[tilespmem:s21+$0x410] =	vst v3;
	v6 =	vld.idx.msk [tilespmem:v6+s17+$0x0], $0xffff  }
0xec: {  	v3 =	vunpack.i.l.bf16.f32 v2;
	[tilespmem:s29+$0x430] =	vst v4;
	v4 =	vld [tilespmem:s15+$0x20]  }
0xed: {  	v2 =	vunpack.i.u.bf16.f32 v2;
	[tilespmem:s6+$0x30] =	vst v3  }
0xee: {  	[tilespmem:s6+$0x430] =	vst v2;
	v5 =	vld.idx.msk [tilespmem:v5+s17+$0x0], $0xffff  }
0xef: {  	v2 =	vld [tilespmem:s1+$0x40]  }
0xf0: {  	v7 =	vld.idx.msk [tilespmem:v7+s17+$0x0], $0xffff;
	v8 =	vunpack.i.l.bf16.f32 v6  }
0xf1: {  	v3 =	vld [tilespmem:s2+$0x40];
	v6 =	vunpack.i.u.bf16.f32 v6;
	[tilespmem:s8+$0x50] =	vst v8  }
0xf2: {  	[tilespmem:s8+$0x450] =	vst v6;
	v6 =	vld.idx.msk [tilespmem:v9+s17+$0x0], $0xffff  }
0xf3: {  	v8 =	vunpack.i.l.bf16.f32 v5;
	v9 =	vld [tilespmem:s7+$0x60]  }
0xf4: {  	s18 =	simm.s32 $0x600;
	s3 =	sadd.s32 s0, s3;
	v5 =	vunpack.i.u.bf16.f32 v5;
	[tilespmem:s28+$0x20] =	vst v8;
	v4 =	vld.idx.msk [tilespmem:v4+s17+$0x0], $0xffff  }
0xf5: {  	s9 =	sand.u32 $0x7800, s18;
	[tilespmem:s28+$0x420] =	vst v5;
	v5 =	vld [tilespmem:s3+$0x0];
	v8 =	vunpack.i.l.bf16.f32 v7  }
0xf6: {  	s9 =	sadd.s32 $0x10F00, s9;
	v7 =	vunpack.i.u.bf16.f32 v7;
	v10 =	vld [tilespmem:s20+$0x30];
	[tilespmem:s30+$0x10] =	vst v8  }
0xf7: {  	s10 =	sadd.s32 s16, s9;
	[tilespmem:s30+$0x410] =	vst v7;
	v2 =	vld.idx.msk [tilespmem:v2+s17+$0x0], $0xffff;
	v7 =	vunpack.i.l.bf16.f32 v6  }
0xf8: {  	v6 =	vunpack.i.u.bf16.f32 v6;
	[tilespmem:s10+$0x0] =	vst v7  }
0xf9: {  	v3 =	vld.idx.msk [tilespmem:v3+s17+$0x0], $0xffff;
	[tilespmem:s10+$0x400] =	vst v6;
	v6 =	vunpack.i.l.bf16.f32 v4  }
0xfa: {  	v8 =	vld [tilespmem:s22+$0x10];
	v4 =	vunpack.i.u.bf16.f32 v4;
	[tilespmem:s21+$0x20] =	vst v6  }
0xfb: {  	[tilespmem:s21+$0x420] =	vst v4;
	v6 =	vld.idx.msk [tilespmem:v9+s17+$0x0], $0xffff  }
0xfc: {  	v4 =	vunpack.i.l.bf16.f32 v2;
	v9 =	vld [tilespmem:s15+$0x30]  }
0xfd: {  	v2 =	vunpack.i.u.bf16.f32 v2;
	v5 =	vld.idx.msk [tilespmem:v5+s17+$0x0], $0xffff;
	[tilespmem:s6+$0x40] =	vst v4  }
0xfe: {  	[tilespmem:s6+$0x440] =	vst v2;
	v4 =	vld.idx.msk [tilespmem:v10+s17+$0x0], $0xffff  }
0xff: {  	v2 =	vunpack.i.l.bf16.f32 v3;
	v10 =	vld [tilespmem:s1+$0x50]  }
0x100: {  	[tilespmem:s29+$0x40] =	vst v2;
	v2 =	vunpack.i.l.bf16.f32 v6  }
0x101: {  	v6 =	vunpack.i.u.bf16.f32 v6;
	[tilespmem:s8+$0x60] =	vst v2  }
0x102: {  	s0 =	sadd.s32 s0, s9;
	v2 =	vunpack.i.l.bf16.f32 v5;
	[tilespmem:s8+$0x460] =	vst v6;
	v6 =	vld.idx.msk [tilespmem:v8+s17+$0x0], $0xffff  }
0x103: {  	v7 =	vld [tilespmem:s31+$0x20];
	v5 =	vunpack.i.u.bf16.f32 v5;
	[tilespmem:s0+$0x0] =	vst v2  }
0x104: {  	s19 =	simm.s32 $0x400;
	v2 =	vunpack.i.l.bf16.f32 v4;
	[tilespmem:s0+$0x400] =	vst v5;
	v5 =	vld.idx.msk [tilespmem:v9+s17+$0x0], $0xffff  }
0x105: {  	s23 =	sand.u32 $0x3C00, s19;
	s5 =	sand.u32 $0x300, s19;
	v4 =	vunpack.i.u.bf16.f32 v4;
	v8 =	vld [tilespmem:s7+$0x70];
	[tilespmem:s28+$0x30] =	vst v2  }
0x106: {  	s24 =	sor.u32 $0x80, s5;
	s7 =	sadd.s32 s23, s26;
	v2 =	vunpack.i.u.bf16.f32 v3;
	v3 =	vld [tilespmem:s3+$0x10];
	[tilespmem:s28+$0x430] =	vst v4  }
0x107: {  	s18 =	sadd.s32 s24, s7;
	[tilespmem:s29+$0x440] =	vst v2;
	v2 =	vld.idx.msk [tilespmem:v10+s17+$0x0], $0xffff;
	v4 =	vunpack.i.l.bf16.f32 v6  }
0x108: {  	v9 =	vld [tilespmem:s18+$0x0];
	v6 =	vunpack.i.u.bf16.f32 v6;
	[tilespmem:s10+$0x10] =	vst v4  }
0x109: {  	[tilespmem:s10+$0x410] =	vst v6;
	v6 =	vunpack.i.l.bf16.f32 v5  }
0x10a: {  	v10 =	vld [tilespmem:s22+$0x20];
	v5 =	vunpack.i.u.bf16.f32 v5;
	[tilespmem:s21+$0x30] =	vst v6  }
0x10b: {  	v7 =	vld.idx.msk [tilespmem:v7+s17+$0x0], $0xffff;
	[tilespmem:s21+$0x430] =	vst v5  }
0x10c: {  	v5 =	vunpack.i.l.bf16.f32 v2;
	v11 =	vld [tilespmem:s15+$0x40]  }
0x10d: {  	v4 =	vld [tilespmem:s20+$0x40];
	v2 =	vunpack.i.u.bf16.f32 v2;
	[tilespmem:s6+$0x50] =	vst v5  }
0x10e: {  	[tilespmem:s6+$0x450] =	vst v2;
	v3 =	vld.idx.msk [tilespmem:v3+s17+$0x0], $0xffff  }
0x10f: {  	v2 =	vld [tilespmem:s1+$0x60]  }
0x110: {  	s13 =	sadd.s32 s5, s7;
	v5 =	vunpack.i.l.bf16.f32 v7;
	v9 =	vld.idx.msk [tilespmem:v9+s17+$0x0], $0xffff  }
0x111: {  	v7 =	vunpack.i.u.bf16.f32 v7;
	[tilespmem:s30+$0x20] =	vst v5;
	v5 =	vld [tilespmem:s13+$0x0]  }
0x112: {  	s4 =	simm.s32 $0x800;
	[tilespmem:s30+$0x420] =	vst v7;
	v7 =	vld.idx.msk [tilespmem:v10+s17+$0x0], $0xffff  }
0x113: {  	s7 =	sand.u32 $0x7800, s4;
	v10 =	vld [tilespmem:s31+$0x30];
	v12 =	vunpack.i.l.bf16.f32 v3  }
0x114: {  	s11 =	sadd.s32 $0x10F00, s7;
	v3 =	vunpack.i.u.bf16.f32 v3;
	[tilespmem:s0+$0x10] =	vst v12;
	v11 =	vld.idx.msk [tilespmem:v11+s17+$0x0], $0xffff  }
0x115: {  	s7 =	sadd.s32 s24, s11;
	v6 =	vld [tilespmem:s2+$0x50];
	[tilespmem:s0+$0x410] =	vst v3;
	v3 =	vunpack.i.l.bf16.f32 v9  }
0x116: {  	v9 =	vunpack.i.u.bf16.f32 v9;
	v12 =	vld [tilespmem:s3+$0x20];
	[tilespmem:s7+$0x0] =	vst v3  }
0x117: {  	[tilespmem:s7+$0x400] =	vst v9;
	v2 =	vld.idx.msk [tilespmem:v2+s17+$0x0], $0xffff;
	v3 =	vunpack.i.l.bf16.f32 v7  }
0x118: {  	v9 =	vld [tilespmem:s18+$0x10];
	v7 =	vunpack.i.u.bf16.f32 v7;
	[tilespmem:s10+$0x20] =	vst v3  }
0x119: {  	v3 =	vld.idx.msk [tilespmem:v5+s17+$0x0], $0xffff;
	[tilespmem:s10+$0x420] =	vst v7;
	v5 =	vunpack.i.l.bf16.f32 v11  }
0x11a: {  	s14 =	sadd.s32 s5, s11;
	s11 =	simm.s32 $0x500;
	v7 =	vld [tilespmem:s22+$0x30];
	v11 =	vunpack.i.u.bf16.f32 v11;
	[tilespmem:s21+$0x40] =	vst v5  }
0x11b: {  	s16 =	sand.u32 $0x3C00, s11;
	s19 =	sand.u32 $0x300, s11;
	v5 =	vld.idx.msk [tilespmem:v10+s17+$0x0], $0xffff;
	[tilespmem:s21+$0x440] =	vst v11  }
0x11c: {  	s23 =	sadd.s32 s16, s26;
	s24 =	sor.u32 $0x80, s19;
	v10 =	vunpack.i.l.bf16.f32 v2;
	v11 =	vld [tilespmem:s15+$0x50]  }
0x11d: {  	s11 =	sadd.s32 s24, s23;
	v4 =	vld.idx.msk [tilespmem:v4+s17+$0x0], $0xffff;
	v2 =	vunpack.i.u.bf16.f32 v2;
	[tilespmem:s6+$0x60] =	vst v10  }
0x11e: {  	v13 =	vld [tilespmem:s11+$0x0];
	[tilespmem:s6+$0x460] =	vst v2;
	v10 =	vunpack.i.l.bf16.f32 v3  }
0x11f: {  	v12 =	vld.idx.msk [tilespmem:v12+s17+$0x0], $0xffff;
	v2 =	vunpack.i.u.bf16.f32 v3;
	[tilespmem:s14+$0x0] =	vst v10  }
0x120: {  	[tilespmem:s14+$0x400] =	vst v2;
	v2 =	vld.idx.msk [tilespmem:v9+s17+$0x0], $0xffff;
	v10 =	vunpack.i.l.bf16.f32 v5  }
0x121: {  	v8 =	vld.idx.msk [tilespmem:v8+s17+$0x0], $0xffff;
	v5 =	vunpack.i.u.bf16.f32 v5;
	[tilespmem:s30+$0x30] =	vst v10  }
0x122: {  	v10 =	vunpack.i.l.bf16.f32 v4;
	[tilespmem:s30+$0x430] =	vst v5;
	v5 =	vld.idx.msk [tilespmem:v7+s17+$0x0], $0xffff  }
0x123: {  	v9 =	vld [tilespmem:s13+$0x10];
	v4 =	vunpack.i.u.bf16.f32 v4;
	[tilespmem:s28+$0x40] =	vst v10  }
0x124: {  	[tilespmem:s28+$0x440] =	vst v4;
	v4 =	vunpack.i.l.bf16.f32 v12;
	v10 =	vld.idx.msk [tilespmem:v11+s17+$0x0], $0xffff  }
0x125: {  	v3 =	vld [tilespmem:s1+$0x70];
	[tilespmem:s0+$0x20] =	vst v4;
	v11 =	vunpack.i.l.bf16.f32 v2  }
0x126: {  	v6 =	vld.idx.msk [tilespmem:v6+s17+$0x0], $0xffff;
	v2 =	vunpack.i.u.bf16.f32 v2;
	[tilespmem:s7+$0x10] =	vst v11  }
0x127: {  	v7 =	vld [tilespmem:s31+$0x40];
	[tilespmem:s7+$0x410] =	vst v2;
	v2 =	vunpack.i.l.bf16.f32 v5  }
0x128: {  	v11 =	vld [tilespmem:s18+$0x20];
	v5 =	vunpack.i.u.bf16.f32 v5;
	[tilespmem:s10+$0x30] =	vst v2  }
0x129: {  	v4 =	vld [tilespmem:s20+$0x50];
	[tilespmem:s10+$0x430] =	vst v5;
	v5 =	vunpack.i.l.bf16.f32 v10  }
0x12a: {  	v14 =	vld [tilespmem:s22+$0x40];
	v10 =	vunpack.i.u.bf16.f32 v10;
	[tilespmem:s21+$0x50] =	vst v5  }
0x12b: {  	v9 =	vld.idx.msk [tilespmem:v9+s17+$0x0], $0xffff;
	v5 =	vunpack.i.u.bf16.f32 v12;
	[tilespmem:s21+$0x450] =	vst v10  }
0x12c: {  	[tilespmem:s0+$0x420] =	vst v5;
	v5 =	vld [tilespmem:s15+$0x60]  }
0x12d: {  	v3 =	vld.idx.msk [tilespmem:v3+s17+$0x0], $0xffff;
	v10 =	vunpack.i.u.bf16.f32 v8  }
0x12e: {  	s1 =	sadd.s32 s19, s23;
	v8 =	vunpack.i.l.bf16.f32 v8;
	[tilespmem:s8+$0x470] =	vst v10;
	v10 =	vld.idx.msk [tilespmem:v13+s17+$0x0], $0xffff  }
0x12f: {  	v2 =	vld [tilespmem:s1+$0x0];
	[tilespmem:s8+$0x70] =	vst v8;
	v8 =	vunpack.i.l.bf16.f32 v6  }
0x130: {  	s4 =	simm.s32 $0xA00;
	[tilespmem:s29+$0x50] =	vst v8;
	v8 =	vunpack.i.l.bf16.f32 v9;
	v11 =	vld.idx.msk [tilespmem:v11+s17+$0x0], $0xffff  }
0x131: {  	s8 =	sand.u32 $0x7800, s4;
	v12 =	vld [tilespmem:s3+$0x30];
	v9 =	vunpack.i.u.bf16.f32 v9;
	[tilespmem:s14+$0x10] =	vst v8  }
0x132: {  	v6 =	vunpack.i.u.bf16.f32 v6;
	s8 =	sadd.s32 $0x10F00, s8;
	[tilespmem:s14+$0x410] =	vst v9;
	v8 =	vld.idx.msk [tilespmem:v14+s17+$0x0], $0xffff  }
0x133: {  	[tilespmem:s29+$0x450] =	vst v6;
	s9 =	sadd.s32 s24, s8;
	v6 =	vld [tilespmem:s13+$0x20];
	v9 =	vunpack.i.l.bf16.f32 v10  }
0x134: {  	v10 =	vunpack.i.u.bf16.f32 v10;
	[tilespmem:s9+$0x0] =	vst v9;
	v5 =	vld.idx.msk [tilespmem:v5+s17+$0x0], $0xffff  }
0x135: {  	v7 =	vld.idx.msk [tilespmem:v7+s17+$0x0], $0xffff;
	[tilespmem:s9+$0x400] =	vst v10;
	v9 =	vunpack.i.l.bf16.f32 v11  }
0x136: {  	v13 =	vld [tilespmem:s11+$0x10];
	v11 =	vunpack.i.u.bf16.f32 v11;
	[tilespmem:s7+$0x20] =	vst v9  }
0x137: {  	v2 =	vld.idx.msk [tilespmem:v2+s17+$0x0], $0xffff;
	[tilespmem:s7+$0x420] =	vst v11;
	v9 =	vunpack.i.l.bf16.f32 v8  }
0x138: {  	v10 =	vld [tilespmem:s2+$0x60];
	v8 =	vunpack.i.u.bf16.f32 v8;
	[tilespmem:s10+$0x40] =	vst v9  }
0x139: {  	v4 =	vld.idx.msk [tilespmem:v4+s17+$0x0], $0xffff;
	[tilespmem:s10+$0x440] =	vst v8;
	v8 =	vunpack.i.l.bf16.f32 v5  }
0x13a: {  	v11 =	vld [tilespmem:s18+$0x30];
	v5 =	vunpack.i.u.bf16.f32 v5;
	[tilespmem:s21+$0x60] =	vst v8  }
0x13b: {  	v9 =	vld.idx.msk [tilespmem:v12+s17+$0x0], $0xffff;
	v8 =	vunpack.i.u.bf16.f32 v3;
	[tilespmem:s21+$0x460] =	vst v5  }
0x13c: {  	s8 =	sadd.s32 s19, s8;
	v6 =	vld.idx.msk [tilespmem:v6+s17+$0x0], $0xffff;
	v5 =	vunpack.i.l.bf16.f32 v2;
	[tilespmem:s6+$0x470] =	vst v8  }
0x13d: {  	v12 =	vld [tilespmem:s22+$0x50];
	v2 =	vunpack.i.u.bf16.f32 v2;
	[tilespmem:s8+$0x0] =	vst v5  }
0x13e: {  	[tilespmem:s8+$0x400] =	vst v2;
	v2 =	vld.idx.msk [tilespmem:v13+s17+$0x0], $0xffff;
	v13 =	vunpack.i.l.bf16.f32 v7  }
0x13f: {  	v8 =	vld [tilespmem:s15+$0x70];
	v7 =	vunpack.i.u.bf16.f32 v7;
	[tilespmem:s30+$0x40] =	vst v13  }
0x140: {  	v5 =	vld.idx.msk [tilespmem:v10+s17+$0x0], $0xffff;
	[tilespmem:s30+$0x440] =	vst v7;
	v10 =	vunpack.i.l.bf16.f32 v9  }
0x141: {  	v9 =	vunpack.i.u.bf16.f32 v9;
	[tilespmem:s0+$0x30] =	vst v10;
	v10 =	vld [tilespmem:s1+$0x10]  }
0x142: {  	s15 =	simm.s32 $0x600;
	v7 =	vunpack.i.l.bf16.f32 v6;
	[tilespmem:s0+$0x430] =	vst v9;
	v9 =	vld.idx.msk [tilespmem:v11+s17+$0x0], $0xffff  }
0x143: {  	s16 =	sand.u32 $0x3C00, s15;
	s5 =	sand.u32 $0x300, s15;
	[tilespmem:s14+$0x20] =	vst v7;
	v7 =	vld [tilespmem:s31+$0x50]  }
0x144: {  	v6 =	vunpack.i.u.bf16.f32 v6;
	s15 =	sadd.s32 s16, s26;
	s16 =	sor.u32 $0x80, s5;
	v11 =	vld [tilespmem:s3+$0x40]  }
0x145: {  	[tilespmem:s14+$0x420] =	vst v6;
	s24 =	sadd.s32 s16, s15;
	v6 =	vunpack.i.l.bf16.f32 v2;
	v12 =	vld.idx.msk [tilespmem:v12+s17+$0x0], $0xffff  }
0x146: {  	s23 =	sadd.s32 s5, s15;
	v13 =	vld [tilespmem:s24+$0x0];
	v2 =	vunpack.i.u.bf16.f32 v2;
	[tilespmem:s9+$0x10] =	vst v6  }
0x147: {  	v6 =	vld [tilespmem:s23+$0x0];
	[tilespmem:s9+$0x410] =	vst v2  }
0x148: {  	v14 =	vld [tilespmem:s11+$0x20];
	v2 =	vunpack.i.l.bf16.f32 v9  }
0x149: {  	v8 =	vld.idx.msk [tilespmem:v8+s17+$0x0], $0xffff;
	v9 =	vunpack.i.u.bf16.f32 v9;
	[tilespmem:s7+$0x30] =	vst v2  }
0x14a: {  	[tilespmem:s7+$0x430] =	vst v9;
	v2 =	vld.idx.msk [tilespmem:v10+s17+$0x0], $0xffff;
	v9 =	vunpack.i.l.bf16.f32 v12  }
0x14b: {  	v10 =	vld [tilespmem:s18+$0x40];
	v12 =	vunpack.i.u.bf16.f32 v12;
	[tilespmem:s10+$0x50] =	vst v9  }
0x14c: {  	v3 =	vunpack.i.l.bf16.f32 v3;
	v9 =	vld [tilespmem:s13+$0x30];
	[tilespmem:s10+$0x450] =	vst v12  }
0x14d: {  	[tilespmem:s6+$0x70] =	vst v3;
	v3 =	vunpack.i.l.bf16.f32 v4;
	v12 =	vld [tilespmem:s22+$0x60]  }
0x14e: {  	v4 =	vunpack.i.u.bf16.f32 v4;
	[tilespmem:s28+$0x50] =	vst v3;
	v3 =	vld.idx.msk [tilespmem:v11+s17+$0x0], $0xffff  }
0x14f: {  	[tilespmem:s28+$0x450] =	vst v4;
	v11 =	vld.idx.msk [tilespmem:v13+s17+$0x0], $0xffff;
	v4 =	vunpack.i.u.bf16.f32 v8  }
0x150: {  	v13 =	vunpack.i.l.bf16.f32 v5;
	[tilespmem:s21+$0x470] =	vst v4;
	v4 =	vld.idx.msk [tilespmem:v6+s17+$0x0], $0xffff  }
0x151: {  	s19 =	simm.s32 $0xC00;
	[tilespmem:s29+$0x60] =	vst v13;
	v13 =	vld.idx.msk [tilespmem:v14+s17+$0x0], $0xffff;
	v6 =	vunpack.i.l.bf16.f32 v2  }
0x152: {  	s6 =	sand.u32 $0x7800, s19;
	v2 =	vunpack.i.u.bf16.f32 v2;
	[tilespmem:s8+$0x10] =	vst v6;
	v6 =	vld.idx.msk [tilespmem:v7+s17+$0x0], $0xffff  }
0x153: {  	s6 =	sadd.s32 $0x10F00, s6;
	v5 =	vunpack.i.u.bf16.f32 v5;
	[tilespmem:s8+$0x410] =	vst v2;
	v2 =	vld.idx.msk [tilespmem:v10+s17+$0x0], $0xffff  }
0x154: {  	s15 =	sadd.s32 s16, s6;
	[tilespmem:s29+$0x460] =	vst v5;
	v7 =	vunpack.i.l.bf16.f32 v11;
	v5 =	vld [tilespmem:s1+$0x20]  }
0x155: {  	v11 =	vunpack.i.u.bf16.f32 v11;
	[tilespmem:s15+$0x0] =	vst v7;
	v10 =	vld.idx.msk [tilespmem:v12+s17+$0x0], $0xffff  }
0x156: {  	[tilespmem:s15+$0x400] =	vst v11;
	v11 =	vld [tilespmem:s20+$0x60];
	v7 =	vunpack.i.l.bf16.f32 v13  }
0x157: {  	v13 =	vunpack.i.u.bf16.f32 v13;
	v12 =	vld [tilespmem:s24+$0x10];
	[tilespmem:s9+$0x20] =	vst v7  }
0x158: {  	v7 =	vld.idx.msk [tilespmem:v9+s17+$0x0], $0xffff;
	[tilespmem:s9+$0x420] =	vst v13;
	v9 =	vunpack.i.l.bf16.f32 v2  }
0x159: {  	v2 =	vunpack.i.u.bf16.f32 v2;
	[tilespmem:s7+$0x40] =	vst v9  }
0x15a: {  	v13 =	vld [tilespmem:s11+$0x30];
	[tilespmem:s7+$0x440] =	vst v2;
	v2 =	vunpack.i.l.bf16.f32 v10  }
0x15b: {  	v9 =	vld [tilespmem:s2+$0x70];
	v10 =	vunpack.i.u.bf16.f32 v10;
	[tilespmem:s10+$0x60] =	vst v2  }
0x15c: {  	v14 =	vld [tilespmem:s18+$0x50];
	v2 =	vunpack.i.l.bf16.f32 v8;
	[tilespmem:s10+$0x460] =	vst v10  }
0x15d: {  	v5 =	vld.idx.msk [tilespmem:v5+s17+$0x0], $0xffff;
	v10 =	vunpack.i.l.bf16.f32 v7;
	[tilespmem:s21+$0x70] =	vst v2  }
0x15e: {  	s2 =	sadd.s32 s5, s6;
	v2 =	vunpack.i.l.bf16.f32 v4;
	v8 =	vld [tilespmem:s22+$0x70];
	[tilespmem:s14+$0x30] =	vst v10  }
0x15f: {  	v4 =	vunpack.i.u.bf16.f32 v4;
	[tilespmem:s2+$0x0] =	vst v2;
	v2 =	vld.idx.msk [tilespmem:v11+s17+$0x0], $0xffff  }
0x160: {  	v7 =	vunpack.i.u.bf16.f32 v7;
	[tilespmem:s2+$0x400] =	vst v4;
	v4 =	vld.idx.msk [tilespmem:v12+s17+$0x0], $0xffff  }
0x161: {  	[tilespmem:s14+$0x430] =	vst v7;
	v11 =	vunpack.i.l.bf16.f32 v3;
	v10 =	vld [tilespmem:s23+$0x10]  }
0x162: {  	s21 =	simm.s32 $0x700;
	v3 =	vunpack.i.u.bf16.f32 v3;
	v7 =	vld.idx.msk [tilespmem:v13+s17+$0x0], $0xffff;
	[tilespmem:s0+$0x40] =	vst v11  }
0x163: {  	s22 =	sand.u32 $0x3C00, s21;
	s5 =	sand.u32 $0x300, s21;
	v11 =	vld [tilespmem:s13+$0x40];
	[tilespmem:s0+$0x440] =	vst v3;
	v3 =	vunpack.i.l.bf16.f32 v5  }
0x164: {  	s6 =	sadd.s32 s22, s26;
	s4 =	sor.u32 $0x80, s5;
	v5 =	vunpack.i.u.bf16.f32 v5;
	[tilespmem:s8+$0x20] =	vst v3;
	v12 =	vld.idx.msk [tilespmem:v14+s17+$0x0], $0xffff  }
0x165: {  	s22 =	sadd.s32 s4, s6;
	v3 =	vld [tilespmem:s3+$0x50];
	[tilespmem:s8+$0x420] =	vst v5;
	v5 =	vunpack.i.l.bf16.f32 v4  }
0x166: {  	v13 =	vld [tilespmem:s22+$0x0];
	v4 =	vunpack.i.u.bf16.f32 v4;
	[tilespmem:s15+$0x10] =	vst v5  }
0x167: {  	v15 =	vld [tilespmem:s1+$0x30];
	[tilespmem:s15+$0x410] =	vst v4;
	v4 =	vunpack.i.l.bf16.f32 v7  }
0x168: {  	v7 =	vunpack.i.u.bf16.f32 v7;
	v8 =	vld.idx.msk [tilespmem:v8+s17+$0x0], $0xffff;
	[tilespmem:s9+$0x30] =	vst v4  }
0x169: {  	v14 =	vld [tilespmem:s24+$0x20];
	[tilespmem:s9+$0x430] =	vst v7;
	v7 =	vunpack.i.l.bf16.f32 v12  }
0x16a: {  	v4 =	vld.idx.msk [tilespmem:v10+s17+$0x0], $0xffff;
	v12 =	vunpack.i.u.bf16.f32 v12;
	[tilespmem:s7+$0x50] =	vst v7  }
0x16b: {  	s21 =	sadd.s32 s5, s6;
	v10 =	vld [tilespmem:s11+$0x40];
	v7 =	vunpack.i.l.bf16.f32 v6;
	[tilespmem:s7+$0x450] =	vst v12  }
0x16c: {  	v5 =	vld [tilespmem:s21+$0x0];
	v6 =	vunpack.i.u.bf16.f32 v6;
	[tilespmem:s30+$0x50] =	vst v7  }
0x16d: {  	v12 =	vunpack.i.l.bf16.f32 v2;
	v7 =	vld [tilespmem:s18+$0x60];
	[tilespmem:s30+$0x450] =	vst v6  }
0x16e: {  	v11 =	vld.idx.msk [tilespmem:v11+s17+$0x0], $0xffff;
	v6 =	vunpack.i.u.bf16.f32 v8;
	[tilespmem:s28+$0x60] =	vst v12  }
0x16f: {  	v2 =	vunpack.i.u.bf16.f32 v2;
	[tilespmem:s10+$0x470] =	vst v6;
	v6 =	vld.idx.msk [tilespmem:v13+s17+$0x0], $0xffff  }
0x170: {  	v16 =	vld.idx.msk [tilespmem:v9+s17+$0x0], $0xffff;
	v8 =	vunpack.i.l.bf16.f32 v8;
	[tilespmem:s28+$0x460] =	vst v2  }
0x171: {  	[tilespmem:s10+$0x70] =	vst v8;
	s10 =	simm.s32 $0xE00;
	v2 =	vunpack.i.l.bf16.f32 v4;
	v12 =	vld.idx.msk [tilespmem:v14+s17+$0x0], $0xffff  }
0x172: {  	v4 =	vunpack.i.u.bf16.f32 v4;
	[tilespmem:s2+$0x10] =	vst v2;
	v2 =	vld [tilespmem:s20+$0x70];
	s20 =	sand.u32 $0x7800, s10  }
0x173: {  	v8 =	vunpack.i.l.bf16.f32 v11;
	[tilespmem:s2+$0x410] =	vst v4;
	s19 =	sadd.s32 $0x10F00, s20;
	v4 =	vld.idx.msk [tilespmem:v10+s17+$0x0], $0xffff  }
0x174: {  	[tilespmem:s14+$0x40] =	vst v8;
	v10 =	vld [tilespmem:s23+$0x20];
	s6 =	sadd.s32 s4, s19;
	v13 =	vunpack.i.l.bf16.f32 v6  }
0x175: {  	v6 =	vunpack.i.u.bf16.f32 v6;
	[tilespmem:s6+$0x0] =	vst v13;
	v7 =	vld.idx.msk [tilespmem:v7+s17+$0x0], $0xffff  }
0x176: {  	v5 =	vld.idx.msk [tilespmem:v5+s17+$0x0], $0xffff;
	[tilespmem:s6+$0x400] =	vst v6;
	v6 =	vunpack.i.l.bf16.f32 v12  }
0x177: {  	v13 =	vld [tilespmem:s31+$0x60];
	v8 =	vunpack.i.u.bf16.f32 v12;
	[tilespmem:s15+$0x20] =	vst v6  }
0x178: {  	v14 =	vld [tilespmem:s22+$0x10];
	[tilespmem:s15+$0x420] =	vst v8;
	v8 =	vunpack.i.l.bf16.f32 v4  }
0x179: {  	v6 =	vld.idx.msk [tilespmem:v15+s17+$0x0], $0xffff;
	v4 =	vunpack.i.u.bf16.f32 v4;
	[tilespmem:s9+$0x40] =	vst v8  }
0x17a: {  	v15 =	vld [tilespmem:s24+$0x30];
	[tilespmem:s9+$0x440] =	vst v4;
	v4 =	vunpack.i.l.bf16.f32 v7  }
0x17b: {  	v3 =	vld.idx.msk [tilespmem:v3+s17+$0x0], $0xffff;
	v7 =	vunpack.i.u.bf16.f32 v7;
	[tilespmem:s7+$0x60] =	vst v4  }
0x17c: {  	s20 =	sadd.s32 s5, s19;
	v9 =	vld [tilespmem:s11+$0x50];
	v4 =	vunpack.i.l.bf16.f32 v5;
	[tilespmem:s7+$0x460] =	vst v7  }
0x17d: {  	v17 =	vld.idx.msk [tilespmem:v10+s17+$0x0], $0xffff;
	v5 =	vunpack.i.u.bf16.f32 v5;
	[tilespmem:s20+$0x0] =	vst v4  }
0x17e: {  	v8 =	vld [tilespmem:s18+$0x70];
	v4 =	vunpack.i.l.bf16.f32 v6;
	[tilespmem:s20+$0x400] =	vst v5  }
0x17f: {  	v5 =	vld.idx.msk [tilespmem:v13+s17+$0x0], $0xffff;
	v6 =	vunpack.i.u.bf16.f32 v6;
	[tilespmem:s8+$0x30] =	vst v4  }
0x180: {  	v12 =	vld.idx.msk [tilespmem:v14+s17+$0x0], $0xffff;
	v4 =	vunpack.i.u.bf16.f32 v11;
	[tilespmem:s8+$0x430] =	vst v6  }
0x181: {  	s4 =	sor.u32 s25, s12;
	v10 =	vld [tilespmem:s21+$0x10];
	[tilespmem:s14+$0x440] =	vst v4  }
0x182: {  	v18 =	vunpack.i.l.bf16.f32 v3;
	v7 =	vunpack.i.u.bf16.f32 v3;
	v3 =	vunpack.i.u.bf16.f32 v16;
	v11 =	vld.idx.msk [tilespmem:v15+s17+$0x0], $0xffff;
	[dreg:$0xe] =	wrdreg s4  }
0x183: {  	s19 =	simm.s32 $0x800;
	s18 =	simm.s32 $0xE;
	v4 =	vunpack.i.l.bf16.f32 v16;
	v13 =	vunpack.i.u.bf16.f32 v17;
	v14 =	vunpack.i.l.bf16.f32 v17;
	v6 =	vld [tilespmem:s1+$0x40];
	[tilespmem:s0+$0x50] =	vst v18  }
.LBB2_12:
0x184: {  	s5 =	sand.u32 $0x3C00, s19;
	s25 =	sand.u32 $0x300, s19;
	[tilespmem:s2+$0x20] =	vst v14;
	v9 =	vld.idx.msk [tilespmem:v9+s17+$0x0], $0xffff  }
0x185: {  	v14 =	vunpack.i.u.bf16.f32 v5;
	v5 =	vunpack.i.l.bf16.f32 v5;
	s16 =	sadd.s32 s5, s26;
	s12 =	sor.u32 $0x80, s25;
	[tilespmem:s2+$0x420] =	vst v13;
	v13 =	vld [tilespmem:s13+$0x50]  }
0x186: {  	v15 =	vunpack.i.l.bf16.f32 v12;
	s5 =	sadd.s32 s25, s16;
	s16 =	sadd.s32 s12, s16;
	v8 =	vld.idx.msk [tilespmem:v8+s17+$0x0], $0xffff;
	[tilespmem:s0+$0x450] =	vst v7  }
0x187: {  	v12 =	vunpack.i.u.bf16.f32 v12;
	v7 =	vld [tilespmem:s16+$0x0];
	[tilespmem:s6+$0x10] =	vst v15  }
0x188: {  	v15 =	vld [tilespmem:s5+$0x0];
	[tilespmem:s6+$0x410] =	vst v12;
	v12 =	vunpack.i.l.bf16.f32 v11  }
0x189: {  	v11 =	vunpack.i.u.bf16.f32 v11;
	v16 =	vld [tilespmem:s22+$0x20];
	[tilespmem:s15+$0x30] =	vst v12  }
0x18a: {  	v10 =	vld.idx.msk [tilespmem:v10+s17+$0x0], $0xffff;
	[tilespmem:s15+$0x430] =	vst v11;
	v11 =	vunpack.i.l.bf16.f32 v9  }
0x18b: {  	s18 =	sadd.s32 $0x2, s18;
	v9 =	vunpack.i.u.bf16.f32 v9;
	v12 =	vld [tilespmem:s24+$0x40];
	[tilespmem:s9+$0x50] =	vst v11  }
0x18c: {  	p1 =	slt.u32 s18, $0x66;
	v11 =	vld [tilespmem:s23+$0x30];
	[tilespmem:s9+$0x450] =	vst v9;
	v9 =	vunpack.i.u.bf16.f32 v8;
	v8 =	vunpack.i.l.bf16.f32 v8  }
0x18d: {  	v17 =	vld [tilespmem:s11+$0x60];
	[tilespmem:s7+$0x470] =	vst v9  }
0x18e: {  	v6 =	vld.idx.msk [tilespmem:v6+s17+$0x0], $0xffff;
	[tilespmem:s30+$0x60] =	vst v5  }
0x18f: {  	v5 =	vld.idx.msk [tilespmem:v7+s17+$0x0], $0xffff;
	[tilespmem:s30+$0x460] =	vst v14  }
0x190: {  	v9 =	vunpack.i.u.bf16.f32 v10;
	v10 =	vunpack.i.l.bf16.f32 v10;
	v7 =	vld.idx.msk [tilespmem:v15+s17+$0x0], $0xffff;
	[tilespmem:s29+$0x70] =	vst v4  }
0x191: {  	[tilespmem:s20+$0x10] =	vst v10;
	v4 =	vld.idx.msk [tilespmem:v16+s17+$0x0], $0xffff  }
0x192: {  	s10 =	sadd.s32 $0x200, s10;
	[tilespmem:s20+$0x410] =	vst v9;
	v9 =	vld.idx.msk [tilespmem:v13+s17+$0x0], $0xffff  }
0x193: {  	s4 =	sand.u32 $0x7800, s10;
	v10 =	vld.idx.msk [tilespmem:v12+s17+$0x0], $0xffff;
	[tilespmem:s29+$0x470] =	vst v3;
	s29 =	smov.u32 s28;
	s28 =	smov.u32 s30  }
0x194: {  	s4 =	sadd.s32 $0x10F00, s4;
	v13 =	vunpack.i.u.bf16.f32 v6;
	v6 =	vunpack.i.l.bf16.f32 v6;
	s30 =	smov.u32 s0;
	s0 =	smov.u32 s14;
	v3 =	vld [tilespmem:s21+$0x20];
	[tilespmem:s7+$0x70] =	vst v8  }
0x195: {  	s14 =	smov.u32 s8;
	s7 =	sadd.s32 s25, s4;
	v8 =	vunpack.i.l.bf16.f32 v5;
	s4 =	sadd.s32 s12, s4;
	[tilespmem:s8+$0x40] =	vst v6;
	v6 =	vld.idx.msk [tilespmem:v17+s17+$0x0], $0xffff  }
0x196: {  	v5 =	vunpack.i.u.bf16.f32 v5;
	v12 =	vunpack.i.u.bf16.f32 v7;
	v14 =	vunpack.i.l.bf16.f32 v7;
	s8 =	smov.u32 s2;
	s2 =	smov.u32 s20;
	s20 =	smov.u32 s7;
	[tilespmem:s4+$0x0] =	vst v8;
	v8 =	vld.idx.msk [tilespmem:v11+s17+$0x0], $0xffff  }
0x197: {  	s7 =	smov.u32 s9;
	s9 =	smov.u32 s15;
	s15 =	smov.u32 s6;
	[tilespmem:s4+$0x400] =	vst v5;
	v5 =	vunpack.i.l.bf16.f32 v4;
	v11 =	vld [tilespmem:s3+$0x60]  }
0x198: {  	s6 =	smov.u32 s4;
	v4 =	vunpack.i.u.bf16.f32 v4;
	v7 =	vunpack.i.u.bf16.f32 v9;
	v16 =	vunpack.i.l.bf16.f32 v9;
	v15 =	vld [tilespmem:s16+$0x10];
	[tilespmem:s15+$0x20] =	vst v5  }
0x199: {  	[tilespmem:s15+$0x420] =	vst v4;
	v4 =	vunpack.i.l.bf16.f32 v10;
	v5 =	vld [tilespmem:s31+$0x70];
	s31 =	smov.u32 s3;
	s3 =	smov.u32 s13;
	s13 =	smov.u32 s1  }
0x19a: {  	v9 =	vunpack.i.u.bf16.f32 v10;
	s1 =	smov.u32 s23;
	s23 =	smov.u32 s21;
	s21 =	smov.u32 s5;
	v17 =	vld [tilespmem:s22+$0x30];
	[tilespmem:s9+$0x40] =	vst v4  }
0x19b: {  	v4 =	vunpack.i.l.bf16.f32 v6;
	[tilespmem:s9+$0x440] =	vst v9;
	v18 =	vld.idx.msk [tilespmem:v2+s17+$0x0], $0xffff  }
0x19c: {  	v20 =	vunpack.i.u.bf16.f32 v6;
	v19 =	vunpack.i.u.bf16.f32 v8;
	v10 =	vunpack.i.l.bf16.f32 v8;
	v9 =	vld [tilespmem:s24+$0x50];
	[tilespmem:s7+$0x60] =	vst v4  }
0x19d: {  	v6 =	vld.idx.msk [tilespmem:v3+s17+$0x0], $0xffff;
	[tilespmem:s7+$0x460] =	vst v20  }
0x19e: {  	[tilespmem:s20+$0x0] =	vst v14;
	v8 =	vld [tilespmem:s11+$0x70];
	v2 =	vmov v5;
	s11 =	smov.u32 s24;
	s24 =	smov.u32 s22;
	s22 =	smov.u32 s16  }
.Ltmp5:
0x19f: {  	[tilespmem:s20+$0x400] =	vst v12;
	v5 =	vld.idx.msk [tilespmem:v11+s17+$0x0], $0xffff;
	(pc) =	sbr.rel @p1 .LBB2_12-.Ltmp5, $4  }
0x1a0: {  	v12 =	vld.idx.msk [tilespmem:v15+s17+$0x0], $0xffff;
	[tilespmem:s8+$0x30] =	vst v10  }
0x1a1: {  	v3 =	vunpack.i.u.bf16.f32 v18;
	v4 =	vunpack.i.l.bf16.f32 v18;
	v10 =	vld [tilespmem:s21+$0x10];
	[tilespmem:s8+$0x430] =	vst v19  }
0x1a2: {  	v11 =	vld.idx.msk [tilespmem:v17+s17+$0x0], $0xffff;
	[tilespmem:s14+$0x440] =	vst v13  }
0x1a3: {  	s19 =	sadd.s32 $0x100, s19;
	v13 =	vunpack.i.u.bf16.f32 v6;
	v14 =	vunpack.i.l.bf16.f32 v6;
	v6 =	vld [tilespmem:s1+$0x40];
	[tilespmem:s0+$0x50] =	vst v16  }
0x1a4: {  	_ = 	snop  }
0x1a5: {  	v15 =	vunpack.i.l.bf16.f32 v12  }
0x1a6: {  	v12 =	vunpack.i.u.bf16.f32 v12;
	[tilespmem:s6+$0x10] =	vst v15  }
0x1a7: {  	[tilespmem:s6+$0x410] =	vst v12  }
0x1a8: {  	v12 =	vld [tilespmem:s22+$0x20]  }
0x1a9: {  	v9 =	vld.idx.msk [tilespmem:v9+s17+$0x0], $0xffff  }
0x1aa: {  	[tilespmem:s2+$0x20] =	vst v14  }
0x1ab: {  	[tilespmem:s2+$0x420] =	vst v13;
	v10 =	vld.idx.msk [tilespmem:v10+s17+$0x0], $0xffff  }
0x1ac: {  	[tilespmem:s0+$0x450] =	vst v7;
	v14 =	vunpack.i.l.bf16.f32 v11  }
0x1ad: {  	v11 =	vunpack.i.u.bf16.f32 v11;
	[tilespmem:s15+$0x30] =	vst v14  }
0x1ae: {  	v13 =	vld [tilespmem:s13+$0x50];
	[tilespmem:s15+$0x430] =	vst v11;
	v7 =	vunpack.i.l.bf16.f32 v9  }
0x1af: {  	v8 =	vld.idx.msk [tilespmem:v8+s17+$0x0], $0xffff;
	v9 =	vunpack.i.u.bf16.f32 v9;
	[tilespmem:s9+$0x50] =	vst v7  }
0x1b0: {  	[tilespmem:s9+$0x450] =	vst v9;
	v9 =	vunpack.i.l.bf16.f32 v10;
	v12 =	vld.idx.msk [tilespmem:v12+s17+$0x0], $0xffff  }
0x1b1: {  	v11 =	vld [tilespmem:s24+$0x40];
	v10 =	vunpack.i.u.bf16.f32 v10;
	[tilespmem:s20+$0x10] =	vst v9  }
0x1b2: {  	v7 =	vld [tilespmem:s23+$0x30];
	[tilespmem:s20+$0x410] =	vst v10  }
0x1b3: {  	v9 =	vld [tilespmem:s21+$0x20];
	_ =	sdelay $0x1  }
0x1b4: {  	v10 =	vunpack.i.l.bf16.f32 v12  }
0x1b5: {  	v12 =	vunpack.i.u.bf16.f32 v12;
	[tilespmem:s6+$0x20] =	vst v10  }
0x1b6: {  	[tilespmem:s6+$0x420] =	vst v12  }
0x1b7: {  	v10 =	vld [tilespmem:s22+$0x30];
	_ =	sdelay $0x2  }
0x1b8: {  	v9 =	vld.idx.msk [tilespmem:v9+s17+$0x0], $0xffff;
	_ =	sdelay $0x4  }
0x1b9: {  	v12 =	vunpack.i.l.bf16.f32 v9;
	v10 =	vld.idx.msk [tilespmem:v10+s17+$0x0], $0xffff  }
0x1ba: {  	v9 =	vunpack.i.u.bf16.f32 v9;
	[tilespmem:s20+$0x20] =	vst v12  }
0x1bb: {  	[tilespmem:s20+$0x420] =	vst v9  }
0x1bc: {  	v9 =	vld [tilespmem:s21+$0x30];
	_ =	sdelay $0x1  }
0x1bd: {  	v12 =	vunpack.i.l.bf16.f32 v10  }
0x1be: {  	v11 =	vld.idx.msk [tilespmem:v11+s17+$0x0], $0xffff;
	v10 =	vunpack.i.u.bf16.f32 v10;
	[tilespmem:s6+$0x30] =	vst v12  }
0x1bf: {  	[tilespmem:s6+$0x430] =	vst v10  }
0x1c0: {  	v10 =	vld [tilespmem:s22+$0x40]  }
0x1c1: {  	v7 =	vld.idx.msk [tilespmem:v7+s17+$0x0], $0xffff;
	_ =	sdelay $0x1  }
0x1c2: {  	v12 =	vunpack.i.l.bf16.f32 v11;
	v9 =	vld.idx.msk [tilespmem:v9+s17+$0x0], $0xffff  }
0x1c3: {  	v14 =	vld [tilespmem:s11+$0x60];
	v11 =	vunpack.i.u.bf16.f32 v11;
	[tilespmem:s15+$0x40] =	vst v12  }
0x1c4: {  	[tilespmem:s15+$0x440] =	vst v11  }
0x1c5: {  	v11 =	vunpack.i.l.bf16.f32 v7;
	v12 =	vld [tilespmem:s24+$0x50]  }
0x1c6: {  	v7 =	vunpack.i.u.bf16.f32 v7;
	[tilespmem:s2+$0x30] =	vst v11  }
0x1c7: {  	[tilespmem:s2+$0x430] =	vst v7;
	v7 =	vld.idx.msk [tilespmem:v10+s17+$0x0], $0xffff;
	v10 =	vunpack.i.l.bf16.f32 v9  }
0x1c8: {  	v11 =	vld [tilespmem:s23+$0x40];
	v9 =	vunpack.i.u.bf16.f32 v9;
	[tilespmem:s20+$0x30] =	vst v10  }
0x1c9: {  	v6 =	vld.idx.msk [tilespmem:v6+s17+$0x0], $0xffff;
	[tilespmem:s20+$0x430] =	vst v9  }
0x1ca: {  	v9 =	vld [tilespmem:s21+$0x40]  }
0x1cb: {  	v14 =	vld.idx.msk [tilespmem:v14+s17+$0x0], $0xffff;
	v10 =	vunpack.i.u.bf16.f32 v8  }
0x1cc: {  	[tilespmem:s7+$0x470] =	vst v10;
	v10 =	vunpack.i.l.bf16.f32 v7  }
0x1cd: {  	v12 =	vld.idx.msk [tilespmem:v12+s17+$0x0], $0xffff;
	v7 =	vunpack.i.u.bf16.f32 v7;
	[tilespmem:s6+$0x40] =	vst v10  }
0x1ce: {  	v10 =	vunpack.i.l.bf16.f32 v5;
	[tilespmem:s6+$0x440] =	vst v7  }
0x1cf: {  	v7 =	vunpack.i.l.bf16.f32 v6;
	[tilespmem:s30+$0x60] =	vst v10;
	v10 =	vld [tilespmem:s22+$0x50]  }
0x1d0: {  	v11 =	vld.idx.msk [tilespmem:v11+s17+$0x0], $0xffff;
	[tilespmem:s8+$0x40] =	vst v7;
	v7 =	vunpack.i.l.bf16.f32 v14  }
0x1d1: {  	v14 =	vunpack.i.u.bf16.f32 v14;
	[tilespmem:s9+$0x60] =	vst v7  }
0x1d2: {  	[tilespmem:s9+$0x460] =	vst v14;
	v7 =	vunpack.i.l.bf16.f32 v12;
	v9 =	vld.idx.msk [tilespmem:v9+s17+$0x0], $0xffff  }
0x1d3: {  	v12 =	vunpack.i.u.bf16.f32 v12;
	[tilespmem:s15+$0x50] =	vst v7  }
0x1d4: {  	v6 =	vunpack.i.u.bf16.f32 v6;
	v7 =	vld [tilespmem:s11+$0x70];
	[tilespmem:s15+$0x450] =	vst v12  }
0x1d5: {  	[tilespmem:s8+$0x440] =	vst v6;
	v12 =	vunpack.i.l.bf16.f32 v11;
	v6 =	vld [tilespmem:s24+$0x60]  }
0x1d6: {  	v14 =	vld [tilespmem:s1+$0x50];
	v11 =	vunpack.i.u.bf16.f32 v11;
	[tilespmem:s2+$0x40] =	vst v12  }
0x1d7: {  	[tilespmem:s2+$0x440] =	vst v11;
	v10 =	vld.idx.msk [tilespmem:v10+s17+$0x0], $0xffff;
	v11 =	vunpack.i.l.bf16.f32 v9  }
0x1d8: {  	v12 =	vld [tilespmem:s23+$0x50];
	v9 =	vunpack.i.u.bf16.f32 v9;
	[tilespmem:s20+$0x40] =	vst v11  }
0x1d9: {  	v5 =	vunpack.i.u.bf16.f32 v5;
	v11 =	vld.idx.msk [tilespmem:v13+s17+$0x0], $0xffff;
	[tilespmem:s20+$0x440] =	vst v9  }
0x1da: {  	[tilespmem:s30+$0x460] =	vst v5;
	v5 =	vld [tilespmem:s21+$0x50]  }
0x1db: {  	[tilespmem:s29+$0x70] =	vst v4;
	v4 =	vld [tilespmem:s3+$0x60]  }
0x1dc: {  	[tilespmem:s29+$0x470] =	vst v3;
	v3 =	vld.idx.msk [tilespmem:v7+s17+$0x0], $0xffff;
	v7 =	vunpack.i.l.bf16.f32 v10  }
0x1dd: {  	v6 =	vld.idx.msk [tilespmem:v6+s17+$0x0], $0xffff;
	v9 =	vunpack.i.u.bf16.f32 v10;
	[tilespmem:s6+$0x50] =	vst v7  }
0x1de: {  	v7 =	vunpack.i.l.bf16.f32 v8;
	v8 =	vld.idx.msk [tilespmem:v14+s17+$0x0], $0xffff;
	[tilespmem:s6+$0x450] =	vst v9  }
0x1df: {  	[tilespmem:s7+$0x70] =	vst v7;
	v7 =	vunpack.i.l.bf16.f32 v11;
	v9 =	vld [tilespmem:s22+$0x60]  }
0x1e0: {  	v10 =	vunpack.i.u.bf16.f32 v11;
	[tilespmem:s14+$0x50] =	vst v7;
	v7 =	vld.idx.msk [tilespmem:v12+s17+$0x0], $0xffff  }
0x1e1: {  	[tilespmem:s14+$0x450] =	vst v10;
	v10 =	vunpack.i.u.bf16.f32 v3  }
0x1e2: {  	[tilespmem:s9+$0x470] =	vst v10;
	v10 =	vunpack.i.l.bf16.f32 v6;
	v5 =	vld.idx.msk [tilespmem:v5+s17+$0x0], $0xffff  }
0x1e3: {  	[tilespmem:s15+$0x60] =	vst v10;
	v11 =	vunpack.i.l.bf16.f32 v8  }
0x1e4: {  	v10 =	vld [tilespmem:s13+$0x60];
	v8 =	vunpack.i.u.bf16.f32 v8;
	[tilespmem:s8+$0x50] =	vst v11  }
0x1e5: {  	v4 =	vld.idx.msk [tilespmem:v4+s17+$0x0], $0xffff;
	[tilespmem:s8+$0x450] =	vst v8;
	v8 =	vunpack.i.l.bf16.f32 v7  }
0x1e6: {  	v11 =	vld [tilespmem:s1+$0x60];
	v7 =	vunpack.i.u.bf16.f32 v7;
	[tilespmem:s2+$0x50] =	vst v8  }
0x1e7: {  	[tilespmem:s2+$0x450] =	vst v7;
	v8 =	vld.idx.msk [tilespmem:v9+s17+$0x0], $0xffff;
	v7 =	vunpack.i.l.bf16.f32 v5  }
0x1e8: {  	v9 =	vld [tilespmem:s23+$0x60];
	v5 =	vunpack.i.u.bf16.f32 v5;
	[tilespmem:s20+$0x50] =	vst v7  }
0x1e9: {  	v2 =	vld.idx.msk [tilespmem:v2+s17+$0x0], $0xffff;
	v6 =	vunpack.i.u.bf16.f32 v6;
	[tilespmem:s20+$0x450] =	vst v5  }
0x1ea: {  	[tilespmem:s15+$0x460] =	vst v6;
	v5 =	vunpack.i.l.bf16.f32 v4;
	v6 =	vld [tilespmem:s21+$0x60]  }
0x1eb: {  	v4 =	vunpack.i.u.bf16.f32 v4;
	[tilespmem:s0+$0x60] =	vst v5;
	v5 =	vld [tilespmem:s24+$0x70]  }
0x1ec: {  	[tilespmem:s0+$0x460] =	vst v4;
	v4 =	vld.idx.msk [tilespmem:v10+s17+$0x0], $0xffff;
	v7 =	vunpack.i.l.bf16.f32 v8  }
0x1ed: {  	v10 =	vld [tilespmem:s31+$0x70];
	v8 =	vunpack.i.u.bf16.f32 v8;
	[tilespmem:s6+$0x60] =	vst v7  }
0x1ee: {  	v7 =	vunpack.i.l.bf16.f32 v2;
	[tilespmem:s6+$0x460] =	vst v8;
	v8 =	vld.idx.msk [tilespmem:v11+s17+$0x0], $0xffff  }
0x1ef: {  	v2 =	vunpack.i.u.bf16.f32 v2;
	[tilespmem:s28+$0x70] =	vst v7;
	v7 =	vld [tilespmem:s22+$0x70]  }
0x1f0: {  	v3 =	vunpack.i.l.bf16.f32 v3;
	[tilespmem:s28+$0x470] =	vst v2;
	v2 =	vld.idx.msk [tilespmem:v9+s17+$0x0], $0xffff  }
0x1f1: {  	[tilespmem:s9+$0x70] =	vst v3;
	v3 =	vld [tilespmem:s3+$0x70];
	v9 =	vunpack.i.l.bf16.f32 v4  }
0x1f2: {  	v4 =	vunpack.i.u.bf16.f32 v4;
	[tilespmem:s14+$0x60] =	vst v9;
	v6 =	vld.idx.msk [tilespmem:v6+s17+$0x0], $0xffff  }
0x1f3: {  	[tilespmem:s14+$0x460] =	vst v4;
	v5 =	vld.idx.msk [tilespmem:v5+s17+$0x0], $0xffff;
	v4 =	vunpack.i.l.bf16.f32 v8  }
0x1f4: {  	v9 =	vld [tilespmem:s13+$0x70];
	v8 =	vunpack.i.u.bf16.f32 v8;
	[tilespmem:s8+$0x60] =	vst v4  }
0x1f5: {  	v4 =	vld.idx.msk [tilespmem:v10+s17+$0x0], $0xffff;
	[tilespmem:s8+$0x460] =	vst v8;
	v8 =	vunpack.i.l.bf16.f32 v2  }
0x1f6: {  	v10 =	vld [tilespmem:s1+$0x70];
	v2 =	vunpack.i.u.bf16.f32 v2;
	[tilespmem:s2+$0x60] =	vst v8  }
0x1f7: {  	[tilespmem:s2+$0x460] =	vst v2;
	v7 =	vld.idx.msk [tilespmem:v7+s17+$0x0], $0xffff;
	v2 =	vunpack.i.l.bf16.f32 v6  }
0x1f8: {  	v8 =	vld [tilespmem:s23+$0x70];
	v6 =	vunpack.i.u.bf16.f32 v6;
	[tilespmem:s20+$0x60] =	vst v2  }
0x1f9: {  	v3 =	vld.idx.msk [tilespmem:v3+s17+$0x0], $0xffff;
	v2 =	vunpack.i.u.bf16.f32 v5;
	[tilespmem:s20+$0x460] =	vst v6  }
0x1fa: {  	v5 =	vunpack.i.l.bf16.f32 v5;
	[tilespmem:s15+$0x470] =	vst v2;
	v2 =	vld [tilespmem:s21+$0x70]  }
0x1fb: {  	v6 =	vunpack.i.l.bf16.f32 v4;
	v4 =	vunpack.i.u.bf16.f32 v4;
	[tilespmem:s15+$0x70] =	vst v5  }
0x1fc: {  	[tilespmem:s30+$0x470] =	vst v4;
	v4 =	vld.idx.msk [tilespmem:v9+s17+$0x0], $0xffff  }
0x1fd: {  	[tilespmem:s30+$0x70] =	vst v6;
	v5 =	vunpack.i.u.bf16.f32 v7  }
0x1fe: {  	v6 =	vunpack.i.l.bf16.f32 v3;
	[tilespmem:s6+$0x470] =	vst v5;
	v5 =	vld.idx.msk [tilespmem:v10+s17+$0x0], $0xffff  }
0x1ff: {  	v3 =	vunpack.i.u.bf16.f32 v3;
	[tilespmem:s0+$0x70] =	vst v6  }
0x200: {  	[tilespmem:s0+$0x470] =	vst v3;
	v6 =	vunpack.i.l.bf16.f32 v7;
	v3 =	vld.idx.msk [tilespmem:v8+s17+$0x0], $0xffff  }
0x201: {  	[tilespmem:s6+$0x70] =	vst v6;
	v6 =	vunpack.i.l.bf16.f32 v4  }
0x202: {  	v4 =	vunpack.i.u.bf16.f32 v4;
	[tilespmem:s14+$0x70] =	vst v6;
	v2 =	vld.idx.msk [tilespmem:v2+s17+$0x0], $0xffff  }
0x203: {  	[tilespmem:s14+$0x470] =	vst v4;
	v4 =	vunpack.i.l.bf16.f32 v5  }
0x204: {  	v5 =	vunpack.i.u.bf16.f32 v5;
	[tilespmem:s8+$0x70] =	vst v4  }
0x205: {  	[tilespmem:s8+$0x470] =	vst v5;
	v4 =	vunpack.i.l.bf16.f32 v3  }
0x206: {  	v3 =	vunpack.i.u.bf16.f32 v3;
	[tilespmem:s2+$0x70] =	vst v4  }
0x207: {  	[tilespmem:s2+$0x470] =	vst v3;
	v3 =	vunpack.i.l.bf16.f32 v2  }
0x208: {  	v2 =	vunpack.i.u.bf16.f32 v2;
	[tilespmem:s20+$0x70] =	vst v3  }
0x209: {  	s0 =	rddreg [dreg:$0xe];
	[tilespmem:s20+$0x470] =	vst v2  }
0x20a: {  	s10 =	simm.s32 $0x800;
	s8 =	sshll.u32 s0, $0x8;
	s9 =	rddreg [dreg:$0x5]  }
0x20b: {  	s12 =	simm.s32 $0x10F00;
	s11 =	simm.s32 $0x40000;
	s0 =	sadd.s32 s9, s8  }
0x20c: {  	[hbm4b:s0+s10] =	stream.strided.scatter [tilespmem:s12], [sflag:$0x1], $0x6800, s11, s10, $0x38;
	[tilespmem:$0x1D700] =	vst v63  }
0x20d: {  	s13 =	simm.s32 $0x3400;
	[dreg:$0xd] =	wrdreg s8;
	s0 =	simm.s32 @!p0 $0x2  }
0x20e: {  	s15 =	sand.u32 $0x300, s13;
	s14 =	sand.u32 $0x7C00, s13;
	_ =	swait.ge @!p0 [sflag:s0], $0x6000  }
0x20f: {  	s18 =	sor.u32 $0x80, s15;
	s16 =	sadd.s32 s14, s26;
	[sflag:s0] =	ssyncset.done @!p0 $0x0  }
0x210: {  	s8 =	sadd.s32 s18, s16;
	[sflag:s0] =	ssyncadd.s32 @!p0 $0xFFFFA000  }
0x211: {  	v2 =	vld [tilespmem:s8+$0x0];
	_ =	sdelay $0x7  }
0x212: {  	v2 =	vld.idx.msk [tilespmem:v2+s17+$0x0], $0xffff;
	_ =	sdelay $0x1  }
0x213: {  	s19 =	simm.s32 $0x6800  }
0x214: {  	s0 =	sand.u32 $0xF800, s19  }
0x215: {  	s0 =	sadd.s32 $0x10F00, s0  }
0x216: {  	s7 =	sadd.s32 s18, s0;
	v3 =	vunpack.i.l.bf16.f32 v2  }
0x217: {  	v2 =	vunpack.i.u.bf16.f32 v2;
	[tilespmem:s7+$0x0] =	vst v3  }
0x218: {  	[tilespmem:s7+$0x400] =	vst v2  }
0x219: {  	v2 =	vld [tilespmem:s8+$0x10];
	_ =	sdelay $0x5  }
0x21a: {  	s2 =	sadd.s32 s15, s16  }
0x21b: {  	v3 =	vld [tilespmem:s2+$0x0]  }
0x21c: {  	s20 =	simm.s32 $0x3500;
	v2 =	vld.idx.msk [tilespmem:v2+s17+$0x0], $0xffff  }
0x21d: {  	s4 =	sand.u32 $0x7C00, s20;
	s5 =	sand.u32 $0x300, s20  }
0x21e: {  	s4 =	sadd.s32 s4, s26;
	s21 =	sor.u32 $0x80, s5  }
0x21f: {  	s1 =	sadd.s32 s21, s4  }
0x220: {  	v4 =	vld [tilespmem:s1+$0x0]  }
0x221: {  	v5 =	vunpack.i.l.bf16.f32 v2  }
0x222: {  	v2 =	vunpack.i.u.bf16.f32 v2;
	[tilespmem:s7+$0x10] =	vst v5  }
0x223: {  	v3 =	vld.idx.msk [tilespmem:v3+s17+$0x0], $0xffff;
	[tilespmem:s7+$0x410] =	vst v2  }
0x224: {  	v2 =	vld [tilespmem:s8+$0x20];
	_ =	sdelay $0x3  }
0x225: {  	s31 =	sadd.s32 s15, s0;
	v4 =	vld.idx.msk [tilespmem:v4+s17+$0x0], $0xffff;
	v5 =	vunpack.i.l.bf16.f32 v3  }
0x226: {  	v3 =	vunpack.i.u.bf16.f32 v3;
	[tilespmem:s31+$0x0] =	vst v5  }
0x227: {  	s22 =	simm.s32 $0x6A00;
	[tilespmem:s31+$0x400] =	vst v3  }
0x228: {  	s0 =	sand.u32 $0xF800, s22;
	v3 =	vld [tilespmem:s2+$0x10]  }
0x229: {  	s23 =	sadd.s32 $0x10F00, s0;
	v2 =	vld.idx.msk [tilespmem:v2+s17+$0x0], $0xffff  }
0x22a: {  	s6 =	sadd.s32 s21, s23;
	v5 =	vunpack.i.l.bf16.f32 v4  }
0x22b: {  	v4 =	vunpack.i.u.bf16.f32 v4;
	[tilespmem:s6+$0x0] =	vst v5  }
0x22c: {  	[tilespmem:s6+$0x400] =	vst v4  }
0x22d: {  	v4 =	vld [tilespmem:s1+$0x10]  }
0x22e: {  	v5 =	vunpack.i.l.bf16.f32 v2  }
0x22f: {  	v2 =	vunpack.i.u.bf16.f32 v2;
	[tilespmem:s7+$0x20] =	vst v5  }
0x230: {  	v3 =	vld.idx.msk [tilespmem:v3+s17+$0x0], $0xffff;
	[tilespmem:s7+$0x420] =	vst v2  }
0x231: {  	v2 =	vld [tilespmem:s8+$0x30];
	_ =	sdelay $0x1  }
0x232: {  	s20 =	sadd.s32 s5, s4  }
0x233: {  	v5 =	vld [tilespmem:s20+$0x0]  }
0x234: {  	v4 =	vld.idx.msk [tilespmem:v4+s17+$0x0], $0xffff;
	v6 =	vunpack.i.l.bf16.f32 v3  }
0x235: {  	s24 =	simm.s32 $0x3600;
	v3 =	vunpack.i.u.bf16.f32 v3;
	[tilespmem:s31+$0x10] =	vst v6  }
0x236: {  	s25 =	sand.u32 $0x7C00, s24;
	s0 =	sand.u32 $0x300, s24;
	[tilespmem:s31+$0x410] =	vst v3  }
0x237: {  	s4 =	sadd.s32 s25, s26;
	s28 =	sor.u32 $0x80, s0;
	v3 =	vld [tilespmem:s2+$0x20]  }
0x238: {  	s15 =	sadd.s32 s28, s4;
	v2 =	vld.idx.msk [tilespmem:v2+s17+$0x0], $0xffff  }
0x239: {  	v7 =	vld [tilespmem:s15+$0x0];
	v6 =	vunpack.i.l.bf16.f32 v4  }
0x23a: {  	v4 =	vunpack.i.u.bf16.f32 v4;
	[tilespmem:s6+$0x10] =	vst v6  }
0x23b: {  	[tilespmem:s6+$0x410] =	vst v4;
	v5 =	vld.idx.msk [tilespmem:v5+s17+$0x0], $0xffff  }
0x23c: {  	v4 =	vld [tilespmem:s1+$0x20]  }
0x23d: {  	v6 =	vunpack.i.l.bf16.f32 v2  }
0x23e: {  	v2 =	vunpack.i.u.bf16.f32 v2;
	[tilespmem:s7+$0x30] =	vst v6  }
0x23f: {  	v3 =	vld.idx.msk [tilespmem:v3+s17+$0x0], $0xffff;
	[tilespmem:s7+$0x430] =	vst v2  }
0x240: {  	s3 =	sadd.s32 s5, s23;
	v6 =	vunpack.i.l.bf16.f32 v5;
	v2 =	vunpack.i.u.bf16.f32 v5;
	v5 =	vld [tilespmem:s8+$0x40]  }
0x241: {  	[tilespmem:s3+$0x400] =	vst v2;
	v2 =	vld.idx.msk [tilespmem:v7+s17+$0x0], $0xffff  }
0x242: {  	[tilespmem:s3+$0x0] =	vst v6  }
0x243: {  	s10 =	simm.s32 $0x6C00;
	v6 =	vld [tilespmem:s20+$0x10]  }
0x244: {  	s11 =	sand.u32 $0xF800, s10;
	s30 =	sadd.s32 s0, s4;
	v4 =	vld.idx.msk [tilespmem:v4+s17+$0x0], $0xffff;
	v7 =	vunpack.i.l.bf16.f32 v3  }
0x245: {  	s4 =	sadd.s32 $0x10F00, s11;
	v3 =	vunpack.i.u.bf16.f32 v3;
	[tilespmem:s31+$0x20] =	vst v7;
	v7 =	vld [tilespmem:s30+$0x0]  }
0x246: {  	s21 =	sadd.s32 s28, s4;
	[tilespmem:s31+$0x420] =	vst v3;
	v3 =	vunpack.i.l.bf16.f32 v2  }
0x247: {  	v8 =	vld [tilespmem:s2+$0x30];
	v2 =	vunpack.i.u.bf16.f32 v2;
	[tilespmem:s21+$0x0] =	vst v3  }
0x248: {  	[tilespmem:s21+$0x400] =	vst v2;
	v3 =	vld.idx.msk [tilespmem:v5+s17+$0x0], $0xffff  }
0x249: {  	v2 =	vunpack.i.l.bf16.f32 v4;
	v5 =	vld [tilespmem:s15+$0x10]  }
0x24a: {  	v4 =	vunpack.i.u.bf16.f32 v4;
	[tilespmem:s6+$0x20] =	vst v2  }
0x24b: {  	[tilespmem:s6+$0x420] =	vst v4;
	v6 =	vld.idx.msk [tilespmem:v6+s17+$0x0], $0xffff  }
0x24c: {  	v2 =	vld [tilespmem:s1+$0x30]  }
0x24d: {  	v4 =	vld.idx.msk [tilespmem:v7+s17+$0x0], $0xffff;
	v7 =	vunpack.i.l.bf16.f32 v3  }
0x24e: {  	v3 =	vunpack.i.u.bf16.f32 v3;
	[tilespmem:s7+$0x40] =	vst v7  }
0x24f: {  	v8 =	vld.idx.msk [tilespmem:v8+s17+$0x0], $0xffff;
	[tilespmem:s7+$0x440] =	vst v3  }
0x250: {  	v7 =	vunpack.i.l.bf16.f32 v6;
	v3 =	vunpack.i.u.bf16.f32 v6;
	v6 =	vld [tilespmem:s8+$0x50]  }
0x251: {  	[tilespmem:s3+$0x410] =	vst v3;
	v3 =	vld.idx.msk [tilespmem:v5+s17+$0x0], $0xffff  }
0x252: {  	s29 =	sadd.s32 s0, s4;
	[tilespmem:s3+$0x10] =	vst v7;
	v7 =	vunpack.i.l.bf16.f32 v4  }
0x253: {  	s12 =	simm.s32 $0x3700;
	v4 =	vunpack.i.u.bf16.f32 v4;
	v5 =	vld [tilespmem:s20+$0x20];
	[tilespmem:s29+$0x0] =	vst v7  }
0x254: {  	s13 =	sand.u32 $0x7C00, s12;
	s0 =	sand.u32 $0x300, s12;
	[tilespmem:s29+$0x400] =	vst v4;
	v2 =	vld.idx.msk [tilespmem:v2+s17+$0x0], $0xffff  }
0x255: {  	s4 =	sadd.s32 s13, s26;
	s14 =	sor.u32 $0x80, s0;
	v4 =	vunpack.i.l.bf16.f32 v8;
	v7 =	vld [tilespmem:s30+$0x10]  }
0x256: {  	s22 =	sadd.s32 s14, s4;
	[tilespmem:s31+$0x30] =	vst v4;
	v4 =	vunpack.i.l.bf16.f32 v3  }
0x257: {  	v9 =	vld [tilespmem:s22+$0x0];
	v3 =	vunpack.i.u.bf16.f32 v3;
	[tilespmem:s21+$0x10] =	vst v4  }
0x258: {  	v4 =	vunpack.i.u.bf16.f32 v8;
	[tilespmem:s21+$0x410] =	vst v3;
	v6 =	vld.idx.msk [tilespmem:v6+s17+$0x0], $0xffff  }
0x259: {  	v3 =	vunpack.i.l.bf16.f32 v2;
	[tilespmem:s31+$0x430] =	vst v4;
	v4 =	vld [tilespmem:s15+$0x20]  }
0x25a: {  	v2 =	vunpack.i.u.bf16.f32 v2;
	[tilespmem:s6+$0x30] =	vst v3  }
0x25b: {  	[tilespmem:s6+$0x430] =	vst v2;
	v5 =	vld.idx.msk [tilespmem:v5+s17+$0x0], $0xffff  }
0x25c: {  	v2 =	vld [tilespmem:s1+$0x40]  }
0x25d: {  	v7 =	vld.idx.msk [tilespmem:v7+s17+$0x0], $0xffff;
	v8 =	vunpack.i.l.bf16.f32 v6  }
0x25e: {  	v3 =	vld [tilespmem:s2+$0x40];
	v6 =	vunpack.i.u.bf16.f32 v6;
	[tilespmem:s7+$0x50] =	vst v8  }
0x25f: {  	[tilespmem:s7+$0x450] =	vst v6;
	v6 =	vld.idx.msk [tilespmem:v9+s17+$0x0], $0xffff  }
0x260: {  	v8 =	vunpack.i.l.bf16.f32 v5;
	v9 =	vld [tilespmem:s8+$0x60]  }
0x261: {  	s16 =	simm.s32 $0x6E00;
	s12 =	sadd.s32 s0, s4;
	v5 =	vunpack.i.u.bf16.f32 v5;
	[tilespmem:s3+$0x20] =	vst v8;
	v4 =	vld.idx.msk [tilespmem:v4+s17+$0x0], $0xffff  }
0x262: {  	s4 =	sand.u32 $0xF800, s16;
	[tilespmem:s3+$0x420] =	vst v5;
	v5 =	vld [tilespmem:s12+$0x0];
	v8 =	vunpack.i.l.bf16.f32 v7  }
0x263: {  	s4 =	sadd.s32 $0x10F00, s4;
	v7 =	vunpack.i.u.bf16.f32 v7;
	v10 =	vld [tilespmem:s20+$0x30];
	[tilespmem:s29+$0x10] =	vst v8  }
0x264: {  	s10 =	sadd.s32 s14, s4;
	[tilespmem:s29+$0x410] =	vst v7;
	v2 =	vld.idx.msk [tilespmem:v2+s17+$0x0], $0xffff;
	v7 =	vunpack.i.l.bf16.f32 v6  }
0x265: {  	v6 =	vunpack.i.u.bf16.f32 v6;
	[tilespmem:s10+$0x0] =	vst v7  }
0x266: {  	v3 =	vld.idx.msk [tilespmem:v3+s17+$0x0], $0xffff;
	[tilespmem:s10+$0x400] =	vst v6;
	v6 =	vunpack.i.l.bf16.f32 v4  }
0x267: {  	v8 =	vld [tilespmem:s22+$0x10];
	v4 =	vunpack.i.u.bf16.f32 v4;
	[tilespmem:s21+$0x20] =	vst v6  }
0x268: {  	[tilespmem:s21+$0x420] =	vst v4;
	v6 =	vld.idx.msk [tilespmem:v9+s17+$0x0], $0xffff  }
0x269: {  	v4 =	vunpack.i.l.bf16.f32 v2;
	v9 =	vld [tilespmem:s15+$0x30]  }
0x26a: {  	v2 =	vunpack.i.u.bf16.f32 v2;
	v5 =	vld.idx.msk [tilespmem:v5+s17+$0x0], $0xffff;
	[tilespmem:s6+$0x40] =	vst v4  }
0x26b: {  	[tilespmem:s6+$0x440] =	vst v2;
	v4 =	vld.idx.msk [tilespmem:v10+s17+$0x0], $0xffff  }
0x26c: {  	v2 =	vunpack.i.l.bf16.f32 v3;
	v10 =	vld [tilespmem:s1+$0x50]  }
0x26d: {  	[tilespmem:s31+$0x40] =	vst v2;
	v2 =	vunpack.i.l.bf16.f32 v6  }
0x26e: {  	v6 =	vunpack.i.u.bf16.f32 v6;
	[tilespmem:s7+$0x60] =	vst v2  }
0x26f: {  	s18 =	simm.s32 $0x3800;
	s0 =	sadd.s32 s0, s4;
	v2 =	vunpack.i.l.bf16.f32 v5;
	[tilespmem:s7+$0x460] =	vst v6;
	v6 =	vld.idx.msk [tilespmem:v8+s17+$0x0], $0xffff  }
0x270: {  	s9 =	simm.s32 $0x3900;
	s19 =	sand.u32 $0x7C00, s18;
	s23 =	sand.u32 $0x300, s18;
	v7 =	vld [tilespmem:s30+$0x20];
	v5 =	vunpack.i.u.bf16.f32 v5;
	[tilespmem:s0+$0x0] =	vst v2  }
0x271: {  	s24 =	sadd.s32 s19, s26;
	s25 =	sor.u32 $0x80, s23;
	s28 =	simm.s32 $0x7000;
	v2 =	vunpack.i.l.bf16.f32 v4;
	[tilespmem:s0+$0x400] =	vst v5;
	v5 =	vld.idx.msk [tilespmem:v9+s17+$0x0], $0xffff  }
0x272: {  	s19 =	sand.u32 $0x300, s9;
	s18 =	sadd.s32 s25, s24;
	s4 =	sand.u32 $0xF800, s28;
	v4 =	vunpack.i.u.bf16.f32 v4;
	[tilespmem:s3+$0x30] =	vst v2  }
0x273: {  	s13 =	sadd.s32 s23, s24;
	s16 =	sand.u32 $0x7C00, s9;
	s4 =	sadd.s32 $0x10F00, s4;
	v2 =	vunpack.i.u.bf16.f32 v3;
	v3 =	vld [tilespmem:s12+$0x10];
	[tilespmem:s3+$0x430] =	vst v4  }
0x274: {  	s24 =	sor.u32 $0x80, s19;
	s14 =	sadd.s32 s23, s4;
	s23 =	sadd.s32 s16, s26;
	[tilespmem:s31+$0x440] =	vst v2;
	v2 =	vld.idx.msk [tilespmem:v10+s17+$0x0], $0xffff;
	v4 =	vunpack.i.l.bf16.f32 v6  }
0x275: {  	s9 =	sadd.s32 s24, s23;
	v9 =	vld [tilespmem:s18+$0x0];
	v6 =	vunpack.i.u.bf16.f32 v6;
	[tilespmem:s10+$0x10] =	vst v4  }
0x276: {  	v13 =	vld [tilespmem:s9+$0x0];
	[tilespmem:s10+$0x410] =	vst v6;
	v6 =	vunpack.i.l.bf16.f32 v5  }
0x277: {  	v10 =	vld [tilespmem:s22+$0x20];
	v5 =	vunpack.i.u.bf16.f32 v5;
	[tilespmem:s21+$0x30] =	vst v6  }
0x278: {  	v7 =	vld.idx.msk [tilespmem:v7+s17+$0x0], $0xffff;
	[tilespmem:s21+$0x430] =	vst v5  }
0x279: {  	v5 =	vunpack.i.l.bf16.f32 v2;
	v11 =	vld [tilespmem:s15+$0x40]  }
0x27a: {  	v8 =	vld [tilespmem:s8+$0x70];
	v2 =	vunpack.i.u.bf16.f32 v2;
	[tilespmem:s6+$0x50] =	vst v5  }
0x27b: {  	[tilespmem:s6+$0x450] =	vst v2;
	v3 =	vld.idx.msk [tilespmem:v3+s17+$0x0], $0xffff  }
0x27c: {  	v2 =	vld [tilespmem:s1+$0x60]  }
0x27d: {  	v5 =	vunpack.i.l.bf16.f32 v7;
	v9 =	vld.idx.msk [tilespmem:v9+s17+$0x0], $0xffff  }
0x27e: {  	v7 =	vunpack.i.u.bf16.f32 v7;
	[tilespmem:s29+$0x20] =	vst v5;
	v5 =	vld [tilespmem:s13+$0x0]  }
0x27f: {  	[tilespmem:s29+$0x420] =	vst v7;
	v7 =	vld.idx.msk [tilespmem:v10+s17+$0x0], $0xffff  }
0x280: {  	v10 =	vld [tilespmem:s30+$0x30];
	v12 =	vunpack.i.l.bf16.f32 v3  }
0x281: {  	v3 =	vunpack.i.u.bf16.f32 v3;
	[tilespmem:s0+$0x10] =	vst v12;
	v11 =	vld.idx.msk [tilespmem:v11+s17+$0x0], $0xffff  }
0x282: {  	s11 =	sadd.s32 s25, s4;
	v4 =	vld [tilespmem:s20+$0x40];
	[tilespmem:s0+$0x410] =	vst v3;
	v3 =	vunpack.i.l.bf16.f32 v9  }
0x283: {  	v9 =	vunpack.i.u.bf16.f32 v9;
	v12 =	vld [tilespmem:s12+$0x20];
	[tilespmem:s11+$0x0] =	vst v3  }
0x284: {  	[tilespmem:s11+$0x400] =	vst v9;
	v2 =	vld.idx.msk [tilespmem:v2+s17+$0x0], $0xffff;
	v3 =	vunpack.i.l.bf16.f32 v7  }
0x285: {  	v9 =	vld [tilespmem:s18+$0x10];
	v7 =	vunpack.i.u.bf16.f32 v7;
	[tilespmem:s10+$0x20] =	vst v3  }
0x286: {  	v3 =	vld.idx.msk [tilespmem:v5+s17+$0x0], $0xffff;
	[tilespmem:s10+$0x420] =	vst v7;
	v5 =	vunpack.i.l.bf16.f32 v11  }
0x287: {  	v7 =	vld [tilespmem:s22+$0x30];
	v11 =	vunpack.i.u.bf16.f32 v11;
	[tilespmem:s21+$0x40] =	vst v5  }
0x288: {  	v5 =	vld.idx.msk [tilespmem:v10+s17+$0x0], $0xffff;
	[tilespmem:s21+$0x440] =	vst v11  }
0x289: {  	v10 =	vunpack.i.l.bf16.f32 v2;
	v11 =	vld [tilespmem:s15+$0x50]  }
0x28a: {  	v4 =	vld.idx.msk [tilespmem:v4+s17+$0x0], $0xffff;
	v2 =	vunpack.i.u.bf16.f32 v2;
	[tilespmem:s6+$0x60] =	vst v10  }
0x28b: {  	v6 =	vld [tilespmem:s2+$0x50];
	[tilespmem:s6+$0x460] =	vst v2;
	v10 =	vunpack.i.l.bf16.f32 v3  }
0x28c: {  	v12 =	vld.idx.msk [tilespmem:v12+s17+$0x0], $0xffff;
	v2 =	vunpack.i.u.bf16.f32 v3;
	[tilespmem:s14+$0x0] =	vst v10  }
0x28d: {  	[tilespmem:s14+$0x400] =	vst v2;
	v2 =	vld.idx.msk [tilespmem:v9+s17+$0x0], $0xffff;
	v10 =	vunpack.i.l.bf16.f32 v5  }
0x28e: {  	v8 =	vld.idx.msk [tilespmem:v8+s17+$0x0], $0xffff;
	v5 =	vunpack.i.u.bf16.f32 v5;
	[tilespmem:s29+$0x30] =	vst v10  }
0x28f: {  	v10 =	vunpack.i.l.bf16.f32 v4;
	[tilespmem:s29+$0x430] =	vst v5;
	v5 =	vld.idx.msk [tilespmem:v7+s17+$0x0], $0xffff  }
0x290: {  	v9 =	vld [tilespmem:s13+$0x10];
	v4 =	vunpack.i.u.bf16.f32 v4;
	[tilespmem:s3+$0x40] =	vst v10  }
0x291: {  	[tilespmem:s3+$0x440] =	vst v4;
	v4 =	vunpack.i.l.bf16.f32 v12;
	v10 =	vld.idx.msk [tilespmem:v11+s17+$0x0], $0xffff  }
0x292: {  	v3 =	vld [tilespmem:s1+$0x70];
	[tilespmem:s0+$0x20] =	vst v4;
	v11 =	vunpack.i.l.bf16.f32 v2  }
0x293: {  	v6 =	vld.idx.msk [tilespmem:v6+s17+$0x0], $0xffff;
	v2 =	vunpack.i.u.bf16.f32 v2;
	[tilespmem:s11+$0x10] =	vst v11  }
0x294: {  	v7 =	vld [tilespmem:s30+$0x40];
	[tilespmem:s11+$0x410] =	vst v2;
	v2 =	vunpack.i.l.bf16.f32 v5  }
0x295: {  	v11 =	vld [tilespmem:s18+$0x20];
	v5 =	vunpack.i.u.bf16.f32 v5;
	[tilespmem:s10+$0x30] =	vst v2  }
0x296: {  	v4 =	vld [tilespmem:s20+$0x50];
	[tilespmem:s10+$0x430] =	vst v5;
	v5 =	vunpack.i.l.bf16.f32 v10  }
0x297: {  	v14 =	vld [tilespmem:s22+$0x40];
	v10 =	vunpack.i.u.bf16.f32 v10;
	[tilespmem:s21+$0x50] =	vst v5  }
0x298: {  	v9 =	vld.idx.msk [tilespmem:v9+s17+$0x0], $0xffff;
	v5 =	vunpack.i.u.bf16.f32 v12;
	[tilespmem:s21+$0x450] =	vst v10  }
0x299: {  	[tilespmem:s0+$0x420] =	vst v5;
	v5 =	vld [tilespmem:s15+$0x60]  }
0x29a: {  	v3 =	vld.idx.msk [tilespmem:v3+s17+$0x0], $0xffff;
	v10 =	vunpack.i.u.bf16.f32 v8  }
0x29b: {  	s1 =	sadd.s32 s19, s23;
	v8 =	vunpack.i.l.bf16.f32 v8;
	[tilespmem:s7+$0x470] =	vst v10;
	v10 =	vld.idx.msk [tilespmem:v13+s17+$0x0], $0xffff  }
0x29c: {  	v2 =	vld [tilespmem:s1+$0x0];
	[tilespmem:s7+$0x70] =	vst v8;
	v8 =	vunpack.i.l.bf16.f32 v6  }
0x29d: {  	s25 =	simm.s32 $0x7200;
	[tilespmem:s31+$0x50] =	vst v8;
	v8 =	vunpack.i.l.bf16.f32 v9;
	v11 =	vld.idx.msk [tilespmem:v11+s17+$0x0], $0xffff  }
0x29e: {  	s7 =	sand.u32 $0xF800, s25;
	v12 =	vld [tilespmem:s12+$0x30];
	v9 =	vunpack.i.u.bf16.f32 v9;
	[tilespmem:s14+$0x10] =	vst v8  }
0x29f: {  	v6 =	vunpack.i.u.bf16.f32 v6;
	s28 =	sadd.s32 $0x10F00, s7;
	[tilespmem:s14+$0x410] =	vst v9;
	v8 =	vld.idx.msk [tilespmem:v14+s17+$0x0], $0xffff  }
0x2a0: {  	[tilespmem:s31+$0x450] =	vst v6;
	s7 =	sadd.s32 s24, s28;
	v6 =	vld [tilespmem:s13+$0x20];
	v9 =	vunpack.i.l.bf16.f32 v10  }
0x2a1: {  	v10 =	vunpack.i.u.bf16.f32 v10;
	[tilespmem:s7+$0x0] =	vst v9;
	v5 =	vld.idx.msk [tilespmem:v5+s17+$0x0], $0xffff  }
0x2a2: {  	v7 =	vld.idx.msk [tilespmem:v7+s17+$0x0], $0xffff;
	[tilespmem:s7+$0x400] =	vst v10;
	v9 =	vunpack.i.l.bf16.f32 v11  }
0x2a3: {  	v13 =	vld [tilespmem:s9+$0x10];
	v11 =	vunpack.i.u.bf16.f32 v11;
	[tilespmem:s11+$0x20] =	vst v9  }
0x2a4: {  	v2 =	vld.idx.msk [tilespmem:v2+s17+$0x0], $0xffff;
	[tilespmem:s11+$0x420] =	vst v11;
	v9 =	vunpack.i.l.bf16.f32 v8  }
0x2a5: {  	v10 =	vld [tilespmem:s2+$0x60];
	v8 =	vunpack.i.u.bf16.f32 v8;
	[tilespmem:s10+$0x40] =	vst v9  }
0x2a6: {  	v4 =	vld.idx.msk [tilespmem:v4+s17+$0x0], $0xffff;
	[tilespmem:s10+$0x440] =	vst v8;
	v8 =	vunpack.i.l.bf16.f32 v5  }
0x2a7: {  	v11 =	vld [tilespmem:s18+$0x30];
	v5 =	vunpack.i.u.bf16.f32 v5;
	[tilespmem:s21+$0x60] =	vst v8  }
0x2a8: {  	v9 =	vld.idx.msk [tilespmem:v12+s17+$0x0], $0xffff;
	v8 =	vunpack.i.u.bf16.f32 v3;
	[tilespmem:s21+$0x460] =	vst v5  }
0x2a9: {  	s8 =	sadd.s32 s19, s28;
	v6 =	vld.idx.msk [tilespmem:v6+s17+$0x0], $0xffff;
	v5 =	vunpack.i.l.bf16.f32 v2;
	[tilespmem:s6+$0x470] =	vst v8  }
0x2aa: {  	v12 =	vld [tilespmem:s22+$0x50];
	v2 =	vunpack.i.u.bf16.f32 v2;
	[tilespmem:s8+$0x0] =	vst v5  }
0x2ab: {  	[tilespmem:s8+$0x400] =	vst v2;
	v2 =	vld.idx.msk [tilespmem:v13+s17+$0x0], $0xffff;
	v13 =	vunpack.i.l.bf16.f32 v7  }
0x2ac: {  	v8 =	vld [tilespmem:s15+$0x70];
	v7 =	vunpack.i.u.bf16.f32 v7;
	[tilespmem:s29+$0x40] =	vst v13  }
0x2ad: {  	v5 =	vld.idx.msk [tilespmem:v10+s17+$0x0], $0xffff;
	[tilespmem:s29+$0x440] =	vst v7;
	v10 =	vunpack.i.l.bf16.f32 v9  }
0x2ae: {  	v9 =	vunpack.i.u.bf16.f32 v9;
	[tilespmem:s0+$0x30] =	vst v10;
	v10 =	vld [tilespmem:s1+$0x10]  }
0x2af: {  	s15 =	simm.s32 $0x3A00;
	v7 =	vunpack.i.l.bf16.f32 v6;
	[tilespmem:s0+$0x430] =	vst v9;
	v9 =	vld.idx.msk [tilespmem:v11+s17+$0x0], $0xffff  }
0x2b0: {  	s16 =	sand.u32 $0x7C00, s15;
	s19 =	sand.u32 $0x300, s15;
	[tilespmem:s14+$0x20] =	vst v7;
	v7 =	vld [tilespmem:s30+$0x50]  }
0x2b1: {  	v6 =	vunpack.i.u.bf16.f32 v6;
	s25 =	sadd.s32 s16, s26;
	s16 =	sor.u32 $0x80, s19;
	v11 =	vld [tilespmem:s12+$0x40]  }
0x2b2: {  	[tilespmem:s14+$0x420] =	vst v6;
	s15 =	sadd.s32 s16, s25;
	v6 =	vunpack.i.l.bf16.f32 v2;
	v12 =	vld.idx.msk [tilespmem:v12+s17+$0x0], $0xffff  }
0x2b3: {  	s23 =	sadd.s32 s19, s25;
	v13 =	vld [tilespmem:s15+$0x0];
	v2 =	vunpack.i.u.bf16.f32 v2;
	[tilespmem:s7+$0x10] =	vst v6  }
0x2b4: {  	v6 =	vld [tilespmem:s23+$0x0];
	[tilespmem:s7+$0x410] =	vst v2  }
0x2b5: {  	v14 =	vld [tilespmem:s9+$0x20];
	v2 =	vunpack.i.l.bf16.f32 v9  }
0x2b6: {  	v8 =	vld.idx.msk [tilespmem:v8+s17+$0x0], $0xffff;
	v9 =	vunpack.i.u.bf16.f32 v9;
	[tilespmem:s11+$0x30] =	vst v2  }
0x2b7: {  	[tilespmem:s11+$0x430] =	vst v9;
	v2 =	vld.idx.msk [tilespmem:v10+s17+$0x0], $0xffff;
	v9 =	vunpack.i.l.bf16.f32 v12  }
0x2b8: {  	v10 =	vld [tilespmem:s18+$0x40];
	v12 =	vunpack.i.u.bf16.f32 v12;
	[tilespmem:s10+$0x50] =	vst v9  }
0x2b9: {  	v3 =	vunpack.i.l.bf16.f32 v3;
	v9 =	vld [tilespmem:s13+$0x30];
	[tilespmem:s10+$0x450] =	vst v12  }
0x2ba: {  	[tilespmem:s6+$0x70] =	vst v3;
	v3 =	vunpack.i.l.bf16.f32 v4;
	v12 =	vld [tilespmem:s22+$0x60]  }
0x2bb: {  	v4 =	vunpack.i.u.bf16.f32 v4;
	[tilespmem:s3+$0x50] =	vst v3;
	v3 =	vld.idx.msk [tilespmem:v11+s17+$0x0], $0xffff  }
0x2bc: {  	[tilespmem:s3+$0x450] =	vst v4;
	v11 =	vld.idx.msk [tilespmem:v13+s17+$0x0], $0xffff;
	v4 =	vunpack.i.u.bf16.f32 v8  }
0x2bd: {  	v13 =	vunpack.i.l.bf16.f32 v5;
	[tilespmem:s21+$0x470] =	vst v4;
	v4 =	vld.idx.msk [tilespmem:v6+s17+$0x0], $0xffff  }
0x2be: {  	s28 =	simm.s32 $0x7400;
	[tilespmem:s31+$0x60] =	vst v13;
	v13 =	vld.idx.msk [tilespmem:v14+s17+$0x0], $0xffff;
	v6 =	vunpack.i.l.bf16.f32 v2  }
0x2bf: {  	s4 =	sand.u32 $0xF800, s28;
	v2 =	vunpack.i.u.bf16.f32 v2;
	[tilespmem:s8+$0x10] =	vst v6;
	v6 =	vld.idx.msk [tilespmem:v7+s17+$0x0], $0xffff  }
0x2c0: {  	s4 =	sadd.s32 $0x10F00, s4;
	v5 =	vunpack.i.u.bf16.f32 v5;
	[tilespmem:s8+$0x410] =	vst v2;
	v2 =	vld.idx.msk [tilespmem:v10+s17+$0x0], $0xffff  }
0x2c1: {  	s24 =	sadd.s32 s16, s4;
	[tilespmem:s31+$0x460] =	vst v5;
	v7 =	vunpack.i.l.bf16.f32 v11;
	v5 =	vld [tilespmem:s1+$0x20]  }
0x2c2: {  	v11 =	vunpack.i.u.bf16.f32 v11;
	[tilespmem:s24+$0x0] =	vst v7;
	v10 =	vld.idx.msk [tilespmem:v12+s17+$0x0], $0xffff  }
0x2c3: {  	[tilespmem:s24+$0x400] =	vst v11;
	v11 =	vld [tilespmem:s20+$0x60];
	v7 =	vunpack.i.l.bf16.f32 v13  }
0x2c4: {  	v13 =	vunpack.i.u.bf16.f32 v13;
	v12 =	vld [tilespmem:s15+$0x10];
	[tilespmem:s7+$0x20] =	vst v7  }
0x2c5: {  	v7 =	vld.idx.msk [tilespmem:v9+s17+$0x0], $0xffff;
	[tilespmem:s7+$0x420] =	vst v13;
	v9 =	vunpack.i.l.bf16.f32 v2  }
0x2c6: {  	v13 =	vld [tilespmem:s9+$0x30];
	v2 =	vunpack.i.u.bf16.f32 v2;
	[tilespmem:s11+$0x40] =	vst v9  }
0x2c7: {  	v9 =	vld [tilespmem:s2+$0x70];
	[tilespmem:s11+$0x440] =	vst v2;
	v2 =	vunpack.i.l.bf16.f32 v10  }
0x2c8: {  	v14 =	vld [tilespmem:s18+$0x50];
	v10 =	vunpack.i.u.bf16.f32 v10;
	[tilespmem:s10+$0x60] =	vst v2  }
0x2c9: {  	v5 =	vld.idx.msk [tilespmem:v5+s17+$0x0], $0xffff;
	v2 =	vunpack.i.l.bf16.f32 v8;
	[tilespmem:s10+$0x460] =	vst v10  }
0x2ca: {  	s2 =	sadd.s32 s19, s4;
	[tilespmem:s21+$0x70] =	vst v2;
	v2 =	vunpack.i.l.bf16.f32 v4;
	v8 =	vld [tilespmem:s22+$0x70]  }
0x2cb: {  	v4 =	vunpack.i.u.bf16.f32 v4;
	[tilespmem:s2+$0x0] =	vst v2;
	v2 =	vld.idx.msk [tilespmem:v11+s17+$0x0], $0xffff  }
0x2cc: {  	s6 =	simm.s32 $0x3B00;
	v10 =	vunpack.i.l.bf16.f32 v7;
	[tilespmem:s2+$0x400] =	vst v4;
	v4 =	vld.idx.msk [tilespmem:v12+s17+$0x0], $0xffff  }
0x2cd: {  	s16 =	sand.u32 $0x7C00, s6;
	s19 =	sand.u32 $0x300, s6;
	v7 =	vunpack.i.u.bf16.f32 v7;
	[tilespmem:s14+$0x30] =	vst v10;
	v10 =	vld [tilespmem:s23+$0x10]  }
0x2ce: {  	s25 =	sor.u32 $0x80, s19;
	[tilespmem:s14+$0x430] =	vst v7;
	s21 =	sadd.s32 s16, s26;
	v11 =	vunpack.i.l.bf16.f32 v3;
	v7 =	vld.idx.msk [tilespmem:v13+s17+$0x0], $0xffff  }
0x2cf: {  	v3 =	vunpack.i.u.bf16.f32 v3;
	s22 =	sadd.s32 s25, s21;
	[tilespmem:s0+$0x40] =	vst v11;
	v11 =	vld [tilespmem:s13+$0x40]  }
0x2d0: {  	[tilespmem:s0+$0x440] =	vst v3;
	v13 =	vld [tilespmem:s22+$0x0];
	v3 =	vunpack.i.l.bf16.f32 v5  }
0x2d1: {  	v5 =	vunpack.i.u.bf16.f32 v5;
	[tilespmem:s8+$0x20] =	vst v3;
	v12 =	vld.idx.msk [tilespmem:v14+s17+$0x0], $0xffff  }
0x2d2: {  	v3 =	vld [tilespmem:s12+$0x50];
	[tilespmem:s8+$0x420] =	vst v5;
	v5 =	vunpack.i.l.bf16.f32 v4  }
0x2d3: {  	s21 =	sadd.s32 s19, s21;
	v15 =	vld [tilespmem:s1+$0x30];
	v4 =	vunpack.i.u.bf16.f32 v4;
	[tilespmem:s24+$0x10] =	vst v5  }
0x2d4: {  	v5 =	vld [tilespmem:s21+$0x0];
	[tilespmem:s24+$0x410] =	vst v4;
	v4 =	vunpack.i.l.bf16.f32 v7  }
0x2d5: {  	v7 =	vunpack.i.u.bf16.f32 v7;
	v8 =	vld.idx.msk [tilespmem:v8+s17+$0x0], $0xffff;
	[tilespmem:s7+$0x30] =	vst v4  }
0x2d6: {  	v14 =	vld [tilespmem:s15+$0x20];
	[tilespmem:s7+$0x430] =	vst v7;
	v7 =	vunpack.i.l.bf16.f32 v12  }
0x2d7: {  	v4 =	vld.idx.msk [tilespmem:v10+s17+$0x0], $0xffff;
	v12 =	vunpack.i.u.bf16.f32 v12;
	[tilespmem:s11+$0x50] =	vst v7  }
0x2d8: {  	v10 =	vld [tilespmem:s9+$0x40];
	v7 =	vunpack.i.l.bf16.f32 v6;
	[tilespmem:s11+$0x450] =	vst v12  }
0x2d9: {  	v16 =	vld.idx.msk [tilespmem:v9+s17+$0x0], $0xffff;
	v6 =	vunpack.i.u.bf16.f32 v6;
	[tilespmem:s29+$0x50] =	vst v7  }
0x2da: {  	v12 =	vunpack.i.l.bf16.f32 v2;
	v7 =	vld [tilespmem:s18+$0x60];
	[tilespmem:s29+$0x450] =	vst v6  }
0x2db: {  	v11 =	vld.idx.msk [tilespmem:v11+s17+$0x0], $0xffff;
	v6 =	vunpack.i.u.bf16.f32 v8;
	[tilespmem:s3+$0x60] =	vst v12  }
0x2dc: {  	v2 =	vunpack.i.u.bf16.f32 v2;
	[tilespmem:s10+$0x470] =	vst v6;
	v6 =	vld.idx.msk [tilespmem:v13+s17+$0x0], $0xffff  }
0x2dd: {  	v8 =	vunpack.i.l.bf16.f32 v8;
	[tilespmem:s3+$0x460] =	vst v2;
	v13 =	vld.idx.msk [tilespmem:v3+s17+$0x0], $0xffff  }
0x2de: {  	[tilespmem:s10+$0x70] =	vst v8;
	s10 =	simm.s32 $0x7600;
	v2 =	vunpack.i.l.bf16.f32 v4;
	v12 =	vld.idx.msk [tilespmem:v14+s17+$0x0], $0xffff  }
0x2df: {  	v5 =	vld.idx.msk [tilespmem:v5+s17+$0x0], $0xffff;
	v3 =	vunpack.i.u.bf16.f32 v4;
	s28 =	sand.u32 $0xF800, s10;
	[tilespmem:s2+$0x10] =	vst v2  }
0x2e0: {  	v4 =	vunpack.i.l.bf16.f32 v11;
	[tilespmem:s2+$0x410] =	vst v3;
	s4 =	sadd.s32 $0x10F00, s28;
	v3 =	vld.idx.msk [tilespmem:v10+s17+$0x0], $0xffff  }
0x2e1: {  	[tilespmem:s14+$0x40] =	vst v4;
	s6 =	sadd.s32 s25, s4;
	v10 =	vld [tilespmem:s23+$0x20];
	v8 =	vunpack.i.l.bf16.f32 v6  }
0x2e2: {  	v6 =	vunpack.i.u.bf16.f32 v6;
	[tilespmem:s6+$0x0] =	vst v8;
	v4 =	vld.idx.msk [tilespmem:v7+s17+$0x0], $0xffff  }
0x2e3: {  	[tilespmem:s6+$0x400] =	vst v6;
	v6 =	vunpack.i.l.bf16.f32 v12;
	v7 =	vld [tilespmem:s30+$0x60]  }
0x2e4: {  	v14 =	vld [tilespmem:s22+$0x10];
	v8 =	vunpack.i.u.bf16.f32 v12;
	[tilespmem:s24+$0x20] =	vst v6  }
0x2e5: {  	v2 =	vld [tilespmem:s20+$0x70];
	[tilespmem:s24+$0x420] =	vst v8;
	v8 =	vunpack.i.l.bf16.f32 v3  }
0x2e6: {  	v6 =	vld.idx.msk [tilespmem:v15+s17+$0x0], $0xffff;
	v3 =	vunpack.i.u.bf16.f32 v3;
	[tilespmem:s7+$0x40] =	vst v8  }
0x2e7: {  	v15 =	vld [tilespmem:s15+$0x30];
	[tilespmem:s7+$0x440] =	vst v3;
	v3 =	vunpack.i.l.bf16.f32 v4  }
0x2e8: {  	v8 =	vld [tilespmem:s9+$0x50];
	v4 =	vunpack.i.u.bf16.f32 v4;
	[tilespmem:s11+$0x60] =	vst v3  }
0x2e9: {  	s20 =	sadd.s32 s19, s4;
	v17 =	vld.idx.msk [tilespmem:v10+s17+$0x0], $0xffff;
	v3 =	vunpack.i.l.bf16.f32 v5;
	[tilespmem:s11+$0x460] =	vst v4  }
0x2ea: {  	v4 =	vunpack.i.u.bf16.f32 v5;
	[tilespmem:s20+$0x0] =	vst v3;
	v9 =	vld [tilespmem:s18+$0x70]  }
0x2eb: {  	v5 =	vunpack.i.l.bf16.f32 v6;
	[tilespmem:s20+$0x400] =	vst v4;
	v3 =	vld.idx.msk [tilespmem:v7+s17+$0x0], $0xffff  }
0x2ec: {  	v4 =	vunpack.i.u.bf16.f32 v6;
	[tilespmem:s8+$0x30] =	vst v5;
	v12 =	vld.idx.msk [tilespmem:v14+s17+$0x0], $0xffff  }
0x2ed: {  	v6 =	vunpack.i.u.bf16.f32 v11;
	v11 =	vld [tilespmem:s21+$0x10];
	[tilespmem:s8+$0x430] =	vst v4  }
0x2ee: {  	v18 =	vunpack.i.l.bf16.f32 v13;
	v5 =	vunpack.i.u.bf16.f32 v16;
	v4 =	vunpack.i.u.bf16.f32 v13;
	[tilespmem:s14+$0x440] =	vst v6;
	v6 =	vld [tilespmem:s1+$0x40]  }
0x2ef: {  	s19 =	simm.s32 $0x3C00;
	[tilespmem:s0+$0x50] =	vst v18;
	s18 =	simm.s32 $0x76;
	v7 =	vunpack.i.l.bf16.f32 v16;
	v10 =	vld.idx.msk [tilespmem:v15+s17+$0x0], $0xffff;
	v13 =	vunpack.i.u.bf16.f32 v17;
	v14 =	vunpack.i.l.bf16.f32 v17  }
.LBB2_14:
0x2f0: {  	s4 =	sand.u32 $0x7C00, s19;
	s25 =	sand.u32 $0x300, s19;
	[tilespmem:s2+$0x20] =	vst v14;
	v8 =	vld.idx.msk [tilespmem:v8+s17+$0x0], $0xffff  }
0x2f1: {  	v14 =	vunpack.i.u.bf16.f32 v3;
	v3 =	vunpack.i.l.bf16.f32 v3;
	s4 =	sadd.s32 s4, s26;
	s28 =	sor.u32 $0x80, s25;
	[tilespmem:s2+$0x420] =	vst v13;
	v13 =	vld [tilespmem:s13+$0x50]  }
0x2f2: {  	v15 =	vunpack.i.l.bf16.f32 v12;
	s5 =	sadd.s32 s25, s4;
	s16 =	sadd.s32 s28, s4;
	v9 =	vld.idx.msk [tilespmem:v9+s17+$0x0], $0xffff;
	[tilespmem:s0+$0x450] =	vst v4  }
0x2f3: {  	v12 =	vunpack.i.u.bf16.f32 v12;
	v4 =	vld [tilespmem:s16+$0x0];
	[tilespmem:s6+$0x10] =	vst v15  }
0x2f4: {  	v15 =	vld [tilespmem:s5+$0x0];
	[tilespmem:s6+$0x410] =	vst v12;
	v12 =	vunpack.i.l.bf16.f32 v10  }
0x2f5: {  	v10 =	vunpack.i.u.bf16.f32 v10;
	v16 =	vld [tilespmem:s22+$0x20];
	[tilespmem:s24+$0x30] =	vst v12  }
0x2f6: {  	v11 =	vld.idx.msk [tilespmem:v11+s17+$0x0], $0xffff;
	[tilespmem:s24+$0x430] =	vst v10;
	v10 =	vunpack.i.l.bf16.f32 v8  }
0x2f7: {  	s18 =	sadd.s32 $0x2, s18;
	v8 =	vunpack.i.u.bf16.f32 v8;
	v12 =	vld [tilespmem:s15+$0x40];
	[tilespmem:s7+$0x50] =	vst v10  }
0x2f8: {  	p0 =	slt.u32 s18, $0xC6;
	v10 =	vld [tilespmem:s23+$0x30];
	[tilespmem:s7+$0x450] =	vst v8;
	v8 =	vunpack.i.u.bf16.f32 v9;
	v9 =	vunpack.i.l.bf16.f32 v9  }
0x2f9: {  	v17 =	vld [tilespmem:s9+$0x60];
	[tilespmem:s11+$0x470] =	vst v8  }
0x2fa: {  	v6 =	vld.idx.msk [tilespmem:v6+s17+$0x0], $0xffff;
	[tilespmem:s29+$0x60] =	vst v3  }
0x2fb: {  	v3 =	vld.idx.msk [tilespmem:v4+s17+$0x0], $0xffff;
	[tilespmem:s29+$0x460] =	vst v14  }
0x2fc: {  	v8 =	vunpack.i.u.bf16.f32 v11;
	v11 =	vunpack.i.l.bf16.f32 v11;
	v4 =	vld.idx.msk [tilespmem:v15+s17+$0x0], $0xffff;
	[tilespmem:s31+$0x70] =	vst v7  }
0x2fd: {  	[tilespmem:s20+$0x10] =	vst v11;
	v7 =	vld.idx.msk [tilespmem:v16+s17+$0x0], $0xffff  }
0x2fe: {  	s10 =	sadd.s32 $0x200, s10;
	[tilespmem:s20+$0x410] =	vst v8;
	v8 =	vld.idx.msk [tilespmem:v13+s17+$0x0], $0xffff  }
0x2ff: {  	s4 =	sand.u32 $0xF800, s10;
	v11 =	vld.idx.msk [tilespmem:v12+s17+$0x0], $0xffff;
	[tilespmem:s31+$0x470] =	vst v5;
	s31 =	smov.u32 s3;
	s3 =	smov.u32 s29  }
0x300: {  	s4 =	sadd.s32 $0x10F00, s4;
	v13 =	vunpack.i.u.bf16.f32 v6;
	v6 =	vunpack.i.l.bf16.f32 v6;
	s29 =	smov.u32 s0;
	s0 =	smov.u32 s14;
	v5 =	vld [tilespmem:s21+$0x20];
	[tilespmem:s11+$0x70] =	vst v9  }
0x301: {  	s14 =	smov.u32 s8;
	s11 =	sadd.s32 s25, s4;
	v9 =	vunpack.i.l.bf16.f32 v3;
	s4 =	sadd.s32 s28, s4;
	[tilespmem:s8+$0x40] =	vst v6;
	v6 =	vld.idx.msk [tilespmem:v17+s17+$0x0], $0xffff  }
0x302: {  	v3 =	vunpack.i.u.bf16.f32 v3;
	v12 =	vunpack.i.u.bf16.f32 v4;
	v14 =	vunpack.i.l.bf16.f32 v4;
	s8 =	smov.u32 s2;
	s2 =	smov.u32 s20;
	s20 =	smov.u32 s11;
	[tilespmem:s4+$0x0] =	vst v9;
	v9 =	vld.idx.msk [tilespmem:v10+s17+$0x0], $0xffff  }
0x303: {  	s11 =	smov.u32 s7;
	s7 =	smov.u32 s24;
	s24 =	smov.u32 s6;
	[tilespmem:s4+$0x400] =	vst v3;
	v3 =	vunpack.i.l.bf16.f32 v7;
	v10 =	vld [tilespmem:s12+$0x60]  }
0x304: {  	s6 =	smov.u32 s4;
	v7 =	vunpack.i.u.bf16.f32 v7;
	v4 =	vunpack.i.u.bf16.f32 v8;
	v16 =	vunpack.i.l.bf16.f32 v8;
	v15 =	vld [tilespmem:s16+$0x10];
	[tilespmem:s24+$0x20] =	vst v3  }
0x305: {  	v3 =	vunpack.i.l.bf16.f32 v11;
	[tilespmem:s24+$0x420] =	vst v7;
	v7 =	vld [tilespmem:s30+$0x70];
	s30 =	smov.u32 s12;
	s12 =	smov.u32 s13;
	s13 =	smov.u32 s1  }
0x306: {  	v8 =	vunpack.i.u.bf16.f32 v11;
	s1 =	smov.u32 s23;
	s23 =	smov.u32 s21;
	s21 =	smov.u32 s5;
	v17 =	vld [tilespmem:s22+$0x30];
	[tilespmem:s7+$0x40] =	vst v3  }
0x307: {  	v3 =	vunpack.i.l.bf16.f32 v6;
	[tilespmem:s7+$0x440] =	vst v8;
	v18 =	vld.idx.msk [tilespmem:v2+s17+$0x0], $0xffff  }
0x308: {  	v20 =	vunpack.i.u.bf16.f32 v6;
	v19 =	vunpack.i.u.bf16.f32 v9;
	v11 =	vunpack.i.l.bf16.f32 v9;
	v8 =	vld [tilespmem:s15+$0x50];
	[tilespmem:s11+$0x60] =	vst v3  }
0x309: {  	v6 =	vld.idx.msk [tilespmem:v5+s17+$0x0], $0xffff;
	[tilespmem:s11+$0x460] =	vst v20  }
0x30a: {  	[tilespmem:s20+$0x0] =	vst v14;
	v9 =	vld [tilespmem:s9+$0x70];
	v2 =	vmov v7;
	s9 =	smov.u32 s15;
	s15 =	smov.u32 s22;
	s22 =	smov.u32 s16  }
.Ltmp6:
0x30b: {  	[tilespmem:s20+$0x400] =	vst v12;
	v3 =	vld.idx.msk [tilespmem:v10+s17+$0x0], $0xffff;
	(pc) =	sbr.rel @p0 .LBB2_14-.Ltmp6, $4  }
0x30c: {  	v12 =	vld.idx.msk [tilespmem:v15+s17+$0x0], $0xffff;
	[tilespmem:s8+$0x30] =	vst v11  }
0x30d: {  	v5 =	vunpack.i.u.bf16.f32 v18;
	v7 =	vunpack.i.l.bf16.f32 v18;
	v11 =	vld [tilespmem:s21+$0x10];
	[tilespmem:s8+$0x430] =	vst v19  }
0x30e: {  	v10 =	vld.idx.msk [tilespmem:v17+s17+$0x0], $0xffff;
	[tilespmem:s14+$0x440] =	vst v13  }
0x30f: {  	s19 =	sadd.s32 $0x100, s19;
	v13 =	vunpack.i.u.bf16.f32 v6;
	v14 =	vunpack.i.l.bf16.f32 v6;
	v6 =	vld [tilespmem:s1+$0x40];
	[tilespmem:s0+$0x50] =	vst v16  }
0x310: {  	_ =	sdelay $0x4  }
0x311: {  	v15 =	vunpack.i.l.bf16.f32 v12  }
0x312: {  	v44 =	vunpack.i.u.bf16.f32 v12;
	[tilespmem:s6+$0x10] =	vst v15;
	v11 =	vld.idx.msk [tilespmem:v11+s17+$0x0], $0xffff  }
0x313: {  	[tilespmem:s6+$0x410] =	vst v44  }
0x314: {  	v12 =	vld [tilespmem:s22+$0x20];
	_ =	sdelay $0x2  }
0x315: {  	v45 =	vunpack.i.l.bf16.f32 v11  }
0x316: {  	v11 =	vunpack.i.u.bf16.f32 v11;
	[tilespmem:s20+$0x10] =	vst v45  }
0x317: {  	[tilespmem:s20+$0x410] =	vst v11  }
0x318: {  	v11 =	vld [tilespmem:s21+$0x20];
	_ =	sdelay $0x1  }
0x319: {  	v12 =	vld.idx.msk [tilespmem:v12+s17+$0x0], $0xffff;
	_ =	sdelay $0x4  }
0x31a: {  	v46 =	vunpack.i.l.bf16.f32 v12  }
0x31b: {  	v12 =	vunpack.i.u.bf16.f32 v12;
	[tilespmem:s6+$0x20] =	vst v46;
	v11 =	vld.idx.msk [tilespmem:v11+s17+$0x0], $0xffff  }
0x31c: {  	[tilespmem:s6+$0x420] =	vst v12  }
0x31d: {  	[tilespmem:s2+$0x20] =	vst v14;
	v12 =	vld [tilespmem:s22+$0x30]  }
0x31e: {  	[tilespmem:s2+$0x420] =	vst v13  }
0x31f: {  	v14 =	vld [tilespmem:s23+$0x30]  }
0x320: {  	v47 =	vunpack.i.l.bf16.f32 v11  }
0x321: {  	v11 =	vunpack.i.u.bf16.f32 v11;
	[tilespmem:s20+$0x20] =	vst v47  }
0x322: {  	[tilespmem:s20+$0x420] =	vst v11  }
0x323: {  	v48 =	vunpack.i.l.bf16.f32 v10;
	v11 =	vld [tilespmem:s21+$0x30]  }
0x324: {  	v49 =	vunpack.i.u.bf16.f32 v10;
	[tilespmem:s24+$0x30] =	vst v48  }
0x325: {  	[tilespmem:s24+$0x430] =	vst v49;
	v12 =	vld.idx.msk [tilespmem:v12+s17+$0x0], $0xffff  }
0x326: {  	v10 =	vld [tilespmem:s15+$0x40]  }
0x327: {  	v50 =	vld.idx.msk [tilespmem:v14+s17+$0x0], $0xffff;
	_ =	sdelay $0x1  }
0x328: {  	v8 =	vld.idx.msk [tilespmem:v8+s17+$0x0], $0xffff  }
0x329: {  	[tilespmem:s31+$0x70] =	vst v7;
	v51 =	vunpack.i.l.bf16.f32 v12  }
0x32a: {  	v12 =	vunpack.i.u.bf16.f32 v12;
	[tilespmem:s6+$0x30] =	vst v51;
	v11 =	vld.idx.msk [tilespmem:v11+s17+$0x0], $0xffff  }
0x32b: {  	v52 =	vunpack.i.l.bf16.f32 v50;
	[tilespmem:s6+$0x430] =	vst v12  }
0x32c: {  	v54 =	vunpack.i.u.bf16.f32 v50;
	[tilespmem:s2+$0x30] =	vst v52;
	v12 =	vld [tilespmem:s22+$0x40]  }
0x32d: {  	v58 =	vunpack.i.l.bf16.f32 v8;
	v55 =	vld.idx.msk [tilespmem:v10+s17+$0x0], $0xffff;
	[tilespmem:s2+$0x430] =	vst v54  }
0x32e: {  	v8 =	vunpack.i.u.bf16.f32 v8;
	[tilespmem:s7+$0x50] =	vst v58;
	v57 =	vld [tilespmem:s23+$0x40]  }
0x32f: {  	v2 =	vld.idx.msk [tilespmem:v2+s17+$0x0], $0xffff;
	[tilespmem:s7+$0x450] =	vst v8;
	v56 =	vunpack.i.l.bf16.f32 v11  }
0x330: {  	v63 =	vld [tilespmem:s9+$0x60];
	v11 =	vunpack.i.u.bf16.f32 v11;
	[tilespmem:s20+$0x30] =	vst v56  }
0x331: {  	v6 =	vld.idx.msk [tilespmem:v6+s17+$0x0], $0xffff;
	[tilespmem:s20+$0x430] =	vst v11  }
0x332: {  	[tilespmem:s31+$0x470] =	vst v5;
	v62 =	vunpack.i.l.bf16.f32 v55;
	v59 =	vld [tilespmem:s21+$0x40]  }
0x333: {  	v53 =	vld.idx.msk [tilespmem:v9+s17+$0x0], $0xffff;
	v5 =	vunpack.i.u.bf16.f32 v55;
	[tilespmem:s24+$0x40] =	vst v62  }
0x334: {  	[tilespmem:s24+$0x440] =	vst v5;
	v61 =	vld.idx.msk [tilespmem:v12+s17+$0x0], $0xffff  }
0x335: {  	[tilespmem:s0+$0x450] =	vst v4;
	v13 =	vunpack.i.l.bf16.f32 v2;
	v2 =	vunpack.i.u.bf16.f32 v2;
	v5 =	vld [tilespmem:s15+$0x50]  }
0x336: {  	[tilespmem:s3+$0x470] =	vst v2;
	v2 =	vunpack.i.l.bf16.f32 v6;
	v14 =	vld.idx.msk [tilespmem:v57+s17+$0x0], $0xffff  }
0x337: {  	v16 =	vld [tilespmem:s13+$0x50];
	v6 =	vunpack.i.u.bf16.f32 v6;
	[tilespmem:s8+$0x40] =	vst v2  }
0x338: {  	v7 =	vunpack.i.l.bf16.f32 v53;
	[tilespmem:s8+$0x440] =	vst v6;
	v2 =	vld.idx.msk [tilespmem:v63+s17+$0x0], $0xffff  }
0x339: {  	[tilespmem:s11+$0x70] =	vst v7;
	v20 =	vld [tilespmem:s1+$0x50];
	v15 =	vunpack.i.l.bf16.f32 v61  }
0x33a: {  	v11 =	vunpack.i.u.bf16.f32 v61;
	[tilespmem:s6+$0x40] =	vst v15;
	v17 =	vld.idx.msk [tilespmem:v59+s17+$0x0], $0xffff  }
0x33b: {  	v25 =	vld [tilespmem:s12+$0x60];
	v19 =	vunpack.i.l.bf16.f32 v14;
	[tilespmem:s6+$0x440] =	vst v11  }
0x33c: {  	v8 =	vunpack.i.u.bf16.f32 v14;
	[tilespmem:s2+$0x40] =	vst v19;
	v18 =	vld [tilespmem:s22+$0x50]  }
0x33d: {  	v23 =	vunpack.i.l.bf16.f32 v2;
	v5 =	vld.idx.msk [tilespmem:v5+s17+$0x0], $0xffff;
	[tilespmem:s2+$0x440] =	vst v8  }
0x33e: {  	v2 =	vunpack.i.u.bf16.f32 v2;
	[tilespmem:s7+$0x60] =	vst v23;
	v8 =	vld [tilespmem:s23+$0x50]  }
0x33f: {  	v22 =	vld.idx.msk [tilespmem:v16+s17+$0x0], $0xffff;
	[tilespmem:s7+$0x460] =	vst v2;
	v21 =	vunpack.i.l.bf16.f32 v17  }
0x340: {  	v26 =	vld [tilespmem:s9+$0x70];
	v7 =	vunpack.i.u.bf16.f32 v17;
	[tilespmem:s20+$0x40] =	vst v21  }
0x341: {  	v30 =	vunpack.i.l.bf16.f32 v3;
	v27 =	vld.idx.msk [tilespmem:v20+s17+$0x0], $0xffff;
	[tilespmem:s20+$0x440] =	vst v7  }
0x342: {  	[tilespmem:s29+$0x60] =	vst v30;
	v2 =	vunpack.i.l.bf16.f32 v5;
	v7 =	vld [tilespmem:s21+$0x50]  }
0x343: {  	v5 =	vunpack.i.u.bf16.f32 v5;
	[tilespmem:s24+$0x50] =	vst v2  }
0x344: {  	v2 =	vunpack.i.l.bf16.f32 v22;
	[tilespmem:s24+$0x450] =	vst v5;
	v24 =	vld.idx.msk [tilespmem:v18+s17+$0x0], $0xffff  }
0x345: {  	v3 =	vunpack.i.u.bf16.f32 v3;
	[tilespmem:s14+$0x50] =	vst v2;
	v2 =	vld [tilespmem:s15+$0x60]  }
0x346: {  	[tilespmem:s29+$0x460] =	vst v3;
	v6 =	vunpack.i.u.bf16.f32 v22;
	v8 =	vld.idx.msk [tilespmem:v8+s17+$0x0], $0xffff  }
0x347: {  	v9 =	vld.idx.msk [tilespmem:v25+s17+$0x0], $0xffff;
	[tilespmem:s14+$0x450] =	vst v6;
	v32 =	vunpack.i.l.bf16.f32 v27  }
0x348: {  	[tilespmem:s8+$0x50] =	vst v32;
	v34 =	vld.idx.msk [tilespmem:v26+s17+$0x0], $0xffff;
	v5 =	vunpack.i.u.bf16.f32 v27  }
0x349: {  	[tilespmem:s8+$0x450] =	vst v5;
	v29 =	vld [tilespmem:s13+$0x60];
	v28 =	vunpack.i.l.bf16.f32 v24  }
0x34a: {  	v4 =	vunpack.i.u.bf16.f32 v24;
	[tilespmem:s6+$0x50] =	vst v28;
	v31 =	vld.idx.msk [tilespmem:v7+s17+$0x0], $0xffff  }
0x34b: {  	v36 =	vld [tilespmem:s1+$0x60];
	v35 =	vunpack.i.l.bf16.f32 v8;
	[tilespmem:s6+$0x450] =	vst v4  }
0x34c: {  	v8 =	vunpack.i.u.bf16.f32 v8;
	[tilespmem:s2+$0x50] =	vst v35;
	v33 =	vld [tilespmem:s22+$0x60]  }
0x34d: {  	v39 =	vunpack.i.l.bf16.f32 v9;
	v2 =	vld.idx.msk [tilespmem:v2+s17+$0x0], $0xffff;
	[tilespmem:s2+$0x450] =	vst v8  }
0x34e: {  	v42 =	vunpack.i.u.bf16.f32 v9;
	[tilespmem:s0+$0x60] =	vst v39;
	v8 =	vld [tilespmem:s23+$0x60]  }
0x34f: {  	v41 =	vld [tilespmem:s30+$0x70];
	[tilespmem:s0+$0x460] =	vst v42;
	v37 =	vunpack.i.l.bf16.f32 v31  }
0x350: {  	v46 =	vld [tilespmem:s12+$0x70];
	v4 =	vunpack.i.u.bf16.f32 v31;
	[tilespmem:s20+$0x50] =	vst v37  }
0x351: {  	v3 =	vunpack.i.u.bf16.f32 v34;
	v38 =	vld.idx.msk [tilespmem:v29+s17+$0x0], $0xffff;
	[tilespmem:s20+$0x450] =	vst v4  }
0x352: {  	[tilespmem:s7+$0x470] =	vst v3;
	v40 =	vunpack.i.l.bf16.f32 v2;
	v2 =	vunpack.i.u.bf16.f32 v2;
	v4 =	vld [tilespmem:s21+$0x60]  }
0x353: {  	[tilespmem:s24+$0x460] =	vst v2;
	v2 =	vld.idx.msk [tilespmem:v36+s17+$0x0], $0xffff  }
0x354: {  	v60 =	vunpack.i.u.bf16.f32 v53;
	[tilespmem:s24+$0x60] =	vst v40;
	v3 =	vld.idx.msk [tilespmem:v33+s17+$0x0], $0xffff  }
0x355: {  	[tilespmem:s11+$0x470] =	vst v60;
	v43 =	vld [tilespmem:s15+$0x70]  }
0x356: {  	[tilespmem:s3+$0x70] =	vst v13;
	v44 =	vunpack.i.l.bf16.f32 v38;
	v8 =	vld.idx.msk [tilespmem:v8+s17+$0x0], $0xffff  }
0x357: {  	v5 =	vunpack.i.u.bf16.f32 v38;
	[tilespmem:s14+$0x60] =	vst v44  }
0x358: {  	v50 =	vld.idx.msk [tilespmem:v41+s17+$0x0], $0xffff;
	[tilespmem:s14+$0x460] =	vst v5;
	v48 =	vunpack.i.l.bf16.f32 v2  }
0x359: {  	v49 =	vld [tilespmem:s13+$0x70];
	[tilespmem:s8+$0x60] =	vst v48;
	v45 =	vunpack.i.l.bf16.f32 v3;
	v3 =	vunpack.i.u.bf16.f32 v3  }
0x35a: {  	v2 =	vunpack.i.u.bf16.f32 v2;
	[tilespmem:s6+$0x460] =	vst v3;
	v3 =	vld.idx.msk [tilespmem:v4+s17+$0x0], $0xffff  }
0x35b: {  	v54 =	vld.idx.msk [tilespmem:v46+s17+$0x0], $0xffff;
	[tilespmem:s8+$0x460] =	vst v2;
	v2 =	vunpack.i.l.bf16.f32 v8  }
0x35c: {  	v51 =	vld [tilespmem:s1+$0x70];
	v8 =	vunpack.i.u.bf16.f32 v8;
	[tilespmem:s2+$0x60] =	vst v2  }
0x35d: {  	v55 =	vunpack.i.l.bf16.f32 v50;
	v2 =	vld.idx.msk [tilespmem:v43+s17+$0x0], $0xffff;
	[tilespmem:s2+$0x460] =	vst v8  }
0x35e: {  	[tilespmem:s29+$0x70] =	vst v55;
	v53 =	vld [tilespmem:s23+$0x70]  }
0x35f: {  	[tilespmem:s6+$0x60] =	vst v45;
	v52 =	vunpack.i.l.bf16.f32 v3  }
0x360: {  	v47 =	vld [tilespmem:s22+$0x70];
	v3 =	vunpack.i.u.bf16.f32 v3;
	[tilespmem:s20+$0x60] =	vst v52  }
0x361: {  	v58 =	vunpack.i.u.bf16.f32 v54;
	v57 =	vld.idx.msk [tilespmem:v49+s17+$0x0], $0xffff;
	[tilespmem:s20+$0x460] =	vst v3  }
0x362: {  	[tilespmem:s0+$0x470] =	vst v58;
	v56 =	vunpack.i.u.bf16.f32 v2;
	v2 =	vunpack.i.l.bf16.f32 v2;
	v3 =	vld [tilespmem:s21+$0x70]  }
0x363: {  	[tilespmem:s24+$0x70] =	vst v2;
	v2 =	vunpack.i.l.bf16.f32 v54  }
0x364: {  	v6 =	vunpack.i.l.bf16.f32 v34;
	[tilespmem:s0+$0x70] =	vst v2;
	v2 =	vld.idx.msk [tilespmem:v51+s17+$0x0], $0xffff  }
0x365: {  	[tilespmem:s7+$0x70] =	vst v6;
	v5 =	vunpack.i.u.bf16.f32 v50  }
0x366: {  	[tilespmem:s29+$0x470] =	vst v5;
	v61 =	vunpack.i.l.bf16.f32 v57;
	v60 =	vld.idx.msk [tilespmem:v53+s17+$0x0], $0xffff  }
0x367: {  	v5 =	vunpack.i.u.bf16.f32 v57;
	[tilespmem:s14+$0x70] =	vst v61  }
0x368: {  	[tilespmem:s14+$0x470] =	vst v5;
	v4 =	vld.idx.msk [tilespmem:v47+s17+$0x0], $0xffff  }
0x369: {  	[tilespmem:s24+$0x470] =	vst v56;
	v62 =	vunpack.i.l.bf16.f32 v2  }
0x36a: {  	v2 =	vunpack.i.u.bf16.f32 v2;
	[tilespmem:s8+$0x70] =	vst v62;
	v3 =	vld.idx.msk [tilespmem:v3+s17+$0x0], $0xffff  }
0x36b: {  	[tilespmem:s8+$0x470] =	vst v2;
	v2 =	vunpack.i.l.bf16.f32 v60  }
0x36c: {  	v63 =	vunpack.i.u.bf16.f32 v60;
	[tilespmem:s2+$0x70] =	vst v2  }
0x36d: {  	[tilespmem:s2+$0x470] =	vst v63;
	v59 =	vunpack.i.u.bf16.f32 v4  }
0x36e: {  	v4 =	vunpack.i.l.bf16.f32 v4;
	[tilespmem:s6+$0x470] =	vst v59  }
0x36f: {  	[tilespmem:s6+$0x70] =	vst v4;
	v2 =	vunpack.i.l.bf16.f32 v3  }
0x370: {  	v3 =	vunpack.i.u.bf16.f32 v3;
	[tilespmem:s20+$0x70] =	vst v2  }
0x371: {  	[tilespmem:s20+$0x470] =	vst v3  }
0x372: {  	s12 =	rddreg [dreg:$0xc]  }
0x373: {  	p0 =	sne.s32 s12, $0x4  }
.Ltmp7:
0x374: {  	_ = 	snop;
	(pc) =	sbr.rel @p0 .LBB2_8-.Ltmp7, $4  }
0x375: {  	s0 =	rddreg [dreg:$0x9]  }
0x376: {  	s31 =	simm.s32 $0x17700;
	s30 =	simm.s32 $0x40000;
	s28 =	rddreg [dreg:$0xd]  }
0x377: {  	s29 =	simm.s32 $0x800;
	s25 =	rddreg [dreg:$0x4];
	s0 =	sadd.s32 s28, s0  }
0x378: {  	[hbm4b:s0+s29] =	stream.strided.scatter [tilespmem:s31], [sflag:$0x2], $0x6000, s30, s29, $0x38;
	[tilespmem:$0x1D700] =	vst v63  }
0x379: {  	s0 =	simm.s32 $0x1  }
0x37a: {  	_ =	swait.ge [sflag:s0], $0x6800  }
0x37b: {  	[sflag:s0] =	ssyncset.done $0x0  }
0x37c: {  	s1 =	simm.s32 $0x2;
	[sflag:s0] =	ssyncadd.s32 $0xFFFF9800  }
0x37d: {  	_ =	swait.ge [sflag:s1], $0x6000  }
0x37e: {  	s2 =	rddreg [dreg:$0xb]  }
0x37f: {  	s31 =	rddreg [dreg:$0xa];
	s2 =	sadd.s32 $0x1, s2  }
0x380: {  	p0 =	sne.s32 s2, s31  }
.Ltmp8:
0x381: {  	_ = 	snop;
	(pc) =	sbr.rel @p0 .LBB2_1-.Ltmp8, $3  }
0x382: {  	_ =	sdelay $0x1  }
0x383: {  	[sflag:s1] =	ssyncset.done $0x0  }
0x384: {  	s7 =	simm.s32 $0x0;
	[sflag:s1] =	ssyncadd.s32 $0xFFFFA000  }
0x385: {  	_ =	sfence.sel $0x180000  }
0x386: {  	[bflag:$0x0] =	sbarrier.arrive $0xFFFF  }
0x387: {  	_ =	strace $0x90000047  }
0x388: {  	s0 =	stileid.u32;
	[bflag:$0x2] =	sbarrier.arrive $0xFFFF  }
0x389: {  	p0 =	sne.s32 s0, $0x0;
	s0 =	rddreg [dreg:$0x3]  }
0x38a: {  	s0 =	sadd.s32 @!p0 $0x100000, s0  }
0x38b: {  	[sflag:s0] =	ssyncadd.tile.s32 @!p0 $0x1;
	_ =	shalt  }
.Lfunc_end2:
_tile_overlayer_lowered:
.L_overlay_start_2:
0x38c: {  	(tag) =	ssettag $0x2  }
0x38d: {  	s0 =	rddreg [dreg:$0x0];
	s2 =	stileid.u32  }
0x38e: {  	s1 =	rddreg [dreg:$0x1];
	p0 =	sne.s32 s2, $0x0  }
0x38f: {  	s3 =	rddreg [dreg:$0x2];
	[bflag:$0x3] =	sbarrier.arrive $0xFFFF;
	s2 =	simm.s32 @!p0 $0x1C04  }
0x390: {  	[timem:s3], [sflag:s2] =	dma.local @!p0 [hbm:s0], s1  }
0x391: {  	s0 =	simm.s32 @!p0 $0x4  }
0x392: {  	_ =	swait.ge @!p0 [sflag:s0], s1  }
0x393: {  	s1 =	ssub.s32 @!p0 $0x0, s1;
	[sflag:s0] =	ssyncset.done @!p0 $0x0  }
0x394: {  	[sflag:s0] =	ssyncadd.s32 @!p0 s1  }
0x395: {  	[bflag:$0x3] =	sbarrier.arrive $0xFFFF  }
0x396: {  	_ =	shalt  }

</sc_bundles>
